<compile_context>
chip_gen: v7x
topology: tpu7x:2x2x1
jax: 0.10.2.dev20260603
libtpu: 0.0.44.dev20260713+nightly
codegen_flags: <defaults>
</compile_context>

<pallas_src>
import functools

import jax
import jax.numpy as jnp
from jax import lax
from jax.experimental import pallas as pl
from jax.experimental.pallas import tpu as pltpu
from jax.experimental.pallas import tpu_sc as plsc

N = 10000
E = 160000
D_IN = 32
D_EDGE = 16
HIDDEN = 16
NUM_GRAPHS = 64
NUM_CLASSES = 8

NC = 2
NS = 16
NW = NC * NS
CHUNK = 128
IDX_C = 20
GCH = 640
IDX_G = 4
E_PER_W = IDX_C * CHUNK
E_HALF = NW * E_PER_W
E_PAD = 2 * E_HALF
N_PAD = 10240
RPT = N_PAD // NS

_mesh_cache = []


def _mesh():
    if not _mesh_cache:
        _mesh_cache.append(plsc.VectorSubcoreMesh(
            core_axis_name="c", subcore_axis_name="s",
            num_cores=NC, num_subcores=NS))
    return _mesh_cache[0]

_f32 = jnp.float32






def _sc_gather_rows(tab, src3, d):

    @functools.partial(
        pl.kernel,
        out_type=jax.ShapeDtypeStruct((E_HALF, d), _f32),
        mesh=_mesh(),
        compiler_params=pltpu.CompilerParams(use_tc_tiling_on_sc=False),
        scratch_types=[
            pltpu.VMEM((IDX_G, GCH), jnp.int32),
            pltpu.VMEM((GCH, d), _f32),
            pltpu.SemaphoreType.DMA,
        ],
    )
    def body(tab_hbm, src_hbm, out_hbm, src_v, rows_v, sem):
        c = lax.axis_index("c")
        s = lax.axis_index("s")
        wid = s * NC + c
        base = pl.multiple_of(wid * E_PER_W, 8)
        pltpu.sync_copy(src_hbm.at[wid], src_v)

        def gbody(j, carry):
            off = pl.multiple_of(base + j * GCH, 8)
            pltpu.async_copy(tab_hbm.at[src_v.at[j]], rows_v, sem).wait()
            pltpu.sync_copy(rows_v, out_hbm.at[pl.ds(off, GCH)])
            return carry

        lax.fori_loop(0, IDX_G, gbody, 0)

    return body(tab, src3)


def _sc_scatter(msg, dst3, zeros_s):

    @functools.partial(
        pl.kernel,
        out_type=jax.ShapeDtypeStruct((NC, N_PAD, HIDDEN), _f32),
        mesh=_mesh(),
        compiler_params=pltpu.CompilerParams(use_tc_tiling_on_sc=False),
        scratch_types=[
            pltpu.VMEM((IDX_C, CHUNK), jnp.int32),
            pltpu.VMEM((CHUNK, HIDDEN), _f32),
            pltpu.VMEM_SHARED((N_PAD, HIDDEN), _f32),
        ],
    )
    def body(msg_hbm, dst_hbm, zeros_hbm, out_hbm, dst_v, msg_v, acc):
        c = lax.axis_index("c")
        s = lax.axis_index("s")
        wid = s * NC + c
        base = pl.multiple_of(wid * E_PER_W, 8)
        pltpu.sync_copy(dst_hbm.at[wid], dst_v)
        pltpu.sync_copy(zeros_hbm, acc.at[pl.ds(s * RPT, RPT)])
        plsc.subcore_barrier()

        def sbody(j, carry):
            off = pl.multiple_of(base + j * CHUNK, 8)
            pltpu.sync_copy(msg_hbm.at[pl.ds(off, CHUNK)], msg_v)
            pltpu.sync_copy(msg_v, acc.at[dst_v.at[j]], add=True)
            return carry

        lax.fori_loop(0, IDX_C, sbody, 0)
        plsc.subcore_barrier()
        pltpu.sync_copy(acc.at[pl.ds(s * RPT, RPT)],
                        out_hbm.at[c, pl.ds(s * RPT, RPT)])

    return body(msg, dst3, zeros_s)


def _sc_scatter_count(msg, dst3, ones_c, zeros_s):

    @functools.partial(
        pl.kernel,
        out_type=[
            jax.ShapeDtypeStruct((NC, N_PAD, HIDDEN), _f32),
            jax.ShapeDtypeStruct((NC, N_PAD, HIDDEN), _f32),
        ],
        mesh=_mesh(),
        compiler_params=pltpu.CompilerParams(use_tc_tiling_on_sc=False),
        scratch_types=[
            pltpu.VMEM((IDX_C, CHUNK), jnp.int32),
            pltpu.VMEM((CHUNK, HIDDEN), _f32),
            pltpu.VMEM((CHUNK, HIDDEN), _f32),
            pltpu.VMEM_SHARED((N_PAD, HIDDEN), _f32),
            pltpu.VMEM_SHARED((N_PAD, HIDDEN), _f32),
        ],
    )
    def body(msg_hbm, dst_hbm, ones_hbm, zeros_hbm, out_hbm, cnt_hbm,
             dst_v, msg_v, ones_v, acc, cacc):
        c = lax.axis_index("c")
        s = lax.axis_index("s")
        wid = s * NC + c
        base = pl.multiple_of(wid * E_PER_W, 8)
        pltpu.sync_copy(dst_hbm.at[wid], dst_v)
        pltpu.sync_copy(ones_hbm, ones_v)
        pltpu.sync_copy(zeros_hbm, acc.at[pl.ds(s * RPT, RPT)])
        pltpu.sync_copy(zeros_hbm, cacc.at[pl.ds(s * RPT, RPT)])
        plsc.subcore_barrier()

        def sbody(j, carry):
            off = pl.multiple_of(base + j * CHUNK, 8)
            pltpu.sync_copy(msg_hbm.at[pl.ds(off, CHUNK)], msg_v)
            pltpu.sync_copy(msg_v, acc.at[dst_v.at[j]], add=True)
            pltpu.sync_copy(ones_v, cacc.at[dst_v.at[j]], add=True)
            return carry

        lax.fori_loop(0, IDX_C, sbody, 0)
        plsc.subcore_barrier()
        pltpu.sync_copy(acc.at[pl.ds(s * RPT, RPT)],
                        out_hbm.at[c, pl.ds(s * RPT, RPT)])
        pltpu.sync_copy(cacc.at[pl.ds(s * RPT, RPT)],
                        cnt_hbm.at[c, pl.ds(s * RPT, RPT)])

    return body(msg, dst3, ones_c, zeros_s)



_BE = 2048
_B4 = _BE // 4
_B8 = _BE // 8
_EA_LAST = (E // 8) // _B8


_bf16 = jnp.bfloat16


def _edge0_body(ea_ref, xg_ref, pe_ref, po_ref, We_ref, be_ref, R_ref, S_ref,
                out_ref):
    w = jnp.maximum(
        jnp.dot(ea_ref[...], We_ref[...], preferred_element_type=_f32)
        + be_ref[...], 0.0).astype(_bf16)
    xgb = xg_ref[...].astype(_bf16)
    lo = jnp.dot(pe_ref[...], xgb, preferred_element_type=_f32)
    hi = jnp.dot(po_ref[...], xgb, preferred_element_type=_f32)
    xg8 = jnp.concatenate([lo, hi], axis=1).astype(_bf16)
    xr = jnp.dot(xg8, R_ref[...], preferred_element_type=_f32).astype(_bf16)
    out_ref[...] = jnp.dot(xr * w, S_ref[...], preferred_element_type=_f32)


def _edge1_body(ea_ref, hg_ref, We_ref, be_ref, R_ref, S_ref, out_ref):
    w = jnp.maximum(
        jnp.dot(ea_ref[...], We_ref[...], preferred_element_type=_f32)
        + be_ref[...], 0.0).astype(_bf16)
    xr = jnp.dot(hg_ref[...].astype(_bf16), R_ref[...],
                 preferred_element_type=_f32).astype(_bf16)
    out_ref[...] = jnp.dot(xr * w, S_ref[...], preferred_element_type=_f32)


def _bcast_spec(arr):
    return pl.BlockSpec(arr.shape, lambda i: tuple(0 for _ in arr.shape))


def _edge_conv0(ea8, xg4, pe, po, We8, be8, R8, S8, off):
    n_blocks = E_HALF // _BE
    return pl.pallas_call(
        _edge0_body,
        grid=(n_blocks,),
        in_specs=[
            pl.BlockSpec((_B8, 128),
                         lambda i: (jnp.minimum(i + off, _EA_LAST), 0)),
            pl.BlockSpec((_B4, 128), lambda i: (i, 0)),
            _bcast_spec(pe), _bcast_spec(po), _bcast_spec(We8),
            pl.BlockSpec((1, We8.shape[1]), lambda i: (0, 0)),
            _bcast_spec(R8), _bcast_spec(S8),
        ],
        out_specs=pl.BlockSpec((_B8, 128), lambda i: (i, 0)),
        out_shape=jax.ShapeDtypeStruct((E_HALF // 8, 128), _f32),
    )(ea8, xg4, pe, po, We8, be8.reshape(1, -1), R8, S8)


def _edge_conv1(ea8, hg8, We8, be8, R8, S8, off):
    n_blocks = E_HALF // _BE
    return pl.pallas_call(
        _edge1_body,
        grid=(n_blocks,),
        in_specs=[
            pl.BlockSpec((_B8, 128),
                         lambda i: (jnp.minimum(i + off, _EA_LAST), 0)),
            pl.BlockSpec((_B8, 128), lambda i: (i, 0)),
            _bcast_spec(We8),
            pl.BlockSpec((1, We8.shape[1]), lambda i: (0, 0)),
            _bcast_spec(R8), _bcast_spec(S8),
        ],
        out_specs=pl.BlockSpec((_B8, 128), lambda i: (i, 0)),
        out_shape=jax.ShapeDtypeStruct((E_HALF // 8, 128), _f32),
    )(ea8, hg8, We8, be8.reshape(1, -1), R8, S8)


_NP8 = N_PAD // 8


def _upd_body(sa0, sa1, sb0, sb1, ca0, ca1, cb0, cb1,
              x8_ref, root8_ref, b_ref, out_ref):
    cnt = jnp.maximum(ca0[...] + ca1[...] + cb0[...] + cb1[...], 1.0)
    agg = (sa0[...] + sa1[...] + sb0[...] + sb1[...]) / cnt
    out_ref[...] = agg + jnp.dot(
        x8_ref[...], root8_ref[...], preferred_element_type=_f32) + b_ref[...]


def _node_update(s_parts, c_parts, x8, root8, bias8):
    sp = [p.reshape(NC, _NP8, 128) for p in s_parts]
    cp = [p.reshape(NC, _NP8, 128) for p in c_parts]
    return pl.pallas_call(
        _upd_body,
        out_shape=jax.ShapeDtypeStruct((_NP8, 128), _f32),
    )(sp[0][0], sp[0][1], sp[1][0], sp[1][1],
      cp[0][0], cp[0][1], cp[1][0], cp[1][1],
      x8, root8, bias8.reshape(1, 128))


def _final_body(sa0, sa1, sb0, sb1, ca0, ca1, cb0, cb1, h8_ref, root8_ref,
                b_ref, btT_ref, fc0W_ref, fc0b_ref, fc1W_ref, fc1b_ref,
                out_ref):
    cnt = jnp.maximum(ca0[...] + ca1[...] + cb0[...] + cb1[...], 1.0)
    h2 = ((sa0[...] + sa1[...] + sb0[...] + sb1[...]) / cnt
          + jnp.dot(h8_ref[...], root8_ref[...], preferred_element_type=_f32)
          + b_ref[...])
    rmask = lax.broadcasted_iota(jnp.int32, (_NP8, 128), 0) < (N // 8)
    h2 = jnp.where(rmask, h2, 0.0)
    gs = jnp.zeros((NUM_GRAPHS, HIDDEN), _f32)
    gc = jnp.zeros((NUM_GRAPHS, 1), _f32)
    giota = lax.broadcasted_iota(jnp.int32, (NUM_GRAPHS, _NP8), 0)
    for j in range(8):
        ohj = (btT_ref[j:j + 1, :] == giota).astype(_f32)
        gs = gs + jnp.dot(ohj, h2[:, j * HIDDEN:(j + 1) * HIDDEN],
                          preferred_element_type=_f32)
        gc = gc + jnp.sum(ohj, axis=1, keepdims=True)
    p = gs / jnp.maximum(gc, 1.0)
    p = jnp.maximum(
        jnp.dot(p, fc0W_ref[...], preferred_element_type=_f32)
        + fc0b_ref[...], 0.0)
    out_ref[...] = jnp.dot(
        p, fc1W_ref[...], preferred_element_type=_f32) + fc1b_ref[...]


def _final(s_parts, c_parts, h8, root8, bias8, btT,
           fc0W, fc0b, fc1W, fc1b):
    sp = [p.reshape(NC, _NP8, 128) for p in s_parts]
    cp = [p.reshape(NC, _NP8, 128) for p in c_parts]
    return pl.pallas_call(
        _final_body,
        out_shape=jax.ShapeDtypeStruct((NUM_GRAPHS, NUM_CLASSES), _f32),
    )(sp[0][0], sp[0][1], sp[1][0], sp[1][1],
      cp[0][0], cp[0][1], cp[1][0], cp[1][1],
      h8, root8, bias8.reshape(1, 128), btT,
      fc0W, fc0b.reshape(1, HIDDEN), fc1W, fc1b.reshape(1, NUM_CLASSES))



def kernel(x, edge_index, edge_attr, batch, We0, be0, root0, bias0,
           We1, be1, root1, bias1, fc0W, fc0b, fc1W, fc1b):
    src = edge_index[0]
    dst = edge_index[1]
    pad = E_PAD - E
    srcg = jnp.concatenate(
        [src, jnp.zeros((pad,), jnp.int32)]).reshape(2, NW, IDX_G, GCH)
    dst3 = jnp.concatenate(
        [dst, jnp.full((pad,), N, jnp.int32)]).reshape(2, NW, IDX_C, CHUNK)
    ones_c = jnp.ones((CHUNK, HIDDEN), _f32)
    zeros_s = jnp.zeros((RPT, HIDDEN), _f32)
    I8 = jnp.eye(8, dtype=_f32)
    R0 = jnp.kron(jnp.eye(D_IN, dtype=_f32), jnp.ones((1, HIDDEN), _f32))
    S0 = jnp.kron(jnp.ones((D_IN, 1), _f32), jnp.eye(HIDDEN, dtype=_f32))
    R1 = jnp.kron(jnp.eye(HIDDEN, dtype=_f32), jnp.ones((1, HIDDEN), _f32))
    S1 = jnp.kron(jnp.ones((HIDDEN, 1), _f32), jnp.eye(HIDDEN, dtype=_f32))
    We0_8 = jnp.kron(I8, We0).astype(_bf16)
    We1_8 = jnp.kron(I8, We1).astype(_bf16)
    R0_8 = jnp.kron(I8, R0).astype(_bf16)
    R1_8 = jnp.kron(I8, R1).astype(_bf16)
    S0_8 = jnp.kron(I8, S0).astype(_bf16)
    S1_8 = jnp.kron(I8, S1).astype(_bf16)
    be0_8 = jnp.tile(be0, 8)
    be1_8 = jnp.tile(be1, 8)
    ea8 = edge_attr.reshape(E // 8, 128).astype(_bf16)
    pe = jnp.kron(jnp.eye(_B8, dtype=_bf16), jnp.array([[1, 0]], _bf16))
    po = jnp.kron(jnp.eye(_B8, dtype=_bf16), jnp.array([[0, 1]], _bf16))

    x8 = jnp.concatenate(
        [x, jnp.zeros((N_PAD - N, D_IN), _f32)]).reshape(_NP8, 8 * D_IN)
    root0_8 = jnp.kron(I8, root0)
    root1_8 = jnp.kron(I8, root1)
    bias0_8 = jnp.tile(bias0, 8)
    bias1_8 = jnp.tile(bias1, 8)
    btT = jnp.concatenate(
        [batch, jnp.full((N_PAD - N,), NUM_GRAPHS, jnp.int32)]
    ).reshape(_NP8, 8).T

    halves = (0, 1)
    off_b = E_HALF // _BE
    xgs = [_sc_gather_rows(x, srcg[hh], D_IN) for hh in halves]
    msg0 = [_edge_conv0(ea8, xgs[hh].reshape(E_HALF // 4, 128), pe, po,
                        We0_8, be0_8, R0_8, S0_8, hh * off_b)
            for hh in halves]
    sc0 = [_sc_scatter_count(msg0[hh].reshape(E_HALF, HIDDEN), dst3[hh],
                             ones_c, zeros_s) for hh in halves]
    s0_parts = [sc0[0][0], sc0[1][0]]
    cnt_parts = [sc0[0][1], sc0[1][1]]
    h8 = _node_update(s0_parts, cnt_parts, x8, root0_8, bias0_8)
    h_tab = h8.reshape(N_PAD, HIDDEN)
    hgs = [_sc_gather_rows(h_tab, srcg[hh], HIDDEN) for hh in halves]
    msg1 = [_edge_conv1(ea8, hgs[hh].reshape(E_HALF // 8, 128),
                        We1_8, be1_8, R1_8, S1_8, hh * off_b)
            for hh in halves]
    s1_parts = [_sc_scatter(msg1[hh].reshape(E_HALF, HIDDEN), dst3[hh],
                            zeros_s) for hh in halves]
    return _final(s1_parts, cnt_parts, h8, root1_8, bias1_8, btT,
                  fc0W, fc0b, fc1W, fc1b)

# --- scband reference (transcript-rebuilt; emitter-appended) ---
"""Pipeline reference for scband-mp-model-52793738002617 (READ-ONLY COPY).

The authoritative reference and input builder live on the scoring server;
editing this copy changes nothing except your own understanding.
"""

import jax, jax.numpy as jnp
import numpy as np

N = 10000
E = 160000
D_IN = 32
D_EDGE = 16
HIDDEN = 16
NUM_GRAPHS = 64
NUM_CLASSES = 8


def _lin_init(k, fin, fout):
    bound = 1.0 / np.sqrt(fin)
    return jax.random.uniform(k, (fin, fout), jnp.float32, -bound, bound)


def setup_inputs(seed: int = 0):
    key = jax.random.key(seed)
    ks = jax.random.split(key, 12)
    inp = {}
    inp["x"] = jax.random.normal(ks[0], (N, D_IN), dtype=jnp.float32)
    inp["edge_index"] = jax.random.randint(ks[1], (2, E), 0, N, dtype=jnp.int32)
    inp["edge_attr"] = jax.random.normal(ks[2], (E, D_EDGE), dtype=jnp.float32)
    inp["batch"] = jnp.sort(jax.random.randint(ks[3], (N,), 0, NUM_GRAPHS, dtype=jnp.int32))
    # NNConv layer 0: edge MLP (1 layer) maps d_edge -> D_IN*HIDDEN; root weight D_IN x HIDDEN
    inp["We0"] = _lin_init(ks[4], D_EDGE, D_IN * HIDDEN)
    inp["be0"] = jnp.zeros((D_IN * HIDDEN,), jnp.float32)
    inp["root0"] = _lin_init(ks[5], D_IN, HIDDEN)
    inp["bias0"] = jnp.zeros((HIDDEN,), jnp.float32)
    # NNConv layer 1: edge MLP maps d_edge -> HIDDEN*HIDDEN
    inp["We1"] = _lin_init(ks[6], D_EDGE, HIDDEN * HIDDEN)
    inp["be1"] = jnp.zeros((HIDDEN * HIDDEN,), jnp.float32)
    inp["root1"] = _lin_init(ks[7], HIDDEN, HIDDEN)
    inp["bias1"] = jnp.zeros((HIDDEN,), jnp.float32)
    # fully connected head (fcc_in_gnn=2)
    inp["fc0W"] = _lin_init(ks[8], HIDDEN, HIDDEN)
    inp["fc0b"] = jnp.zeros((HIDDEN,), jnp.float32)
    inp["fc1W"] = _lin_init(ks[9], HIDDEN, NUM_CLASSES)
    inp["fc1b"] = jnp.zeros((NUM_CLASSES,), jnp.float32)
    return inp


def _nnconv(x, src, dst, edge_attr, We, be, root, bias, in_ch, out_ch):
    # edge_model: Linear + ReLU, producing a per-edge [in_ch, out_ch] weight matrix
    w = jax.nn.relu(edge_attr @ We + be)
    w = w.reshape(-1, in_ch, out_ch)
    # message: x_j (gathered at source) transformed by per-edge weight
    msg = jnp.einsum('ei,eio->eo', x[src], w)
    # aggr='mean' scatter onto destination nodes
    s = jax.ops.segment_sum(msg, dst, num_segments=N)
    cnt = jax.ops.segment_sum(jnp.ones((msg.shape[0],), msg.dtype), dst, num_segments=N)
    agg = s / jnp.maximum(cnt, 1.0)[:, None]
    # root weight + bias (NNConv defaults)
    return agg + x @ root + bias


def reference(x, edge_index, edge_attr, batch, We0, be0, root0, bias0, We1, be1, root1, bias1, fc0W, fc0b, fc1W, fc1b):
    src = edge_index[0]
    dst = edge_index[1]
    h = _nnconv(x, src, dst, edge_attr, We0, be0, root0, bias0, D_IN, HIDDEN)
    # NOTE: original torch code computes x.relu() between conv layers but never assigns it,
    # so there is no activation between message-passing layers (bug replicated faithfully).
    h = _nnconv(h, src, dst, edge_attr, We1, be1, root1, bias1, HIDDEN, HIDDEN)
    # global_mean_pool over graph batch assignment
    gs = jax.ops.segment_sum(h, batch, num_segments=NUM_GRAPHS)
    gc = jax.ops.segment_sum(jnp.ones((h.shape[0],), h.dtype), batch, num_segments=NUM_GRAPHS)
    p = gs / jnp.maximum(gc, 1.0)[:, None]
    p = jax.nn.relu(p @ fc0W + fc0b)
    return p @ fc1W + fc1b

if __name__ == "__main__":
    import jax
    _d = setup_inputs()
    print(jax.jit(kernel)(*tuple(_d.values())))

</pallas_src>

<mosaic_0001>
#map = affine_map<(d0, d1) -> (0, 0)>
#map1 = affine_map<(d0, d1) -> (0, 0, 0)>
module attributes {stable_mosaic.version = 14 : i64} {
  func.func @body(%arg0: i32, %arg1: i32, %arg2: memref<10000x32xf32, #tpu.memory_space<hbm>>, %arg3: memref<32x4x640xi32, #tpu.memory_space<hbm>>, %arg4: memref<81920x32xf32, #tpu.memory_space<hbm>>, %arg5: memref<4x640xi32, #tpu.memory_space<vmem>>, %arg6: memref<640x32xf32, #tpu.memory_space<vmem>>, %arg7: memref<!tpu.dma_semaphore, #tpu.memory_space<semaphore_mem>>) attributes {dimension_semantics = [#tpu.dimension_semantics<core_parallel>, #tpu.dimension_semantics<subcore_parallel>], iteration_bounds = array<i64: 2, 16>, scalar_prefetch = 0 : i64, scratch_operands = 3 : i64, tpu.core_type = #tpu.core_type<sc_vector_subcore>, window_params = [{transform_indices = #map}, {transform_indices = #map1}, {transform_indices = #map}]} {
    %mul3A = arith.constant 2 : i32
    %mul3A_0 = arith.muli %arg1, %mul3A : i32
    %add3A = arith.addi %mul3A_0, %arg0 : i32
    %mul3A_1 = arith.constant 2560 : i32
    %mul3A_2 = arith.muli %add3A, %mul3A_1 : i32
    %multiple_of3A = tpu.assume_multiple %mul3A_2, 8 : i32
    "tpu.region"() ({
      %run_scoped3A = tpu.sem_alloc : memref<!tpu.dma_semaphore, #tpu.memory_space<semaphore_mem>>
      %dma_start3A = arith.constant 0 : i32
      %dma_start3A_8 = arith.constant 0 : i32
      %dma_start3A_9 = tpu.memref_slice %arg3[%add3A, %dma_start3A, %dma_start3A_8] : memref<32x4x640xi32, #tpu.memory_space<hbm>> -> memref<1x4x640xi32, #tpu.memory_space<hbm>>
      %dma_start3A_10 = tpu.memref_squeeze %dma_start3A_9 : memref<1x4x640xi32, #tpu.memory_space<hbm>> -> memref<4x640xi32, #tpu.memory_space<hbm>>
      %dma_start3A_11 = arith.constant 0 : i32
      %dma_start3A_12 = arith.constant 0 : i32
      %dma_start3A_13 = tpu.memref_slice %arg3[%add3A, %dma_start3A_11, %dma_start3A_12] : memref<32x4x640xi32, #tpu.memory_space<hbm>> -> memref<1x4x640xi32, #tpu.memory_space<hbm>>
      %dma_start3A_14 = tpu.memref_squeeze %dma_start3A_13 : memref<1x4x640xi32, #tpu.memory_space<hbm>> -> memref<4x640xi32, #tpu.memory_space<hbm>>
      tpu.enqueue_dma source(%dma_start3A_14 : memref<4x640xi32, #tpu.memory_space<hbm>>) target(%arg5 : memref<4x640xi32, #tpu.memory_space<vmem>>) target_semaphore(%run_scoped3A : memref<!tpu.dma_semaphore, #tpu.memory_space<semaphore_mem>>)
      %dma_wait3A = arith.constant 0 : i32
      %dma_wait3A_15 = arith.constant 0 : i32
      %dma_wait3A_16 = tpu.memref_slice %arg3[%add3A, %dma_wait3A, %dma_wait3A_15] : memref<32x4x640xi32, #tpu.memory_space<hbm>> -> memref<1x4x640xi32, #tpu.memory_space<hbm>>
      %dma_wait3A_17 = tpu.memref_squeeze %dma_wait3A_16 : memref<1x4x640xi32, #tpu.memory_space<hbm>> -> memref<4x640xi32, #tpu.memory_space<hbm>>
      %dma_wait3A_18 = arith.constant 0 : i32
      %dma_wait3A_19 = arith.constant 0 : i32
      %dma_wait3A_20 = tpu.memref_slice %arg3[%add3A, %dma_wait3A_18, %dma_wait3A_19] : memref<32x4x640xi32, #tpu.memory_space<hbm>> -> memref<1x4x640xi32, #tpu.memory_space<hbm>>
      %dma_wait3A_21 = tpu.memref_squeeze %dma_wait3A_20 : memref<1x4x640xi32, #tpu.memory_space<hbm>> -> memref<4x640xi32, #tpu.memory_space<hbm>>
      tpu.wait_dma2 semaphore(%run_scoped3A : memref<!tpu.dma_semaphore, #tpu.memory_space<semaphore_mem>>) src(%dma_wait3A_21 : memref<4x640xi32, #tpu.memory_space<hbm>>) dst(%arg5 : memref<4x640xi32, #tpu.memory_space<vmem>>)
      tpu.yield
    }) : () -> ()
    %scan3A = arith.constant 0 : i32
    %scan3A_3 = arith.constant 0 : i32
    %scan3A_4 = arith.constant 4 : i32
    %scan3A_5 = arith.addi %scan3A_3, %scan3A_4 : i32
    %scan3A_6 = arith.constant 1 : i32
    scf.for %scan3A_8 = %scan3A_3 to %scan3A_5 step %scan3A_6  : i32 {
      %mul3A_9 = arith.constant 640 : i32
      %mul3A_10 = arith.muli %scan3A_8, %mul3A_9 : i32
      %add3A_11 = arith.addi %multiple_of3A, %mul3A_10 : i32
      %multiple_of3A_12 = tpu.assume_multiple %add3A_11, 8 : i32
      %dma_start3A = arith.constant 0 : i32
      %dma_start3A_13 = tpu.memref_slice %arg5[%scan3A_8, %dma_start3A] : memref<4x640xi32, #tpu.memory_space<vmem>> -> memref<1x640xi32, #tpu.memory_space<vmem>>
      %dma_start3A_14 = tpu.memref_squeeze %dma_start3A_13 : memref<1x640xi32, #tpu.memory_space<vmem>> -> memref<640xi32, #tpu.memory_space<vmem>>
      %dma_start3A_15 = arith.constant 0 : i32
      %dma_start3A_16 = arith.constant 0 : i32
      %dma_start3A_17 = tpu.memref_slice %arg2[%dma_start3A_15, %dma_start3A_16] : memref<10000x32xf32, #tpu.memory_space<hbm>> -> memref<10000x32xf32, #tpu.memory_space<hbm>>
      tpu.enqueue_indirect_dma source(%dma_start3A_17 : memref<10000x32xf32, #tpu.memory_space<hbm>>) target(%arg6 : memref<640x32xf32, #tpu.memory_space<vmem>>) offsets(%dma_start3A_14 : memref<640xi32, #tpu.memory_space<vmem>>) semaphore(%arg7 : memref<!tpu.dma_semaphore, #tpu.memory_space<semaphore_mem>>)
      %dma_wait3A = arith.constant 0 : i32
      %dma_wait3A_18 = tpu.memref_slice %arg5[%scan3A_8, %dma_wait3A] : memref<4x640xi32, #tpu.memory_space<vmem>> -> memref<1x640xi32, #tpu.memory_space<vmem>>
      %dma_wait3A_19 = tpu.memref_squeeze %dma_wait3A_18 : memref<1x640xi32, #tpu.memory_space<vmem>> -> memref<640xi32, #tpu.memory_space<vmem>>
      %dma_wait3A_20 = arith.constant 0 : i32
      %dma_wait3A_21 = arith.constant 0 : i32
      %dma_wait3A_22 = tpu.memref_slice %arg2[%dma_wait3A_20, %dma_wait3A_21] : memref<10000x32xf32, #tpu.memory_space<hbm>> -> memref<10000x32xf32, #tpu.memory_space<hbm>>
      tpu.wait_indirect_dma semaphore(%arg7 : memref<!tpu.dma_semaphore, #tpu.memory_space<semaphore_mem>>) src(%dma_wait3A_22 : memref<10000x32xf32, #tpu.memory_space<hbm>>) dst(%arg6 : memref<640x32xf32, #tpu.memory_space<vmem>>)
      "tpu.region"() ({
        %run_scoped3A = tpu.sem_alloc : memref<!tpu.dma_semaphore, #tpu.memory_space<semaphore_mem>>
        %dma_start3A_23 = arith.constant 0 : i32
        %dma_start3A_24 = tpu.memref_slice %arg4[%multiple_of3A_12, %dma_start3A_23] : memref<81920x32xf32, #tpu.memory_space<hbm>> -> memref<640x32xf32, #tpu.memory_space<hbm>>
        %dma_start3A_25 = arith.constant 0 : i32
        %dma_start3A_26 = tpu.memref_slice %arg4[%multiple_of3A_12, %dma_start3A_25] : memref<81920x32xf32, #tpu.memory_space<hbm>> -> memref<640x32xf32, #tpu.memory_space<hbm>>
        tpu.enqueue_dma source(%arg6 : memref<640x32xf32, #tpu.memory_space<vmem>>) target(%dma_start3A_26 : memref<640x32xf32, #tpu.memory_space<hbm>>) target_semaphore(%run_scoped3A : memref<!tpu.dma_semaphore, #tpu.memory_space<semaphore_mem>>)
        %dma_wait3A_27 = arith.constant 0 : i32
        %dma_wait3A_28 = tpu.memref_slice %arg4[%multiple_of3A_12, %dma_wait3A_27] : memref<81920x32xf32, #tpu.memory_space<hbm>> -> memref<640x32xf32, #tpu.memory_space<hbm>>
        %dma_wait3A_29 = arith.constant 0 : i32
        %dma_wait3A_30 = tpu.memref_slice %arg4[%multiple_of3A_12, %dma_wait3A_29] : memref<81920x32xf32, #tpu.memory_space<hbm>> -> memref<640x32xf32, #tpu.memory_space<hbm>>
        tpu.wait_dma2 semaphore(%run_scoped3A : memref<!tpu.dma_semaphore, #tpu.memory_space<semaphore_mem>>) src(%arg6 : memref<640x32xf32, #tpu.memory_space<vmem>>) dst(%dma_wait3A_30 : memref<640x32xf32, #tpu.memory_space<hbm>>)
        tpu.yield
      }) : () -> ()
    }
    %scan3A_7 = arith.constant 4 : i32
    return
  }
}

#map = affine_map<(d0, d1) -> (0, 0)>
#map1 = affine_map<(d0, d1) -> (0, 0, 0)>
module attributes {stable_mosaic.version = 14 : i64} {
  func.func @body(%arg0: i32, %arg1: i32, %arg2: memref<81920x16xf32, #tpu.memory_space<hbm>>, %arg3: memref<32x20x128xi32, #tpu.memory_space<hbm>>, %arg4: memref<128x16xf32, #tpu.memory_space<hbm>>, %arg5: memref<640x16xf32, #tpu.memory_space<hbm>>, %arg6: memref<2x10240x16xf32, #tpu.memory_space<hbm>>, %arg7: memref<2x10240x16xf32, #tpu.memory_space<hbm>>, %arg8: memref<20x128xi32, #tpu.memory_space<vmem>>, %arg9: memref<128x16xf32, #tpu.memory_space<vmem>>, %arg10: memref<128x16xf32, #tpu.memory_space<vmem>>, %arg11: memref<10240x16xf32, #tpu.memory_space<vmem_shared>>, %arg12: memref<10240x16xf32, #tpu.memory_space<vmem_shared>>) attributes {dimension_semantics = [#tpu.dimension_semantics<core_parallel>, #tpu.dimension_semantics<subcore_parallel>], iteration_bounds = array<i64: 2, 16>, scalar_prefetch = 0 : i64, scratch_operands = 5 : i64, tpu.core_type = #tpu.core_type<sc_vector_subcore>, window_params = [{transform_indices = #map}, {transform_indices = #map1}, {transform_indices = #map}, {transform_indices = #map}, {transform_indices = #map1}, {transform_indices = #map1}]} {
    %mul3A = arith.constant 2 : i32
    %mul3A_0 = arith.muli %arg1, %mul3A : i32
    %add3A = arith.addi %mul3A_0, %arg0 : i32
    %mul3A_1 = arith.constant 2560 : i32
    %mul3A_2 = arith.muli %add3A, %mul3A_1 : i32
    %multiple_of3A = tpu.assume_multiple %mul3A_2, 8 : i32
    "tpu.region"() ({
      %run_scoped3A = tpu.sem_alloc : memref<!tpu.dma_semaphore, #tpu.memory_space<semaphore_mem>>
      %dma_start3A = arith.constant 0 : i32
      %dma_start3A_21 = arith.constant 0 : i32
      %dma_start3A_22 = tpu.memref_slice %arg3[%add3A, %dma_start3A, %dma_start3A_21] : memref<32x20x128xi32, #tpu.memory_space<hbm>> -> memref<1x20x128xi32, #tpu.memory_space<hbm>>
      %dma_start3A_23 = tpu.memref_squeeze %dma_start3A_22 : memref<1x20x128xi32, #tpu.memory_space<hbm>> -> memref<20x128xi32, #tpu.memory_space<hbm>>
      %dma_start3A_24 = arith.constant 0 : i32
      %dma_start3A_25 = arith.constant 0 : i32
      %dma_start3A_26 = tpu.memref_slice %arg3[%add3A, %dma_start3A_24, %dma_start3A_25] : memref<32x20x128xi32, #tpu.memory_space<hbm>> -> memref<1x20x128xi32, #tpu.memory_space<hbm>>
      %dma_start3A_27 = tpu.memref_squeeze %dma_start3A_26 : memref<1x20x128xi32, #tpu.memory_space<hbm>> -> memref<20x128xi32, #tpu.memory_space<hbm>>
      tpu.enqueue_dma source(%dma_start3A_27 : memref<20x128xi32, #tpu.memory_space<hbm>>) target(%arg8 : memref<20x128xi32, #tpu.memory_space<vmem>>) target_semaphore(%run_scoped3A : memref<!tpu.dma_semaphore, #tpu.memory_space<semaphore_mem>>)
      %dma_wait3A = arith.constant 0 : i32
      %dma_wait3A_28 = arith.constant 0 : i32
      %dma_wait3A_29 = tpu.memref_slice %arg3[%add3A, %dma_wait3A, %dma_wait3A_28] : memref<32x20x128xi32, #tpu.memory_space<hbm>> -> memref<1x20x128xi32, #tpu.memory_space<hbm>>
      %dma_wait3A_30 = tpu.memref_squeeze %dma_wait3A_29 : memref<1x20x128xi32, #tpu.memory_space<hbm>> -> memref<20x128xi32, #tpu.memory_space<hbm>>
      %dma_wait3A_31 = arith.constant 0 : i32
      %dma_wait3A_32 = arith.constant 0 : i32
      %dma_wait3A_33 = tpu.memref_slice %arg3[%add3A, %dma_wait3A_31, %dma_wait3A_32] : memref<32x20x128xi32, #tpu.memory_space<hbm>> -> memref<1x20x128xi32, #tpu.memory_space<hbm>>
      %dma_wait3A_34 = tpu.memref_squeeze %dma_wait3A_33 : memref<1x20x128xi32, #tpu.memory_space<hbm>> -> memref<20x128xi32, #tpu.memory_space<hbm>>
      tpu.wait_dma2 semaphore(%run_scoped3A : memref<!tpu.dma_semaphore, #tpu.memory_space<semaphore_mem>>) src(%dma_wait3A_34 : memref<20x128xi32, #tpu.memory_space<hbm>>) dst(%arg8 : memref<20x128xi32, #tpu.memory_space<vmem>>)
      tpu.yield
    }) : () -> ()
    "tpu.region"() ({
      %run_scoped3A = tpu.sem_alloc : memref<!tpu.dma_semaphore, #tpu.memory_space<semaphore_mem>>
      tpu.enqueue_dma source(%arg4 : memref<128x16xf32, #tpu.memory_space<hbm>>) target(%arg10 : memref<128x16xf32, #tpu.memory_space<vmem>>) target_semaphore(%run_scoped3A : memref<!tpu.dma_semaphore, #tpu.memory_space<semaphore_mem>>)
      tpu.wait_dma2 semaphore(%run_scoped3A : memref<!tpu.dma_semaphore, #tpu.memory_space<semaphore_mem>>) src(%arg4 : memref<128x16xf32, #tpu.memory_space<hbm>>) dst(%arg10 : memref<128x16xf32, #tpu.memory_space<vmem>>)
      tpu.yield
    }) : () -> ()
    %mul3A_3 = arith.constant 640 : i32
    %mul3A_4 = arith.muli %arg1, %mul3A_3 : i32
    "tpu.region"() ({
      %run_scoped3A = tpu.sem_alloc : memref<!tpu.dma_semaphore, #tpu.memory_space<semaphore_mem>>
      %dma_start3A = arith.constant 0 : i32
      %dma_start3A_21 = tpu.memref_slice %arg11[%mul3A_4, %dma_start3A] : memref<10240x16xf32, #tpu.memory_space<vmem_shared>> -> memref<640x16xf32, #tpu.memory_space<vmem_shared>>
      tpu.enqueue_dma source(%arg5 : memref<640x16xf32, #tpu.memory_space<hbm>>) target(%dma_start3A_21 : memref<640x16xf32, #tpu.memory_space<vmem_shared>>) target_semaphore(%run_scoped3A : memref<!tpu.dma_semaphore, #tpu.memory_space<semaphore_mem>>)
      %dma_wait3A = arith.constant 0 : i32
      %dma_wait3A_22 = tpu.memref_slice %arg11[%mul3A_4, %dma_wait3A] : memref<10240x16xf32, #tpu.memory_space<vmem_shared>> -> memref<640x16xf32, #tpu.memory_space<vmem_shared>>
      tpu.wait_dma2 semaphore(%run_scoped3A : memref<!tpu.dma_semaphore, #tpu.memory_space<semaphore_mem>>) src(%arg5 : memref<640x16xf32, #tpu.memory_space<hbm>>) dst(%dma_wait3A_22 : memref<640x16xf32, #tpu.memory_space<vmem_shared>>)
      tpu.yield
    }) : () -> ()
    %mul3A_5 = arith.constant 640 : i32
    %mul3A_6 = arith.muli %arg1, %mul3A_5 : i32
    "tpu.region"() ({
      %run_scoped3A = tpu.sem_alloc : memref<!tpu.dma_semaphore, #tpu.memory_space<semaphore_mem>>
      %dma_start3A = arith.constant 0 : i32
      %dma_start3A_21 = tpu.memref_slice %arg12[%mul3A_6, %dma_start3A] : memref<10240x16xf32, #tpu.memory_space<vmem_shared>> -> memref<640x16xf32, #tpu.memory_space<vmem_shared>>
      tpu.enqueue_dma source(%arg5 : memref<640x16xf32, #tpu.memory_space<hbm>>) target(%dma_start3A_21 : memref<640x16xf32, #tpu.memory_space<vmem_shared>>) target_semaphore(%run_scoped3A : memref<!tpu.dma_semaphore, #tpu.memory_space<semaphore_mem>>)
      %dma_wait3A = arith.constant 0 : i32
      %dma_wait3A_22 = tpu.memref_slice %arg12[%mul3A_6, %dma_wait3A] : memref<10240x16xf32, #tpu.memory_space<vmem_shared>> -> memref<640x16xf32, #tpu.memory_space<vmem_shared>>
      tpu.wait_dma2 semaphore(%run_scoped3A : memref<!tpu.dma_semaphore, #tpu.memory_space<semaphore_mem>>) src(%arg5 : memref<640x16xf32, #tpu.memory_space<hbm>>) dst(%dma_wait3A_22 : memref<640x16xf32, #tpu.memory_space<vmem_shared>>)
      tpu.yield
    }) : () -> ()
    %barrier3A = arith.constant 0 : index
    tpu.barrier barrier_id(%barrier3A)
    %scan3A = arith.constant 0 : i32
    %scan3A_7 = arith.constant 0 : i32
    %scan3A_8 = arith.constant 20 : i32
    %scan3A_9 = arith.addi %scan3A_7, %scan3A_8 : i32
    %scan3A_10 = arith.constant 1 : i32
    scf.for %scan3A_21 = %scan3A_7 to %scan3A_9 step %scan3A_10  : i32 {
      %mul3A_22 = arith.constant 128 : i32
      %mul3A_23 = arith.muli %scan3A_21, %mul3A_22 : i32
      %add3A_24 = arith.addi %multiple_of3A, %mul3A_23 : i32
      %multiple_of3A_25 = tpu.assume_multiple %add3A_24, 8 : i32
      "tpu.region"() ({
        %run_scoped3A = tpu.sem_alloc : memref<!tpu.dma_semaphore, #tpu.memory_space<semaphore_mem>>
        %dma_start3A = arith.constant 0 : i32
        %dma_start3A_26 = tpu.memref_slice %arg2[%multiple_of3A_25, %dma_start3A] : memref<81920x16xf32, #tpu.memory_space<hbm>> -> memref<128x16xf32, #tpu.memory_space<hbm>>
        %dma_start3A_27 = arith.constant 0 : i32
        %dma_start3A_28 = tpu.memref_slice %arg2[%multiple_of3A_25, %dma_start3A_27] : memref<81920x16xf32, #tpu.memory_space<hbm>> -> memref<128x16xf32, #tpu.memory_space<hbm>>
        tpu.enqueue_dma source(%dma_start3A_28 : memref<128x16xf32, #tpu.memory_space<hbm>>) target(%arg9 : memref<128x16xf32, #tpu.memory_space<vmem>>) target_semaphore(%run_scoped3A : memref<!tpu.dma_semaphore, #tpu.memory_space<semaphore_mem>>)
        %dma_wait3A = arith.constant 0 : i32
        %dma_wait3A_29 = tpu.memref_slice %arg2[%multiple_of3A_25, %dma_wait3A] : memref<81920x16xf32, #tpu.memory_space<hbm>> -> memref<128x16xf32, #tpu.memory_space<hbm>>
        %dma_wait3A_30 = arith.constant 0 : i32
        %dma_wait3A_31 = tpu.memref_slice %arg2[%multiple_of3A_25, %dma_wait3A_30] : memref<81920x16xf32, #tpu.memory_space<hbm>> -> memref<128x16xf32, #tpu.memory_space<hbm>>
        tpu.wait_dma2 semaphore(%run_scoped3A : memref<!tpu.dma_semaphore, #tpu.memory_space<semaphore_mem>>) src(%dma_wait3A_31 : memref<128x16xf32, #tpu.memory_space<hbm>>) dst(%arg9 : memref<128x16xf32, #tpu.memory_space<vmem>>)
        tpu.yield
      }) : () -> ()
      "tpu.region"() ({
        %run_scoped3A = tpu.sem_alloc : memref<!tpu.dma_semaphore, #tpu.memory_space<semaphore_mem>>
        %dma_start3A = arith.constant 0 : i32
        %dma_start3A_26 = tpu.memref_slice %arg8[%scan3A_21, %dma_start3A] : memref<20x128xi32, #tpu.memory_space<vmem>> -> memref<1x128xi32, #tpu.memory_space<vmem>>
        %dma_start3A_27 = tpu.memref_squeeze %dma_start3A_26 : memref<1x128xi32, #tpu.memory_space<vmem>> -> memref<128xi32, #tpu.memory_space<vmem>>
        %dma_start3A_28 = arith.constant 0 : i32
        %dma_start3A_29 = arith.constant 0 : i32
        %dma_start3A_30 = tpu.memref_slice %arg11[%dma_start3A_28, %dma_start3A_29] : memref<10240x16xf32, #tpu.memory_space<vmem_shared>> -> memref<10240x16xf32, #tpu.memory_space<vmem_shared>>
        tpu.enqueue_indirect_dma source(%arg9 : memref<128x16xf32, #tpu.memory_space<vmem>>) target(%dma_start3A_30 : memref<10240x16xf32, #tpu.memory_space<vmem_shared>>) offsets(%dma_start3A_27 : memref<128xi32, #tpu.memory_space<vmem>>) semaphore(%run_scoped3A : memref<!tpu.dma_semaphore, #tpu.memory_space<semaphore_mem>>) {add = true}
        %dma_wait3A = arith.constant 0 : i32
        %dma_wait3A_31 = tpu.memref_slice %arg8[%scan3A_21, %dma_wait3A] : memref<20x128xi32, #tpu.memory_space<vmem>> -> memref<1x128xi32, #tpu.memory_space<vmem>>
        %dma_wait3A_32 = tpu.memref_squeeze %dma_wait3A_31 : memref<1x128xi32, #tpu.memory_space<vmem>> -> memref<128xi32, #tpu.memory_space<vmem>>
        %dma_wait3A_33 = arith.constant 0 : i32
        %dma_wait3A_34 = arith.constant 0 : i32
        %dma_wait3A_35 = tpu.memref_slice %arg11[%dma_wait3A_33, %dma_wait3A_34] : memref<10240x16xf32, #tpu.memory_space<vmem_shared>> -> memref<10240x16xf32, #tpu.memory_space<vmem_shared>>
        tpu.wait_indirect_dma semaphore(%run_scoped3A : memref<!tpu.dma_semaphore, #tpu.memory_space<semaphore_mem>>) src(%arg9 : memref<128x16xf32, #tpu.memory_space<vmem>>) dst(%dma_wait3A_35 : memref<10240x16xf32, #tpu.memory_space<vmem_shared>>)
        tpu.yield
      }) : () -> ()
      "tpu.region"() ({
        %run_scoped3A = tpu.sem_alloc : memref<!tpu.dma_semaphore, #tpu.memory_space<semaphore_mem>>
        %dma_start3A = arith.constant 0 : i32
        %dma_start3A_26 = tpu.memref_slice %arg8[%scan3A_21, %dma_start3A] : memref<20x128xi32, #tpu.memory_space<vmem>> -> memref<1x128xi32, #tpu.memory_space<vmem>>
        %dma_start3A_27 = tpu.memref_squeeze %dma_start3A_26 : memref<1x128xi32, #tpu.memory_space<vmem>> -> memref<128xi32, #tpu.memory_space<vmem>>
        %dma_start3A_28 = arith.constant 0 : i32
        %dma_start3A_29 = arith.constant 0 : i32
        %dma_start3A_30 = tpu.memref_slice %arg12[%dma_start3A_28, %dma_start3A_29] : memref<10240x16xf32, #tpu.memory_space<vmem_shared>> -> memref<10240x16xf32, #tpu.memory_space<vmem_shared>>
        tpu.enqueue_indirect_dma source(%arg10 : memref<128x16xf32, #tpu.memory_space<vmem>>) target(%dma_start3A_30 : memref<10240x16xf32, #tpu.memory_space<vmem_shared>>) offsets(%dma_start3A_27 : memref<128xi32, #tpu.memory_space<vmem>>) semaphore(%run_scoped3A : memref<!tpu.dma_semaphore, #tpu.memory_space<semaphore_mem>>) {add = true}
        %dma_wait3A = arith.constant 0 : i32
        %dma_wait3A_31 = tpu.memref_slice %arg8[%scan3A_21, %dma_wait3A] : memref<20x128xi32, #tpu.memory_space<vmem>> -> memref<1x128xi32, #tpu.memory_space<vmem>>
        %dma_wait3A_32 = tpu.memref_squeeze %dma_wait3A_31 : memref<1x128xi32, #tpu.memory_space<vmem>> -> memref<128xi32, #tpu.memory_space<vmem>>
        %dma_wait3A_33 = arith.constant 0 : i32
        %dma_wait3A_34 = arith.constant 0 : i32
        %dma_wait3A_35 = tpu.memref_slice %arg12[%dma_wait3A_33, %dma_wait3A_34] : memref<10240x16xf32, #tpu.memory_space<vmem_shared>> -> memref<10240x16xf32, #tpu.memory_space<vmem_shared>>
        tpu.wait_indirect_dma semaphore(%run_scoped3A : memref<!tpu.dma_semaphore, #tpu.memory_space<semaphore_mem>>) src(%arg10 : memref<128x16xf32, #tpu.memory_space<vmem>>) dst(%dma_wait3A_35 : memref<10240x16xf32, #tpu.memory_space<vmem_shared>>)
        tpu.yield
      }) : () -> ()
    }
    %scan3A_11 = arith.constant 20 : i32
    %barrier3A_12 = arith.constant 0 : index
    tpu.barrier barrier_id(%barrier3A_12)
    %mul3A_13 = arith.constant 640 : i32
    %mul3A_14 = arith.muli %arg1, %mul3A_13 : i32
    %mul3A_15 = arith.constant 640 : i32
    %mul3A_16 = arith.muli %arg1, %mul3A_15 : i32
    "tpu.region"() ({
      %run_scoped3A = tpu.sem_alloc : memref<!tpu.dma_semaphore, #tpu.memory_space<semaphore_mem>>
      %dma_start3A = arith.constant 0 : i32
      %dma_start3A_21 = tpu.memref_slice %arg6[%arg0, %mul3A_16, %dma_start3A] : memref<2x10240x16xf32, #tpu.memory_space<hbm>> -> memref<1x640x16xf32, #tpu.memory_space<hbm>>
      %dma_start3A_22 = tpu.memref_squeeze %dma_start3A_21 : memref<1x640x16xf32, #tpu.memory_space<hbm>> -> memref<640x16xf32, #tpu.memory_space<hbm>>
      %dma_start3A_23 = arith.constant 0 : i32
      %dma_start3A_24 = tpu.memref_slice %arg11[%mul3A_14, %dma_start3A_23] : memref<10240x16xf32, #tpu.memory_space<vmem_shared>> -> memref<640x16xf32, #tpu.memory_space<vmem_shared>>
      tpu.enqueue_dma source(%dma_start3A_24 : memref<640x16xf32, #tpu.memory_space<vmem_shared>>) target(%dma_start3A_22 : memref<640x16xf32, #tpu.memory_space<hbm>>) target_semaphore(%run_scoped3A : memref<!tpu.dma_semaphore, #tpu.memory_space<semaphore_mem>>)
      %dma_wait3A = arith.constant 0 : i32
      %dma_wait3A_25 = tpu.memref_slice %arg6[%arg0, %mul3A_16, %dma_wait3A] : memref<2x10240x16xf32, #tpu.memory_space<hbm>> -> memref<1x640x16xf32, #tpu.memory_space<hbm>>
      %dma_wait3A_26 = tpu.memref_squeeze %dma_wait3A_25 : memref<1x640x16xf32, #tpu.memory_space<hbm>> -> memref<640x16xf32, #tpu.memory_space<hbm>>
      %dma_wait3A_27 = arith.constant 0 : i32
      %dma_wait3A_28 = tpu.memref_slice %arg11[%mul3A_14, %dma_wait3A_27] : memref<10240x16xf32, #tpu.memory_space<vmem_shared>> -> memref<640x16xf32, #tpu.memory_space<vmem_shared>>
      tpu.wait_dma2 semaphore(%run_scoped3A : memref<!tpu.dma_semaphore, #tpu.memory_space<semaphore_mem>>) src(%dma_wait3A_28 : memref<640x16xf32, #tpu.memory_space<vmem_shared>>) dst(%dma_wait3A_26 : memref<640x16xf32, #tpu.memory_space<hbm>>)
      tpu.yield
    }) : () -> ()
    %mul3A_17 = arith.constant 640 : i32
    %mul3A_18 = arith.muli %arg1, %mul3A_17 : i32
    %mul3A_19 = arith.constant 640 : i32
    %mul3A_20 = arith.muli %arg1, %mul3A_19 : i32
    "tpu.region"() ({
      %run_scoped3A = tpu.sem_alloc : memref<!tpu.dma_semaphore, #tpu.memory_space<semaphore_mem>>
      %dma_start3A = arith.constant 0 : i32
      %dma_start3A_21 = tpu.memref_slice %arg7[%arg0, %mul3A_20, %dma_start3A] : memref<2x10240x16xf32, #tpu.memory_space<hbm>> -> memref<1x640x16xf32, #tpu.memory_space<hbm>>
      %dma_start3A_22 = tpu.memref_squeeze %dma_start3A_21 : memref<1x640x16xf32, #tpu.memory_space<hbm>> -> memref<640x16xf32, #tpu.memory_space<hbm>>
      %dma_start3A_23 = arith.constant 0 : i32
      %dma_start3A_24 = tpu.memref_slice %arg12[%mul3A_18, %dma_start3A_23] : memref<10240x16xf32, #tpu.memory_space<vmem_shared>> -> memref<640x16xf32, #tpu.memory_space<vmem_shared>>
      tpu.enqueue_dma source(%dma_start3A_24 : memref<640x16xf32, #tpu.memory_space<vmem_shared>>) target(%dma_start3A_22 : memref<640x16xf32, #tpu.memory_space<hbm>>) target_semaphore(%run_scoped3A : memref<!tpu.dma_semaphore, #tpu.memory_space<semaphore_mem>>)
      %dma_wait3A = arith.constant 0 : i32
      %dma_wait3A_25 = tpu.memref_slice %arg7[%arg0, %mul3A_20, %dma_wait3A] : memref<2x10240x16xf32, #tpu.memory_space<hbm>> -> memref<1x640x16xf32, #tpu.memory_space<hbm>>
      %dma_wait3A_26 = tpu.memref_squeeze %dma_wait3A_25 : memref<1x640x16xf32, #tpu.memory_space<hbm>> -> memref<640x16xf32, #tpu.memory_space<hbm>>
      %dma_wait3A_27 = arith.constant 0 : i32
      %dma_wait3A_28 = tpu.memref_slice %arg12[%mul3A_18, %dma_wait3A_27] : memref<10240x16xf32, #tpu.memory_space<vmem_shared>> -> memref<640x16xf32, #tpu.memory_space<vmem_shared>>
      tpu.wait_dma2 semaphore(%run_scoped3A : memref<!tpu.dma_semaphore, #tpu.memory_space<semaphore_mem>>) src(%dma_wait3A_28 : memref<640x16xf32, #tpu.memory_space<vmem_shared>>) dst(%dma_wait3A_26 : memref<640x16xf32, #tpu.memory_space<hbm>>)
      tpu.yield
    }) : () -> ()
    return
  }
}

#map = affine_map<(d0, d1) -> (0, 0)>
#map1 = affine_map<(d0, d1) -> (0, 0, 0)>
module attributes {stable_mosaic.version = 14 : i64} {
  func.func @body(%arg0: i32, %arg1: i32, %arg2: memref<10000x32xf32, #tpu.memory_space<hbm>>, %arg3: memref<32x4x640xi32, #tpu.memory_space<hbm>>, %arg4: memref<81920x32xf32, #tpu.memory_space<hbm>>, %arg5: memref<4x640xi32, #tpu.memory_space<vmem>>, %arg6: memref<640x32xf32, #tpu.memory_space<vmem>>, %arg7: memref<!tpu.dma_semaphore, #tpu.memory_space<semaphore_mem>>) attributes {dimension_semantics = [#tpu.dimension_semantics<core_parallel>, #tpu.dimension_semantics<subcore_parallel>], iteration_bounds = array<i64: 2, 16>, scalar_prefetch = 0 : i64, scratch_operands = 3 : i64, tpu.core_type = #tpu.core_type<sc_vector_subcore>, window_params = [{transform_indices = #map}, {transform_indices = #map1}, {transform_indices = #map}]} {
    %mul3A = arith.constant 2 : i32
    %mul3A_0 = arith.muli %arg1, %mul3A : i32
    %add3A = arith.addi %mul3A_0, %arg0 : i32
    %mul3A_1 = arith.constant 2560 : i32
    %mul3A_2 = arith.muli %add3A, %mul3A_1 : i32
    %multiple_of3A = tpu.assume_multiple %mul3A_2, 8 : i32
    "tpu.region"() ({
      %run_scoped3A = tpu.sem_alloc : memref<!tpu.dma_semaphore, #tpu.memory_space<semaphore_mem>>
      %dma_start3A = arith.constant 0 : i32
      %dma_start3A_8 = arith.constant 0 : i32
      %dma_start3A_9 = tpu.memref_slice %arg3[%add3A, %dma_start3A, %dma_start3A_8] : memref<32x4x640xi32, #tpu.memory_space<hbm>> -> memref<1x4x640xi32, #tpu.memory_space<hbm>>
      %dma_start3A_10 = tpu.memref_squeeze %dma_start3A_9 : memref<1x4x640xi32, #tpu.memory_space<hbm>> -> memref<4x640xi32, #tpu.memory_space<hbm>>
      %dma_start3A_11 = arith.constant 0 : i32
      %dma_start3A_12 = arith.constant 0 : i32
      %dma_start3A_13 = tpu.memref_slice %arg3[%add3A, %dma_start3A_11, %dma_start3A_12] : memref<32x4x640xi32, #tpu.memory_space<hbm>> -> memref<1x4x640xi32, #tpu.memory_space<hbm>>
      %dma_start3A_14 = tpu.memref_squeeze %dma_start3A_13 : memref<1x4x640xi32, #tpu.memory_space<hbm>> -> memref<4x640xi32, #tpu.memory_space<hbm>>
      tpu.enqueue_dma source(%dma_start3A_14 : memref<4x640xi32, #tpu.memory_space<hbm>>) target(%arg5 : memref<4x640xi32, #tpu.memory_space<vmem>>) target_semaphore(%run_scoped3A : memref<!tpu.dma_semaphore, #tpu.memory_space<semaphore_mem>>)
      %dma_wait3A = arith.constant 0 : i32
      %dma_wait3A_15 = arith.constant 0 : i32
      %dma_wait3A_16 = tpu.memref_slice %arg3[%add3A, %dma_wait3A, %dma_wait3A_15] : memref<32x4x640xi32, #tpu.memory_space<hbm>> -> memref<1x4x640xi32, #tpu.memory_space<hbm>>
      %dma_wait3A_17 = tpu.memref_squeeze %dma_wait3A_16 : memref<1x4x640xi32, #tpu.memory_space<hbm>> -> memref<4x640xi32, #tpu.memory_space<hbm>>
      %dma_wait3A_18 = arith.constant 0 : i32
      %dma_wait3A_19 = arith.constant 0 : i32
      %dma_wait3A_20 = tpu.memref_slice %arg3[%add3A, %dma_wait3A_18, %dma_wait3A_19] : memref<32x4x640xi32, #tpu.memory_space<hbm>> -> memref<1x4x640xi32, #tpu.memory_space<hbm>>
      %dma_wait3A_21 = tpu.memref_squeeze %dma_wait3A_20 : memref<1x4x640xi32, #tpu.memory_space<hbm>> -> memref<4x640xi32, #tpu.memory_space<hbm>>
      tpu.wait_dma2 semaphore(%run_scoped3A : memref<!tpu.dma_semaphore, #tpu.memory_space<semaphore_mem>>) src(%dma_wait3A_21 : memref<4x640xi32, #tpu.memory_space<hbm>>) dst(%arg5 : memref<4x640xi32, #tpu.memory_space<vmem>>)
      tpu.yield
    }) : () -> ()
    %scan3A = arith.constant 0 : i32
    %scan3A_3 = arith.constant 0 : i32
    %scan3A_4 = arith.constant 4 : i32
    %scan3A_5 = arith.addi %scan3A_3, %scan3A_4 : i32
    %scan3A_6 = arith.constant 1 : i32
    scf.for %scan3A_8 = %scan3A_3 to %scan3A_5 step %scan3A_6  : i32 {
      %mul3A_9 = arith.constant 640 : i32
      %mul3A_10 = arith.muli %scan3A_8, %mul3A_9 : i32
      %add3A_11 = arith.addi %multiple_of3A, %mul3A_10 : i32
      %multiple_of3A_12 = tpu.assume_multiple %add3A_11, 8 : i32
      %dma_start3A = arith.constant 0 : i32
      %dma_start3A_13 = tpu.memref_slice %arg5[%scan3A_8, %dma_start3A] : memref<4x640xi32, #tpu.memory_space<vmem>> -> memref<1x640xi32, #tpu.memory_space<vmem>>
      %dma_start3A_14 = tpu.memref_squeeze %dma_start3A_13 : memref<1x640xi32, #tpu.memory_space<vmem>> -> memref<640xi32, #tpu.memory_space<vmem>>
      %dma_start3A_15 = arith.constant 0 : i32
      %dma_start3A_16 = arith.constant 0 : i32
      %dma_start3A_17 = tpu.memref_slice %arg2[%dma_start3A_15, %dma_start3A_16] : memref<10000x32xf32, #tpu.memory_space<hbm>> -> memref<10000x32xf32, #tpu.memory_space<hbm>>
      tpu.enqueue_indirect_dma source(%dma_start3A_17 : memref<10000x32xf32, #tpu.memory_space<hbm>>) target(%arg6 : memref<640x32xf32, #tpu.memory_space<vmem>>) offsets(%dma_start3A_14 : memref<640xi32, #tpu.memory_space<vmem>>) semaphore(%arg7 : memref<!tpu.dma_semaphore, #tpu.memory_space<semaphore_mem>>)
      %dma_wait3A = arith.constant 0 : i32
      %dma_wait3A_18 = tpu.memref_slice %arg5[%scan3A_8, %dma_wait3A] : memref<4x640xi32, #tpu.memory_space<vmem>> -> memref<1x640xi32, #tpu.memory_space<vmem>>
      %dma_wait3A_19 = tpu.memref_squeeze %dma_wait3A_18 : memref<1x640xi32, #tpu.memory_space<vmem>> -> memref<640xi32, #tpu.memory_space<vmem>>
      %dma_wait3A_20 = arith.constant 0 : i32
      %dma_wait3A_21 = arith.constant 0 : i32
      %dma_wait3A_22 = tpu.memref_slice %arg2[%dma_wait3A_20, %dma_wait3A_21] : memref<10000x32xf32, #tpu.memory_space<hbm>> -> memref<10000x32xf32, #tpu.memory_space<hbm>>
      tpu.wait_indirect_dma semaphore(%arg7 : memref<!tpu.dma_semaphore, #tpu.memory_space<semaphore_mem>>) src(%dma_wait3A_22 : memref<10000x32xf32, #tpu.memory_space<hbm>>) dst(%arg6 : memref<640x32xf32, #tpu.memory_space<vmem>>)
      "tpu.region"() ({
        %run_scoped3A = tpu.sem_alloc : memref<!tpu.dma_semaphore, #tpu.memory_space<semaphore_mem>>
        %dma_start3A_23 = arith.constant 0 : i32
        %dma_start3A_24 = tpu.memref_slice %arg4[%multiple_of3A_12, %dma_start3A_23] : memref<81920x32xf32, #tpu.memory_space<hbm>> -> memref<640x32xf32, #tpu.memory_space<hbm>>
        %dma_start3A_25 = arith.constant 0 : i32
        %dma_start3A_26 = tpu.memref_slice %arg4[%multiple_of3A_12, %dma_start3A_25] : memref<81920x32xf32, #tpu.memory_space<hbm>> -> memref<640x32xf32, #tpu.memory_space<hbm>>
        tpu.enqueue_dma source(%arg6 : memref<640x32xf32, #tpu.memory_space<vmem>>) target(%dma_start3A_26 : memref<640x32xf32, #tpu.memory_space<hbm>>) target_semaphore(%run_scoped3A : memref<!tpu.dma_semaphore, #tpu.memory_space<semaphore_mem>>)
        %dma_wait3A_27 = arith.constant 0 : i32
        %dma_wait3A_28 = tpu.memref_slice %arg4[%multiple_of3A_12, %dma_wait3A_27] : memref<81920x32xf32, #tpu.memory_space<hbm>> -> memref<640x32xf32, #tpu.memory_space<hbm>>
        %dma_wait3A_29 = arith.constant 0 : i32
        %dma_wait3A_30 = tpu.memref_slice %arg4[%multiple_of3A_12, %dma_wait3A_29] : memref<81920x32xf32, #tpu.memory_space<hbm>> -> memref<640x32xf32, #tpu.memory_space<hbm>>
        tpu.wait_dma2 semaphore(%run_scoped3A : memref<!tpu.dma_semaphore, #tpu.memory_space<semaphore_mem>>) src(%arg6 : memref<640x32xf32, #tpu.memory_space<vmem>>) dst(%dma_wait3A_30 : memref<640x32xf32, #tpu.memory_space<hbm>>)
        tpu.yield
      }) : () -> ()
    }
    %scan3A_7 = arith.constant 4 : i32
    return
  }
}

#map = affine_map<(d0, d1) -> (0, 0)>
#map1 = affine_map<(d0, d1) -> (0, 0, 0)>
module attributes {stable_mosaic.version = 14 : i64} {
  func.func @body(%arg0: i32, %arg1: i32, %arg2: memref<81920x16xf32, #tpu.memory_space<hbm>>, %arg3: memref<32x20x128xi32, #tpu.memory_space<hbm>>, %arg4: memref<128x16xf32, #tpu.memory_space<hbm>>, %arg5: memref<640x16xf32, #tpu.memory_space<hbm>>, %arg6: memref<2x10240x16xf32, #tpu.memory_space<hbm>>, %arg7: memref<2x10240x16xf32, #tpu.memory_space<hbm>>, %arg8: memref<20x128xi32, #tpu.memory_space<vmem>>, %arg9: memref<128x16xf32, #tpu.memory_space<vmem>>, %arg10: memref<128x16xf32, #tpu.memory_space<vmem>>, %arg11: memref<10240x16xf32, #tpu.memory_space<vmem_shared>>, %arg12: memref<10240x16xf32, #tpu.memory_space<vmem_shared>>) attributes {dimension_semantics = [#tpu.dimension_semantics<core_parallel>, #tpu.dimension_semantics<subcore_parallel>], iteration_bounds = array<i64: 2, 16>, scalar_prefetch = 0 : i64, scratch_operands = 5 : i64, tpu.core_type = #tpu.core_type<sc_vector_subcore>, window_params = [{transform_indices = #map}, {transform_indices = #map1}, {transform_indices = #map}, {transform_indices = #map}, {transform_indices = #map1}, {transform_indices = #map1}]} {
    %mul3A = arith.constant 2 : i32
    %mul3A_0 = arith.muli %arg1, %mul3A : i32
    %add3A = arith.addi %mul3A_0, %arg0 : i32
    %mul3A_1 = arith.constant 2560 : i32
    %mul3A_2 = arith.muli %add3A, %mul3A_1 : i32
    %multiple_of3A = tpu.assume_multiple %mul3A_2, 8 : i32
    "tpu.region"() ({
      %run_scoped3A = tpu.sem_alloc : memref<!tpu.dma_semaphore, #tpu.memory_space<semaphore_mem>>
      %dma_start3A = arith.constant 0 : i32
      %dma_start3A_21 = arith.constant 0 : i32
      %dma_start3A_22 = tpu.memref_slice %arg3[%add3A, %dma_start3A, %dma_start3A_21] : memref<32x20x128xi32, #tpu.memory_space<hbm>> -> memref<1x20x128xi32, #tpu.memory_space<hbm>>
      %dma_start3A_23 = tpu.memref_squeeze %dma_start3A_22 : memref<1x20x128xi32, #tpu.memory_space<hbm>> -> memref<20x128xi32, #tpu.memory_space<hbm>>
      %dma_start3A_24 = arith.constant 0 : i32
      %dma_start3A_25 = arith.constant 0 : i32
      %dma_start3A_26 = tpu.memref_slice %arg3[%add3A, %dma_start3A_24, %dma_start3A_25] : memref<32x20x128xi32, #tpu.memory_space<hbm>> -> memref<1x20x128xi32, #tpu.memory_space<hbm>>
      %dma_start3A_27 = tpu.memref_squeeze %dma_start3A_26 : memref<1x20x128xi32, #tpu.memory_space<hbm>> -> memref<20x128xi32, #tpu.memory_space<hbm>>
      tpu.enqueue_dma source(%dma_start3A_27 : memref<20x128xi32, #tpu.memory_space<hbm>>) target(%arg8 : memref<20x128xi32, #tpu.memory_space<vmem>>) target_semaphore(%run_scoped3A : memref<!tpu.dma_semaphore, #tpu.memory_space<semaphore_mem>>)
      %dma_wait3A = arith.constant 0 : i32
      %dma_wait3A_28 = arith.constant 0 : i32
      %dma_wait3A_29 = tpu.memref_slice %arg3[%add3A, %dma_wait3A, %dma_wait3A_28] : memref<32x20x128xi32, #tpu.memory_space<hbm>> -> memref<1x20x128xi32, #tpu.memory_space<hbm>>
      %dma_wait3A_30 = tpu.memref_squeeze %dma_wait3A_29 : memref<1x20x128xi32, #tpu.memory_space<hbm>> -> memref<20x128xi32, #tpu.memory_space<hbm>>
      %dma_wait3A_31 = arith.constant 0 : i32
      %dma_wait3A_32 = arith.constant 0 : i32
      %dma_wait3A_33 = tpu.memref_slice %arg3[%add3A, %dma_wait3A_31, %dma_wait3A_32] : memref<32x20x128xi32, #tpu.memory_space<hbm>> -> memref<1x20x128xi32, #tpu.memory_space<hbm>>
      %dma_wait3A_34 = tpu.memref_squeeze %dma_wait3A_33 : memref<1x20x128xi32, #tpu.memory_space<hbm>> -> memref<20x128xi32, #tpu.memory_space<hbm>>
      tpu.wait_dma2 semaphore(%run_scoped3A : memref<!tpu.dma_semaphore, #tpu.memory_space<semaphore_mem>>) src(%dma_wait3A_34 : memref<20x128xi32, #tpu.memory_space<hbm>>) dst(%arg8 : memref<20x128xi32, #tpu.memory_space<vmem>>)
      tpu.yield
    }) : () -> ()
    "tpu.region"() ({
      %run_scoped3A = tpu.sem_alloc : memref<!tpu.dma_semaphore, #tpu.memory_space<semaphore_mem>>
      tpu.enqueue_dma source(%arg4 : memref<128x16xf32, #tpu.memory_space<hbm>>) target(%arg10 : memref<128x16xf32, #tpu.memory_space<vmem>>) target_semaphore(%run_scoped3A : memref<!tpu.dma_semaphore, #tpu.memory_space<semaphore_mem>>)
      tpu.wait_dma2 semaphore(%run_scoped3A : memref<!tpu.dma_semaphore, #tpu.memory_space<semaphore_mem>>) src(%arg4 : memref<128x16xf32, #tpu.memory_space<hbm>>) dst(%arg10 : memref<128x16xf32, #tpu.memory_space<vmem>>)
      tpu.yield
    }) : () -> ()
    %mul3A_3 = arith.constant 640 : i32
    %mul3A_4 = arith.muli %arg1, %mul3A_3 : i32
    "tpu.region"() ({
      %run_scoped3A = tpu.sem_alloc : memref<!tpu.dma_semaphore, #tpu.memory_space<semaphore_mem>>
      %dma_start3A = arith.constant 0 : i32
      %dma_start3A_21 = tpu.memref_slice %arg11[%mul3A_4, %dma_start3A] : memref<10240x16xf32, #tpu.memory_space<vmem_shared>> -> memref<640x16xf32, #tpu.memory_space<vmem_shared>>
      tpu.enqueue_dma source(%arg5 : memref<640x16xf32, #tpu.memory_space<hbm>>) target(%dma_start3A_21 : memref<640x16xf32, #tpu.memory_space<vmem_shared>>) target_semaphore(%run_scoped3A : memref<!tpu.dma_semaphore, #tpu.memory_space<semaphore_mem>>)
      %dma_wait3A = arith.constant 0 : i32
      %dma_wait3A_22 = tpu.memref_slice %arg11[%mul3A_4, %dma_wait3A] : memref<10240x16xf32, #tpu.memory_space<vmem_shared>> -> memref<640x16xf32, #tpu.memory_space<vmem_shared>>
      tpu.wait_dma2 semaphore(%run_scoped3A : memref<!tpu.dma_semaphore, #tpu.memory_space<semaphore_mem>>) src(%arg5 : memref<640x16xf32, #tpu.memory_space<hbm>>) dst(%dma_wait3A_22 : memref<640x16xf32, #tpu.memory_space<vmem_shared>>)
      tpu.yield
    }) : () -> ()
    %mul3A_5 = arith.constant 640 : i32
    %mul3A_6 = arith.muli %arg1, %mul3A_5 : i32
    "tpu.region"() ({
      %run_scoped3A = tpu.sem_alloc : memref<!tpu.dma_semaphore, #tpu.memory_space<semaphore_mem>>
      %dma_start3A = arith.constant 0 : i32
      %dma_start3A_21 = tpu.memref_slice %arg12[%mul3A_6, %dma_start3A] : memref<10240x16xf32, #tpu.memory_space<vmem_shared>> -> memref<640x16xf32, #tpu.memory_space<vmem_shared>>
      tpu.enqueue_dma source(%arg5 : memref<640x16xf32, #tpu.memory_space<hbm>>) target(%dma_start3A_21 : memref<640x16xf32, #tpu.memory_space<vmem_shared>>) target_semaphore(%run_scoped3A : memref<!tpu.dma_semaphore, #tpu.memory_space<semaphore_mem>>)
      %dma_wait3A = arith.constant 0 : i32
      %dma_wait3A_22 = tpu.memref_slice %arg12[%mul3A_6, %dma_wait3A] : memref<10240x16xf32, #tpu.memory_space<vmem_shared>> -> memref<640x16xf32, #tpu.memory_space<vmem_shared>>
      tpu.wait_dma2 semaphore(%run_scoped3A : memref<!tpu.dma_semaphore, #tpu.memory_space<semaphore_mem>>) src(%arg5 : memref<640x16xf32, #tpu.memory_space<hbm>>) dst(%dma_wait3A_22 : memref<640x16xf32, #tpu.memory_space<vmem_shared>>)
      tpu.yield
    }) : () -> ()
    %barrier3A = arith.constant 0 : index
    tpu.barrier barrier_id(%barrier3A)
    %scan3A = arith.constant 0 : i32
    %scan3A_7 = arith.constant 0 : i32
    %scan3A_8 = arith.constant 20 : i32
    %scan3A_9 = arith.addi %scan3A_7, %scan3A_8 : i32
    %scan3A_10 = arith.constant 1 : i32
    scf.for %scan3A_21 = %scan3A_7 to %scan3A_9 step %scan3A_10  : i32 {
      %mul3A_22 = arith.constant 128 : i32
      %mul3A_23 = arith.muli %scan3A_21, %mul3A_22 : i32
      %add3A_24 = arith.addi %multiple_of3A, %mul3A_23 : i32
      %multiple_of3A_25 = tpu.assume_multiple %add3A_24, 8 : i32
      "tpu.region"() ({
        %run_scoped3A = tpu.sem_alloc : memref<!tpu.dma_semaphore, #tpu.memory_space<semaphore_mem>>
        %dma_start3A = arith.constant 0 : i32
        %dma_start3A_26 = tpu.memref_slice %arg2[%multiple_of3A_25, %dma_start3A] : memref<81920x16xf32, #tpu.memory_space<hbm>> -> memref<128x16xf32, #tpu.memory_space<hbm>>
        %dma_start3A_27 = arith.constant 0 : i32
        %dma_start3A_28 = tpu.memref_slice %arg2[%multiple_of3A_25, %dma_start3A_27] : memref<81920x16xf32, #tpu.memory_space<hbm>> -> memref<128x16xf32, #tpu.memory_space<hbm>>
        tpu.enqueue_dma source(%dma_start3A_28 : memref<128x16xf32, #tpu.memory_space<hbm>>) target(%arg9 : memref<128x16xf32, #tpu.memory_space<vmem>>) target_semaphore(%run_scoped3A : memref<!tpu.dma_semaphore, #tpu.memory_space<semaphore_mem>>)
        %dma_wait3A = arith.constant 0 : i32
        %dma_wait3A_29 = tpu.memref_slice %arg2[%multiple_of3A_25, %dma_wait3A] : memref<81920x16xf32, #tpu.memory_space<hbm>> -> memref<128x16xf32, #tpu.memory_space<hbm>>
        %dma_wait3A_30 = arith.constant 0 : i32
        %dma_wait3A_31 = tpu.memref_slice %arg2[%multiple_of3A_25, %dma_wait3A_30] : memref<81920x16xf32, #tpu.memory_space<hbm>> -> memref<128x16xf32, #tpu.memory_space<hbm>>
        tpu.wait_dma2 semaphore(%run_scoped3A : memref<!tpu.dma_semaphore, #tpu.memory_space<semaphore_mem>>) src(%dma_wait3A_31 : memref<128x16xf32, #tpu.memory_space<hbm>>) dst(%arg9 : memref<128x16xf32, #tpu.memory_space<vmem>>)
        tpu.yield
      }) : () -> ()
      "tpu.region"() ({
        %run_scoped3A = tpu.sem_alloc : memref<!tpu.dma_semaphore, #tpu.memory_space<semaphore_mem>>
        %dma_start3A = arith.constant 0 : i32
        %dma_start3A_26 = tpu.memref_slice %arg8[%scan3A_21, %dma_start3A] : memref<20x128xi32, #tpu.memory_space<vmem>> -> memref<1x128xi32, #tpu.memory_space<vmem>>
        %dma_start3A_27 = tpu.memref_squeeze %dma_start3A_26 : memref<1x128xi32, #tpu.memory_space<vmem>> -> memref<128xi32, #tpu.memory_space<vmem>>
        %dma_start3A_28 = arith.constant 0 : i32
        %dma_start3A_29 = arith.constant 0 : i32
        %dma_start3A_30 = tpu.memref_slice %arg11[%dma_start3A_28, %dma_start3A_29] : memref<10240x16xf32, #tpu.memory_space<vmem_shared>> -> memref<10240x16xf32, #tpu.memory_space<vmem_shared>>
        tpu.enqueue_indirect_dma source(%arg9 : memref<128x16xf32, #tpu.memory_space<vmem>>) target(%dma_start3A_30 : memref<10240x16xf32, #tpu.memory_space<vmem_shared>>) offsets(%dma_start3A_27 : memref<128xi32, #tpu.memory_space<vmem>>) semaphore(%run_scoped3A : memref<!tpu.dma_semaphore, #tpu.memory_space<semaphore_mem>>) {add = true}
        %dma_wait3A = arith.constant 0 : i32
        %dma_wait3A_31 = tpu.memref_slice %arg8[%scan3A_21, %dma_wait3A] : memref<20x128xi32, #tpu.memory_space<vmem>> -> memref<1x128xi32, #tpu.memory_space<vmem>>
        %dma_wait3A_32 = tpu.memref_squeeze %dma_wait3A_31 : memref<1x128xi32, #tpu.memory_space<vmem>> -> memref<128xi32, #tpu.memory_space<vmem>>
        %dma_wait3A_33 = arith.constant 0 : i32
        %dma_wait3A_34 = arith.constant 0 : i32
        %dma_wait3A_35 = tpu.memref_slice %arg11[%dma_wait3A_33, %dma_wait3A_34] : memref<10240x16xf32, #tpu.memory_space<vmem_shared>> -> memref<10240x16xf32, #tpu.memory_space<vmem_shared>>
        tpu.wait_indirect_dma semaphore(%run_scoped3A : memref<!tpu.dma_semaphore, #tpu.memory_space<semaphore_mem>>) src(%arg9 : memref<128x16xf32, #tpu.memory_space<vmem>>) dst(%dma_wait3A_35 : memref<10240x16xf32, #tpu.memory_space<vmem_shared>>)
        tpu.yield
      }) : () -> ()
      "tpu.region"() ({
        %run_scoped3A = tpu.sem_alloc : memref<!tpu.dma_semaphore, #tpu.memory_space<semaphore_mem>>
        %dma_start3A = arith.constant 0 : i32
        %dma_start3A_26 = tpu.memref_slice %arg8[%scan3A_21, %dma_start3A] : memref<20x128xi32, #tpu.memory_space<vmem>> -> memref<1x128xi32, #tpu.memory_space<vmem>>
        %dma_start3A_27 = tpu.memref_squeeze %dma_start3A_26 : memref<1x128xi32, #tpu.memory_space<vmem>> -> memref<128xi32, #tpu.memory_space<vmem>>
        %dma_start3A_28 = arith.constant 0 : i32
        %dma_start3A_29 = arith.constant 0 : i32
        %dma_start3A_30 = tpu.memref_slice %arg12[%dma_start3A_28, %dma_start3A_29] : memref<10240x16xf32, #tpu.memory_space<vmem_shared>> -> memref<10240x16xf32, #tpu.memory_space<vmem_shared>>
        tpu.enqueue_indirect_dma source(%arg10 : memref<128x16xf32, #tpu.memory_space<vmem>>) target(%dma_start3A_30 : memref<10240x16xf32, #tpu.memory_space<vmem_shared>>) offsets(%dma_start3A_27 : memref<128xi32, #tpu.memory_space<vmem>>) semaphore(%run_scoped3A : memref<!tpu.dma_semaphore, #tpu.memory_space<semaphore_mem>>) {add = true}
        %dma_wait3A = arith.constant 0 : i32
        %dma_wait3A_31 = tpu.memref_slice %arg8[%scan3A_21, %dma_wait3A] : memref<20x128xi32, #tpu.memory_space<vmem>> -> memref<1x128xi32, #tpu.memory_space<vmem>>
        %dma_wait3A_32 = tpu.memref_squeeze %dma_wait3A_31 : memref<1x128xi32, #tpu.memory_space<vmem>> -> memref<128xi32, #tpu.memory_space<vmem>>
        %dma_wait3A_33 = arith.constant 0 : i32
        %dma_wait3A_34 = arith.constant 0 : i32
        %dma_wait3A_35 = tpu.memref_slice %arg12[%dma_wait3A_33, %dma_wait3A_34] : memref<10240x16xf32, #tpu.memory_space<vmem_shared>> -> memref<10240x16xf32, #tpu.memory_space<vmem_shared>>
        tpu.wait_indirect_dma semaphore(%run_scoped3A : memref<!tpu.dma_semaphore, #tpu.memory_space<semaphore_mem>>) src(%arg10 : memref<128x16xf32, #tpu.memory_space<vmem>>) dst(%dma_wait3A_35 : memref<10240x16xf32, #tpu.memory_space<vmem_shared>>)
        tpu.yield
      }) : () -> ()
    }
    %scan3A_11 = arith.constant 20 : i32
    %barrier3A_12 = arith.constant 0 : index
    tpu.barrier barrier_id(%barrier3A_12)
    %mul3A_13 = arith.constant 640 : i32
    %mul3A_14 = arith.muli %arg1, %mul3A_13 : i32
    %mul3A_15 = arith.constant 640 : i32
    %mul3A_16 = arith.muli %arg1, %mul3A_15 : i32
    "tpu.region"() ({
      %run_scoped3A = tpu.sem_alloc : memref<!tpu.dma_semaphore, #tpu.memory_space<semaphore_mem>>
      %dma_start3A = arith.constant 0 : i32
      %dma_start3A_21 = tpu.memref_slice %arg6[%arg0, %mul3A_16, %dma_start3A] : memref<2x10240x16xf32, #tpu.memory_space<hbm>> -> memref<1x640x16xf32, #tpu.memory_space<hbm>>
      %dma_start3A_22 = tpu.memref_squeeze %dma_start3A_21 : memref<1x640x16xf32, #tpu.memory_space<hbm>> -> memref<640x16xf32, #tpu.memory_space<hbm>>
      %dma_start3A_23 = arith.constant 0 : i32
      %dma_start3A_24 = tpu.memref_slice %arg11[%mul3A_14, %dma_start3A_23] : memref<10240x16xf32, #tpu.memory_space<vmem_shared>> -> memref<640x16xf32, #tpu.memory_space<vmem_shared>>
      tpu.enqueue_dma source(%dma_start3A_24 : memref<640x16xf32, #tpu.memory_space<vmem_shared>>) target(%dma_start3A_22 : memref<640x16xf32, #tpu.memory_space<hbm>>) target_semaphore(%run_scoped3A : memref<!tpu.dma_semaphore, #tpu.memory_space<semaphore_mem>>)
      %dma_wait3A = arith.constant 0 : i32
      %dma_wait3A_25 = tpu.memref_slice %arg6[%arg0, %mul3A_16, %dma_wait3A] : memref<2x10240x16xf32, #tpu.memory_space<hbm>> -> memref<1x640x16xf32, #tpu.memory_space<hbm>>
      %dma_wait3A_26 = tpu.memref_squeeze %dma_wait3A_25 : memref<1x640x16xf32, #tpu.memory_space<hbm>> -> memref<640x16xf32, #tpu.memory_space<hbm>>
      %dma_wait3A_27 = arith.constant 0 : i32
      %dma_wait3A_28 = tpu.memref_slice %arg11[%mul3A_14, %dma_wait3A_27] : memref<10240x16xf32, #tpu.memory_space<vmem_shared>> -> memref<640x16xf32, #tpu.memory_space<vmem_shared>>
      tpu.wait_dma2 semaphore(%run_scoped3A : memref<!tpu.dma_semaphore, #tpu.memory_space<semaphore_mem>>) src(%dma_wait3A_28 : memref<640x16xf32, #tpu.memory_space<vmem_shared>>) dst(%dma_wait3A_26 : memref<640x16xf32, #tpu.memory_space<hbm>>)
      tpu.yield
    }) : () -> ()
    %mul3A_17 = arith.constant 640 : i32
    %mul3A_18 = arith.muli %arg1, %mul3A_17 : i32
    %mul3A_19 = arith.constant 640 : i32
    %mul3A_20 = arith.muli %arg1, %mul3A_19 : i32
    "tpu.region"() ({
      %run_scoped3A = tpu.sem_alloc : memref<!tpu.dma_semaphore, #tpu.memory_space<semaphore_mem>>
      %dma_start3A = arith.constant 0 : i32
      %dma_start3A_21 = tpu.memref_slice %arg7[%arg0, %mul3A_20, %dma_start3A] : memref<2x10240x16xf32, #tpu.memory_space<hbm>> -> memref<1x640x16xf32, #tpu.memory_space<hbm>>
      %dma_start3A_22 = tpu.memref_squeeze %dma_start3A_21 : memref<1x640x16xf32, #tpu.memory_space<hbm>> -> memref<640x16xf32, #tpu.memory_space<hbm>>
      %dma_start3A_23 = arith.constant 0 : i32
      %dma_start3A_24 = tpu.memref_slice %arg12[%mul3A_18, %dma_start3A_23] : memref<10240x16xf32, #tpu.memory_space<vmem_shared>> -> memref<640x16xf32, #tpu.memory_space<vmem_shared>>
      tpu.enqueue_dma source(%dma_start3A_24 : memref<640x16xf32, #tpu.memory_space<vmem_shared>>) target(%dma_start3A_22 : memref<640x16xf32, #tpu.memory_space<hbm>>) target_semaphore(%run_scoped3A : memref<!tpu.dma_semaphore, #tpu.memory_space<semaphore_mem>>)
      %dma_wait3A = arith.constant 0 : i32
      %dma_wait3A_25 = tpu.memref_slice %arg7[%arg0, %mul3A_20, %dma_wait3A] : memref<2x10240x16xf32, #tpu.memory_space<hbm>> -> memref<1x640x16xf32, #tpu.memory_space<hbm>>
      %dma_wait3A_26 = tpu.memref_squeeze %dma_wait3A_25 : memref<1x640x16xf32, #tpu.memory_space<hbm>> -> memref<640x16xf32, #tpu.memory_space<hbm>>
      %dma_wait3A_27 = arith.constant 0 : i32
      %dma_wait3A_28 = tpu.memref_slice %arg12[%mul3A_18, %dma_wait3A_27] : memref<10240x16xf32, #tpu.memory_space<vmem_shared>> -> memref<640x16xf32, #tpu.memory_space<vmem_shared>>
      tpu.wait_dma2 semaphore(%run_scoped3A : memref<!tpu.dma_semaphore, #tpu.memory_space<semaphore_mem>>) src(%dma_wait3A_28 : memref<640x16xf32, #tpu.memory_space<vmem_shared>>) dst(%dma_wait3A_26 : memref<640x16xf32, #tpu.memory_space<hbm>>)
      tpu.yield
    }) : () -> ()
    return
  }
}

#map = affine_map<(d0, d1) -> (0, 0)>
#map1 = affine_map<(d0, d1) -> (0, 0, 0)>
module attributes {stable_mosaic.version = 14 : i64} {
  func.func @body(%arg0: i32, %arg1: i32, %arg2: memref<10240x16xf32, #tpu.memory_space<hbm>>, %arg3: memref<32x4x640xi32, #tpu.memory_space<hbm>>, %arg4: memref<81920x16xf32, #tpu.memory_space<hbm>>, %arg5: memref<4x640xi32, #tpu.memory_space<vmem>>, %arg6: memref<640x16xf32, #tpu.memory_space<vmem>>, %arg7: memref<!tpu.dma_semaphore, #tpu.memory_space<semaphore_mem>>) attributes {dimension_semantics = [#tpu.dimension_semantics<core_parallel>, #tpu.dimension_semantics<subcore_parallel>], iteration_bounds = array<i64: 2, 16>, scalar_prefetch = 0 : i64, scratch_operands = 3 : i64, tpu.core_type = #tpu.core_type<sc_vector_subcore>, window_params = [{transform_indices = #map}, {transform_indices = #map1}, {transform_indices = #map}]} {
    %mul3A = arith.constant 2 : i32
    %mul3A_0 = arith.muli %arg1, %mul3A : i32
    %add3A = arith.addi %mul3A_0, %arg0 : i32
    %mul3A_1 = arith.constant 2560 : i32
    %mul3A_2 = arith.muli %add3A, %mul3A_1 : i32
    %multiple_of3A = tpu.assume_multiple %mul3A_2, 8 : i32
    "tpu.region"() ({
      %run_scoped3A = tpu.sem_alloc : memref<!tpu.dma_semaphore, #tpu.memory_space<semaphore_mem>>
      %dma_start3A = arith.constant 0 : i32
      %dma_start3A_8 = arith.constant 0 : i32
      %dma_start3A_9 = tpu.memref_slice %arg3[%add3A, %dma_start3A, %dma_start3A_8] : memref<32x4x640xi32, #tpu.memory_space<hbm>> -> memref<1x4x640xi32, #tpu.memory_space<hbm>>
      %dma_start3A_10 = tpu.memref_squeeze %dma_start3A_9 : memref<1x4x640xi32, #tpu.memory_space<hbm>> -> memref<4x640xi32, #tpu.memory_space<hbm>>
      %dma_start3A_11 = arith.constant 0 : i32
      %dma_start3A_12 = arith.constant 0 : i32
      %dma_start3A_13 = tpu.memref_slice %arg3[%add3A, %dma_start3A_11, %dma_start3A_12] : memref<32x4x640xi32, #tpu.memory_space<hbm>> -> memref<1x4x640xi32, #tpu.memory_space<hbm>>
      %dma_start3A_14 = tpu.memref_squeeze %dma_start3A_13 : memref<1x4x640xi32, #tpu.memory_space<hbm>> -> memref<4x640xi32, #tpu.memory_space<hbm>>
      tpu.enqueue_dma source(%dma_start3A_14 : memref<4x640xi32, #tpu.memory_space<hbm>>) target(%arg5 : memref<4x640xi32, #tpu.memory_space<vmem>>) target_semaphore(%run_scoped3A : memref<!tpu.dma_semaphore, #tpu.memory_space<semaphore_mem>>)
      %dma_wait3A = arith.constant 0 : i32
      %dma_wait3A_15 = arith.constant 0 : i32
      %dma_wait3A_16 = tpu.memref_slice %arg3[%add3A, %dma_wait3A, %dma_wait3A_15] : memref<32x4x640xi32, #tpu.memory_space<hbm>> -> memref<1x4x640xi32, #tpu.memory_space<hbm>>
      %dma_wait3A_17 = tpu.memref_squeeze %dma_wait3A_16 : memref<1x4x640xi32, #tpu.memory_space<hbm>> -> memref<4x640xi32, #tpu.memory_space<hbm>>
      %dma_wait3A_18 = arith.constant 0 : i32
      %dma_wait3A_19 = arith.constant 0 : i32
      %dma_wait3A_20 = tpu.memref_slice %arg3[%add3A, %dma_wait3A_18, %dma_wait3A_19] : memref<32x4x640xi32, #tpu.memory_space<hbm>> -> memref<1x4x640xi32, #tpu.memory_space<hbm>>
      %dma_wait3A_21 = tpu.memref_squeeze %dma_wait3A_20 : memref<1x4x640xi32, #tpu.memory_space<hbm>> -> memref<4x640xi32, #tpu.memory_space<hbm>>
      tpu.wait_dma2 semaphore(%run_scoped3A : memref<!tpu.dma_semaphore, #tpu.memory_space<semaphore_mem>>) src(%dma_wait3A_21 : memref<4x640xi32, #tpu.memory_space<hbm>>) dst(%arg5 : memref<4x640xi32, #tpu.memory_space<vmem>>)
      tpu.yield
    }) : () -> ()
    %scan3A = arith.constant 0 : i32
    %scan3A_3 = arith.constant 0 : i32
    %scan3A_4 = arith.constant 4 : i32
    %scan3A_5 = arith.addi %scan3A_3, %scan3A_4 : i32
    %scan3A_6 = arith.constant 1 : i32
    scf.for %scan3A_8 = %scan3A_3 to %scan3A_5 step %scan3A_6  : i32 {
      %mul3A_9 = arith.constant 640 : i32
      %mul3A_10 = arith.muli %scan3A_8, %mul3A_9 : i32
      %add3A_11 = arith.addi %multiple_of3A, %mul3A_10 : i32
      %multiple_of3A_12 = tpu.assume_multiple %add3A_11, 8 : i32
      %dma_start3A = arith.constant 0 : i32
      %dma_start3A_13 = tpu.memref_slice %arg5[%scan3A_8, %dma_start3A] : memref<4x640xi32, #tpu.memory_space<vmem>> -> memref<1x640xi32, #tpu.memory_space<vmem>>
      %dma_start3A_14 = tpu.memref_squeeze %dma_start3A_13 : memref<1x640xi32, #tpu.memory_space<vmem>> -> memref<640xi32, #tpu.memory_space<vmem>>
      %dma_start3A_15 = arith.constant 0 : i32
      %dma_start3A_16 = arith.constant 0 : i32
      %dma_start3A_17 = tpu.memref_slice %arg2[%dma_start3A_15, %dma_start3A_16] : memref<10240x16xf32, #tpu.memory_space<hbm>> -> memref<10240x16xf32, #tpu.memory_space<hbm>>
      tpu.enqueue_indirect_dma source(%dma_start3A_17 : memref<10240x16xf32, #tpu.memory_space<hbm>>) target(%arg6 : memref<640x16xf32, #tpu.memory_space<vmem>>) offsets(%dma_start3A_14 : memref<640xi32, #tpu.memory_space<vmem>>) semaphore(%arg7 : memref<!tpu.dma_semaphore, #tpu.memory_space<semaphore_mem>>)
      %dma_wait3A = arith.constant 0 : i32
      %dma_wait3A_18 = tpu.memref_slice %arg5[%scan3A_8, %dma_wait3A] : memref<4x640xi32, #tpu.memory_space<vmem>> -> memref<1x640xi32, #tpu.memory_space<vmem>>
      %dma_wait3A_19 = tpu.memref_squeeze %dma_wait3A_18 : memref<1x640xi32, #tpu.memory_space<vmem>> -> memref<640xi32, #tpu.memory_space<vmem>>
      %dma_wait3A_20 = arith.constant 0 : i32
      %dma_wait3A_21 = arith.constant 0 : i32
      %dma_wait3A_22 = tpu.memref_slice %arg2[%dma_wait3A_20, %dma_wait3A_21] : memref<10240x16xf32, #tpu.memory_space<hbm>> -> memref<10240x16xf32, #tpu.memory_space<hbm>>
      tpu.wait_indirect_dma semaphore(%arg7 : memref<!tpu.dma_semaphore, #tpu.memory_space<semaphore_mem>>) src(%dma_wait3A_22 : memref<10240x16xf32, #tpu.memory_space<hbm>>) dst(%arg6 : memref<640x16xf32, #tpu.memory_space<vmem>>)
      "tpu.region"() ({
        %run_scoped3A = tpu.sem_alloc : memref<!tpu.dma_semaphore, #tpu.memory_space<semaphore_mem>>
        %dma_start3A_23 = arith.constant 0 : i32
        %dma_start3A_24 = tpu.memref_slice %arg4[%multiple_of3A_12, %dma_start3A_23] : memref<81920x16xf32, #tpu.memory_space<hbm>> -> memref<640x16xf32, #tpu.memory_space<hbm>>
        %dma_start3A_25 = arith.constant 0 : i32
        %dma_start3A_26 = tpu.memref_slice %arg4[%multiple_of3A_12, %dma_start3A_25] : memref<81920x16xf32, #tpu.memory_space<hbm>> -> memref<640x16xf32, #tpu.memory_space<hbm>>
        tpu.enqueue_dma source(%arg6 : memref<640x16xf32, #tpu.memory_space<vmem>>) target(%dma_start3A_26 : memref<640x16xf32, #tpu.memory_space<hbm>>) target_semaphore(%run_scoped3A : memref<!tpu.dma_semaphore, #tpu.memory_space<semaphore_mem>>)
        %dma_wait3A_27 = arith.constant 0 : i32
        %dma_wait3A_28 = tpu.memref_slice %arg4[%multiple_of3A_12, %dma_wait3A_27] : memref<81920x16xf32, #tpu.memory_space<hbm>> -> memref<640x16xf32, #tpu.memory_space<hbm>>
        %dma_wait3A_29 = arith.constant 0 : i32
        %dma_wait3A_30 = tpu.memref_slice %arg4[%multiple_of3A_12, %dma_wait3A_29] : memref<81920x16xf32, #tpu.memory_space<hbm>> -> memref<640x16xf32, #tpu.memory_space<hbm>>
        tpu.wait_dma2 semaphore(%run_scoped3A : memref<!tpu.dma_semaphore, #tpu.memory_space<semaphore_mem>>) src(%arg6 : memref<640x16xf32, #tpu.memory_space<vmem>>) dst(%dma_wait3A_30 : memref<640x16xf32, #tpu.memory_space<hbm>>)
        tpu.yield
      }) : () -> ()
    }
    %scan3A_7 = arith.constant 4 : i32
    return
  }
}

#map = affine_map<(d0, d1) -> (0, 0)>
#map1 = affine_map<(d0, d1) -> (0, 0, 0)>
module attributes {stable_mosaic.version = 14 : i64} {
  func.func @body(%arg0: i32, %arg1: i32, %arg2: memref<10240x16xf32, #tpu.memory_space<hbm>>, %arg3: memref<32x4x640xi32, #tpu.memory_space<hbm>>, %arg4: memref<81920x16xf32, #tpu.memory_space<hbm>>, %arg5: memref<4x640xi32, #tpu.memory_space<vmem>>, %arg6: memref<640x16xf32, #tpu.memory_space<vmem>>, %arg7: memref<!tpu.dma_semaphore, #tpu.memory_space<semaphore_mem>>) attributes {dimension_semantics = [#tpu.dimension_semantics<core_parallel>, #tpu.dimension_semantics<subcore_parallel>], iteration_bounds = array<i64: 2, 16>, scalar_prefetch = 0 : i64, scratch_operands = 3 : i64, tpu.core_type = #tpu.core_type<sc_vector_subcore>, window_params = [{transform_indices = #map}, {transform_indices = #map1}, {transform_indices = #map}]} {
    %mul3A = arith.constant 2 : i32
    %mul3A_0 = arith.muli %arg1, %mul3A : i32
    %add3A = arith.addi %mul3A_0, %arg0 : i32
    %mul3A_1 = arith.constant 2560 : i32
    %mul3A_2 = arith.muli %add3A, %mul3A_1 : i32
    %multiple_of3A = tpu.assume_multiple %mul3A_2, 8 : i32
    "tpu.region"() ({
      %run_scoped3A = tpu.sem_alloc : memref<!tpu.dma_semaphore, #tpu.memory_space<semaphore_mem>>
      %dma_start3A = arith.constant 0 : i32
      %dma_start3A_8 = arith.constant 0 : i32
      %dma_start3A_9 = tpu.memref_slice %arg3[%add3A, %dma_start3A, %dma_start3A_8] : memref<32x4x640xi32, #tpu.memory_space<hbm>> -> memref<1x4x640xi32, #tpu.memory_space<hbm>>
      %dma_start3A_10 = tpu.memref_squeeze %dma_start3A_9 : memref<1x4x640xi32, #tpu.memory_space<hbm>> -> memref<4x640xi32, #tpu.memory_space<hbm>>
      %dma_start3A_11 = arith.constant 0 : i32
      %dma_start3A_12 = arith.constant 0 : i32
      %dma_start3A_13 = tpu.memref_slice %arg3[%add3A, %dma_start3A_11, %dma_start3A_12] : memref<32x4x640xi32, #tpu.memory_space<hbm>> -> memref<1x4x640xi32, #tpu.memory_space<hbm>>
      %dma_start3A_14 = tpu.memref_squeeze %dma_start3A_13 : memref<1x4x640xi32, #tpu.memory_space<hbm>> -> memref<4x640xi32, #tpu.memory_space<hbm>>
      tpu.enqueue_dma source(%dma_start3A_14 : memref<4x640xi32, #tpu.memory_space<hbm>>) target(%arg5 : memref<4x640xi32, #tpu.memory_space<vmem>>) target_semaphore(%run_scoped3A : memref<!tpu.dma_semaphore, #tpu.memory_space<semaphore_mem>>)
      %dma_wait3A = arith.constant 0 : i32
      %dma_wait3A_15 = arith.constant 0 : i32
      %dma_wait3A_16 = tpu.memref_slice %arg3[%add3A, %dma_wait3A, %dma_wait3A_15] : memref<32x4x640xi32, #tpu.memory_space<hbm>> -> memref<1x4x640xi32, #tpu.memory_space<hbm>>
      %dma_wait3A_17 = tpu.memref_squeeze %dma_wait3A_16 : memref<1x4x640xi32, #tpu.memory_space<hbm>> -> memref<4x640xi32, #tpu.memory_space<hbm>>
      %dma_wait3A_18 = arith.constant 0 : i32
      %dma_wait3A_19 = arith.constant 0 : i32
      %dma_wait3A_20 = tpu.memref_slice %arg3[%add3A, %dma_wait3A_18, %dma_wait3A_19] : memref<32x4x640xi32, #tpu.memory_space<hbm>> -> memref<1x4x640xi32, #tpu.memory_space<hbm>>
      %dma_wait3A_21 = tpu.memref_squeeze %dma_wait3A_20 : memref<1x4x640xi32, #tpu.memory_space<hbm>> -> memref<4x640xi32, #tpu.memory_space<hbm>>
      tpu.wait_dma2 semaphore(%run_scoped3A : memref<!tpu.dma_semaphore, #tpu.memory_space<semaphore_mem>>) src(%dma_wait3A_21 : memref<4x640xi32, #tpu.memory_space<hbm>>) dst(%arg5 : memref<4x640xi32, #tpu.memory_space<vmem>>)
      tpu.yield
    }) : () -> ()
    %scan3A = arith.constant 0 : i32
    %scan3A_3 = arith.constant 0 : i32
    %scan3A_4 = arith.constant 4 : i32
    %scan3A_5 = arith.addi %scan3A_3, %scan3A_4 : i32
    %scan3A_6 = arith.constant 1 : i32
    scf.for %scan3A_8 = %scan3A_3 to %scan3A_5 step %scan3A_6  : i32 {
      %mul3A_9 = arith.constant 640 : i32
      %mul3A_10 = arith.muli %scan3A_8, %mul3A_9 : i32
      %add3A_11 = arith.addi %multiple_of3A, %mul3A_10 : i32
      %multiple_of3A_12 = tpu.assume_multiple %add3A_11, 8 : i32
      %dma_start3A = arith.constant 0 : i32
      %dma_start3A_13 = tpu.memref_slice %arg5[%scan3A_8, %dma_start3A] : memref<4x640xi32, #tpu.memory_space<vmem>> -> memref<1x640xi32, #tpu.memory_space<vmem>>
      %dma_start3A_14 = tpu.memref_squeeze %dma_start3A_13 : memref<1x640xi32, #tpu.memory_space<vmem>> -> memref<640xi32, #tpu.memory_space<vmem>>
      %dma_start3A_15 = arith.constant 0 : i32
      %dma_start3A_16 = arith.constant 0 : i32
      %dma_start3A_17 = tpu.memref_slice %arg2[%dma_start3A_15, %dma_start3A_16] : memref<10240x16xf32, #tpu.memory_space<hbm>> -> memref<10240x16xf32, #tpu.memory_space<hbm>>
      tpu.enqueue_indirect_dma source(%dma_start3A_17 : memref<10240x16xf32, #tpu.memory_space<hbm>>) target(%arg6 : memref<640x16xf32, #tpu.memory_space<vmem>>) offsets(%dma_start3A_14 : memref<640xi32, #tpu.memory_space<vmem>>) semaphore(%arg7 : memref<!tpu.dma_semaphore, #tpu.memory_space<semaphore_mem>>)
      %dma_wait3A = arith.constant 0 : i32
      %dma_wait3A_18 = tpu.memref_slice %arg5[%scan3A_8, %dma_wait3A] : memref<4x640xi32, #tpu.memory_space<vmem>> -> memref<1x640xi32, #tpu.memory_space<vmem>>
      %dma_wait3A_19 = tpu.memref_squeeze %dma_wait3A_18 : memref<1x640xi32, #tpu.memory_space<vmem>> -> memref<640xi32, #tpu.memory_space<vmem>>
      %dma_wait3A_20 = arith.constant 0 : i32
      %dma_wait3A_21 = arith.constant 0 : i32
      %dma_wait3A_22 = tpu.memref_slice %arg2[%dma_wait3A_20, %dma_wait3A_21] : memref<10240x16xf32, #tpu.memory_space<hbm>> -> memref<10240x16xf32, #tpu.memory_space<hbm>>
      tpu.wait_indirect_dma semaphore(%arg7 : memref<!tpu.dma_semaphore, #tpu.memory_space<semaphore_mem>>) src(%dma_wait3A_22 : memref<10240x16xf32, #tpu.memory_space<hbm>>) dst(%arg6 : memref<640x16xf32, #tpu.memory_space<vmem>>)
      "tpu.region"() ({
        %run_scoped3A = tpu.sem_alloc : memref<!tpu.dma_semaphore, #tpu.memory_space<semaphore_mem>>
        %dma_start3A_23 = arith.constant 0 : i32
        %dma_start3A_24 = tpu.memref_slice %arg4[%multiple_of3A_12, %dma_start3A_23] : memref<81920x16xf32, #tpu.memory_space<hbm>> -> memref<640x16xf32, #tpu.memory_space<hbm>>
        %dma_start3A_25 = arith.constant 0 : i32
        %dma_start3A_26 = tpu.memref_slice %arg4[%multiple_of3A_12, %dma_start3A_25] : memref<81920x16xf32, #tpu.memory_space<hbm>> -> memref<640x16xf32, #tpu.memory_space<hbm>>
        tpu.enqueue_dma source(%arg6 : memref<640x16xf32, #tpu.memory_space<vmem>>) target(%dma_start3A_26 : memref<640x16xf32, #tpu.memory_space<hbm>>) target_semaphore(%run_scoped3A : memref<!tpu.dma_semaphore, #tpu.memory_space<semaphore_mem>>)
        %dma_wait3A_27 = arith.constant 0 : i32
        %dma_wait3A_28 = tpu.memref_slice %arg4[%multiple_of3A_12, %dma_wait3A_27] : memref<81920x16xf32, #tpu.memory_space<hbm>> -> memref<640x16xf32, #tpu.memory_space<hbm>>
        %dma_wait3A_29 = arith.constant 0 : i32
        %dma_wait3A_30 = tpu.memref_slice %arg4[%multiple_of3A_12, %dma_wait3A_29] : memref<81920x16xf32, #tpu.memory_space<hbm>> -> memref<640x16xf32, #tpu.memory_space<hbm>>
        tpu.wait_dma2 semaphore(%run_scoped3A : memref<!tpu.dma_semaphore, #tpu.memory_space<semaphore_mem>>) src(%arg6 : memref<640x16xf32, #tpu.memory_space<vmem>>) dst(%dma_wait3A_30 : memref<640x16xf32, #tpu.memory_space<hbm>>)
        tpu.yield
      }) : () -> ()
    }
    %scan3A_7 = arith.constant 4 : i32
    return
  }
}

#map = affine_map<(d0, d1) -> (0, 0)>
#map1 = affine_map<(d0, d1) -> (0, 0, 0)>
module attributes {stable_mosaic.version = 14 : i64} {
  func.func @body(%arg0: i32, %arg1: i32, %arg2: memref<81920x16xf32, #tpu.memory_space<hbm>>, %arg3: memref<32x20x128xi32, #tpu.memory_space<hbm>>, %arg4: memref<640x16xf32, #tpu.memory_space<hbm>>, %arg5: memref<2x10240x16xf32, #tpu.memory_space<hbm>>, %arg6: memref<20x128xi32, #tpu.memory_space<vmem>>, %arg7: memref<128x16xf32, #tpu.memory_space<vmem>>, %arg8: memref<10240x16xf32, #tpu.memory_space<vmem_shared>>) attributes {dimension_semantics = [#tpu.dimension_semantics<core_parallel>, #tpu.dimension_semantics<subcore_parallel>], iteration_bounds = array<i64: 2, 16>, scalar_prefetch = 0 : i64, scratch_operands = 3 : i64, tpu.core_type = #tpu.core_type<sc_vector_subcore>, window_params = [{transform_indices = #map}, {transform_indices = #map1}, {transform_indices = #map}, {transform_indices = #map1}]} {
    %mul3A = arith.constant 2 : i32
    %mul3A_0 = arith.muli %arg1, %mul3A : i32
    %add3A = arith.addi %mul3A_0, %arg0 : i32
    %mul3A_1 = arith.constant 2560 : i32
    %mul3A_2 = arith.muli %add3A, %mul3A_1 : i32
    %multiple_of3A = tpu.assume_multiple %mul3A_2, 8 : i32
    "tpu.region"() ({
      %run_scoped3A = tpu.sem_alloc : memref<!tpu.dma_semaphore, #tpu.memory_space<semaphore_mem>>
      %dma_start3A = arith.constant 0 : i32
      %dma_start3A_15 = arith.constant 0 : i32
      %dma_start3A_16 = tpu.memref_slice %arg3[%add3A, %dma_start3A, %dma_start3A_15] : memref<32x20x128xi32, #tpu.memory_space<hbm>> -> memref<1x20x128xi32, #tpu.memory_space<hbm>>
      %dma_start3A_17 = tpu.memref_squeeze %dma_start3A_16 : memref<1x20x128xi32, #tpu.memory_space<hbm>> -> memref<20x128xi32, #tpu.memory_space<hbm>>
      %dma_start3A_18 = arith.constant 0 : i32
      %dma_start3A_19 = arith.constant 0 : i32
      %dma_start3A_20 = tpu.memref_slice %arg3[%add3A, %dma_start3A_18, %dma_start3A_19] : memref<32x20x128xi32, #tpu.memory_space<hbm>> -> memref<1x20x128xi32, #tpu.memory_space<hbm>>
      %dma_start3A_21 = tpu.memref_squeeze %dma_start3A_20 : memref<1x20x128xi32, #tpu.memory_space<hbm>> -> memref<20x128xi32, #tpu.memory_space<hbm>>
      tpu.enqueue_dma source(%dma_start3A_21 : memref<20x128xi32, #tpu.memory_space<hbm>>) target(%arg6 : memref<20x128xi32, #tpu.memory_space<vmem>>) target_semaphore(%run_scoped3A : memref<!tpu.dma_semaphore, #tpu.memory_space<semaphore_mem>>)
      %dma_wait3A = arith.constant 0 : i32
      %dma_wait3A_22 = arith.constant 0 : i32
      %dma_wait3A_23 = tpu.memref_slice %arg3[%add3A, %dma_wait3A, %dma_wait3A_22] : memref<32x20x128xi32, #tpu.memory_space<hbm>> -> memref<1x20x128xi32, #tpu.memory_space<hbm>>
      %dma_wait3A_24 = tpu.memref_squeeze %dma_wait3A_23 : memref<1x20x128xi32, #tpu.memory_space<hbm>> -> memref<20x128xi32, #tpu.memory_space<hbm>>
      %dma_wait3A_25 = arith.constant 0 : i32
      %dma_wait3A_26 = arith.constant 0 : i32
      %dma_wait3A_27 = tpu.memref_slice %arg3[%add3A, %dma_wait3A_25, %dma_wait3A_26] : memref<32x20x128xi32, #tpu.memory_space<hbm>> -> memref<1x20x128xi32, #tpu.memory_space<hbm>>
      %dma_wait3A_28 = tpu.memref_squeeze %dma_wait3A_27 : memref<1x20x128xi32, #tpu.memory_space<hbm>> -> memref<20x128xi32, #tpu.memory_space<hbm>>
      tpu.wait_dma2 semaphore(%run_scoped3A : memref<!tpu.dma_semaphore, #tpu.memory_space<semaphore_mem>>) src(%dma_wait3A_28 : memref<20x128xi32, #tpu.memory_space<hbm>>) dst(%arg6 : memref<20x128xi32, #tpu.memory_space<vmem>>)
      tpu.yield
    }) : () -> ()
    %mul3A_3 = arith.constant 640 : i32
    %mul3A_4 = arith.muli %arg1, %mul3A_3 : i32
    "tpu.region"() ({
      %run_scoped3A = tpu.sem_alloc : memref<!tpu.dma_semaphore, #tpu.memory_space<semaphore_mem>>
      %dma_start3A = arith.constant 0 : i32
      %dma_start3A_15 = tpu.memref_slice %arg8[%mul3A_4, %dma_start3A] : memref<10240x16xf32, #tpu.memory_space<vmem_shared>> -> memref<640x16xf32, #tpu.memory_space<vmem_shared>>
      tpu.enqueue_dma source(%arg4 : memref<640x16xf32, #tpu.memory_space<hbm>>) target(%dma_start3A_15 : memref<640x16xf32, #tpu.memory_space<vmem_shared>>) target_semaphore(%run_scoped3A : memref<!tpu.dma_semaphore, #tpu.memory_space<semaphore_mem>>)
      %dma_wait3A = arith.constant 0 : i32
      %dma_wait3A_16 = tpu.memref_slice %arg8[%mul3A_4, %dma_wait3A] : memref<10240x16xf32, #tpu.memory_space<vmem_shared>> -> memref<640x16xf32, #tpu.memory_space<vmem_shared>>
      tpu.wait_dma2 semaphore(%run_scoped3A : memref<!tpu.dma_semaphore, #tpu.memory_space<semaphore_mem>>) src(%arg4 : memref<640x16xf32, #tpu.memory_space<hbm>>) dst(%dma_wait3A_16 : memref<640x16xf32, #tpu.memory_space<vmem_shared>>)
      tpu.yield
    }) : () -> ()
    %barrier3A = arith.constant 0 : index
    tpu.barrier barrier_id(%barrier3A)
    %scan3A = arith.constant 0 : i32
    %scan3A_5 = arith.constant 0 : i32
    %scan3A_6 = arith.constant 20 : i32
    %scan3A_7 = arith.addi %scan3A_5, %scan3A_6 : i32
    %scan3A_8 = arith.constant 1 : i32
    scf.for %scan3A_15 = %scan3A_5 to %scan3A_7 step %scan3A_8  : i32 {
      %mul3A_16 = arith.constant 128 : i32
      %mul3A_17 = arith.muli %scan3A_15, %mul3A_16 : i32
      %add3A_18 = arith.addi %multiple_of3A, %mul3A_17 : i32
      %multiple_of3A_19 = tpu.assume_multiple %add3A_18, 8 : i32
      "tpu.region"() ({
        %run_scoped3A = tpu.sem_alloc : memref<!tpu.dma_semaphore, #tpu.memory_space<semaphore_mem>>
        %dma_start3A = arith.constant 0 : i32
        %dma_start3A_20 = tpu.memref_slice %arg2[%multiple_of3A_19, %dma_start3A] : memref<81920x16xf32, #tpu.memory_space<hbm>> -> memref<128x16xf32, #tpu.memory_space<hbm>>
        %dma_start3A_21 = arith.constant 0 : i32
        %dma_start3A_22 = tpu.memref_slice %arg2[%multiple_of3A_19, %dma_start3A_21] : memref<81920x16xf32, #tpu.memory_space<hbm>> -> memref<128x16xf32, #tpu.memory_space<hbm>>
        tpu.enqueue_dma source(%dma_start3A_22 : memref<128x16xf32, #tpu.memory_space<hbm>>) target(%arg7 : memref<128x16xf32, #tpu.memory_space<vmem>>) target_semaphore(%run_scoped3A : memref<!tpu.dma_semaphore, #tpu.memory_space<semaphore_mem>>)
        %dma_wait3A = arith.constant 0 : i32
        %dma_wait3A_23 = tpu.memref_slice %arg2[%multiple_of3A_19, %dma_wait3A] : memref<81920x16xf32, #tpu.memory_space<hbm>> -> memref<128x16xf32, #tpu.memory_space<hbm>>
        %dma_wait3A_24 = arith.constant 0 : i32
        %dma_wait3A_25 = tpu.memref_slice %arg2[%multiple_of3A_19, %dma_wait3A_24] : memref<81920x16xf32, #tpu.memory_space<hbm>> -> memref<128x16xf32, #tpu.memory_space<hbm>>
        tpu.wait_dma2 semaphore(%run_scoped3A : memref<!tpu.dma_semaphore, #tpu.memory_space<semaphore_mem>>) src(%dma_wait3A_25 : memref<128x16xf32, #tpu.memory_space<hbm>>) dst(%arg7 : memref<128x16xf32, #tpu.memory_space<vmem>>)
        tpu.yield
      }) : () -> ()
      "tpu.region"() ({
        %run_scoped3A = tpu.sem_alloc : memref<!tpu.dma_semaphore, #tpu.memory_space<semaphore_mem>>
        %dma_start3A = arith.constant 0 : i32
        %dma_start3A_20 = tpu.memref_slice %arg6[%scan3A_15, %dma_start3A] : memref<20x128xi32, #tpu.memory_space<vmem>> -> memref<1x128xi32, #tpu.memory_space<vmem>>
        %dma_start3A_21 = tpu.memref_squeeze %dma_start3A_20 : memref<1x128xi32, #tpu.memory_space<vmem>> -> memref<128xi32, #tpu.memory_space<vmem>>
        %dma_start3A_22 = arith.constant 0 : i32
        %dma_start3A_23 = arith.constant 0 : i32
        %dma_start3A_24 = tpu.memref_slice %arg8[%dma_start3A_22, %dma_start3A_23] : memref<10240x16xf32, #tpu.memory_space<vmem_shared>> -> memref<10240x16xf32, #tpu.memory_space<vmem_shared>>
        tpu.enqueue_indirect_dma source(%arg7 : memref<128x16xf32, #tpu.memory_space<vmem>>) target(%dma_start3A_24 : memref<10240x16xf32, #tpu.memory_space<vmem_shared>>) offsets(%dma_start3A_21 : memref<128xi32, #tpu.memory_space<vmem>>) semaphore(%run_scoped3A : memref<!tpu.dma_semaphore, #tpu.memory_space<semaphore_mem>>) {add = true}
        %dma_wait3A = arith.constant 0 : i32
        %dma_wait3A_25 = tpu.memref_slice %arg6[%scan3A_15, %dma_wait3A] : memref<20x128xi32, #tpu.memory_space<vmem>> -> memref<1x128xi32, #tpu.memory_space<vmem>>
        %dma_wait3A_26 = tpu.memref_squeeze %dma_wait3A_25 : memref<1x128xi32, #tpu.memory_space<vmem>> -> memref<128xi32, #tpu.memory_space<vmem>>
        %dma_wait3A_27 = arith.constant 0 : i32
        %dma_wait3A_28 = arith.constant 0 : i32
        %dma_wait3A_29 = tpu.memref_slice %arg8[%dma_wait3A_27, %dma_wait3A_28] : memref<10240x16xf32, #tpu.memory_space<vmem_shared>> -> memref<10240x16xf32, #tpu.memory_space<vmem_shared>>
        tpu.wait_indirect_dma semaphore(%run_scoped3A : memref<!tpu.dma_semaphore, #tpu.memory_space<semaphore_mem>>) src(%arg7 : memref<128x16xf32, #tpu.memory_space<vmem>>) dst(%dma_wait3A_29 : memref<10240x16xf32, #tpu.memory_space<vmem_shared>>)
        tpu.yield
      }) : () -> ()
    }
    %scan3A_9 = arith.constant 20 : i32
    %barrier3A_10 = arith.constant 0 : index
    tpu.barrier barrier_id(%barrier3A_10)
    %mul3A_11 = arith.constant 640 : i32
    %mul3A_12 = arith.muli %arg1, %mul3A_11 : i32
    %mul3A_13 = arith.constant 640 : i32
    %mul3A_14 = arith.muli %arg1, %mul3A_13 : i32
    "tpu.region"() ({
      %run_scoped3A = tpu.sem_alloc : memref<!tpu.dma_semaphore, #tpu.memory_space<semaphore_mem>>
      %dma_start3A = arith.constant 0 : i32
      %dma_start3A_15 = tpu.memref_slice %arg5[%arg0, %mul3A_14, %dma_start3A] : memref<2x10240x16xf32, #tpu.memory_space<hbm>> -> memref<1x640x16xf32, #tpu.memory_space<hbm>>
      %dma_start3A_16 = tpu.memref_squeeze %dma_start3A_15 : memref<1x640x16xf32, #tpu.memory_space<hbm>> -> memref<640x16xf32, #tpu.memory_space<hbm>>
      %dma_start3A_17 = arith.constant 0 : i32
      %dma_start3A_18 = tpu.memref_slice %arg8[%mul3A_12, %dma_start3A_17] : memref<10240x16xf32, #tpu.memory_space<vmem_shared>> -> memref<640x16xf32, #tpu.memory_space<vmem_shared>>
      tpu.enqueue_dma source(%dma_start3A_18 : memref<640x16xf32, #tpu.memory_space<vmem_shared>>) target(%dma_start3A_16 : memref<640x16xf32, #tpu.memory_space<hbm>>) target_semaphore(%run_scoped3A : memref<!tpu.dma_semaphore, #tpu.memory_space<semaphore_mem>>)
      %dma_wait3A = arith.constant 0 : i32
      %dma_wait3A_19 = tpu.memref_slice %arg5[%arg0, %mul3A_14, %dma_wait3A] : memref<2x10240x16xf32, #tpu.memory_space<hbm>> -> memref<1x640x16xf32, #tpu.memory_space<hbm>>
      %dma_wait3A_20 = tpu.memref_squeeze %dma_wait3A_19 : memref<1x640x16xf32, #tpu.memory_space<hbm>> -> memref<640x16xf32, #tpu.memory_space<hbm>>
      %dma_wait3A_21 = arith.constant 0 : i32
      %dma_wait3A_22 = tpu.memref_slice %arg8[%mul3A_12, %dma_wait3A_21] : memref<10240x16xf32, #tpu.memory_space<vmem_shared>> -> memref<640x16xf32, #tpu.memory_space<vmem_shared>>
      tpu.wait_dma2 semaphore(%run_scoped3A : memref<!tpu.dma_semaphore, #tpu.memory_space<semaphore_mem>>) src(%dma_wait3A_22 : memref<640x16xf32, #tpu.memory_space<vmem_shared>>) dst(%dma_wait3A_20 : memref<640x16xf32, #tpu.memory_space<hbm>>)
      tpu.yield
    }) : () -> ()
    return
  }
}

#map = affine_map<(d0, d1) -> (0, 0)>
#map1 = affine_map<(d0, d1) -> (0, 0, 0)>
module attributes {stable_mosaic.version = 14 : i64} {
  func.func @body(%arg0: i32, %arg1: i32, %arg2: memref<81920x16xf32, #tpu.memory_space<hbm>>, %arg3: memref<32x20x128xi32, #tpu.memory_space<hbm>>, %arg4: memref<640x16xf32, #tpu.memory_space<hbm>>, %arg5: memref<2x10240x16xf32, #tpu.memory_space<hbm>>, %arg6: memref<20x128xi32, #tpu.memory_space<vmem>>, %arg7: memref<128x16xf32, #tpu.memory_space<vmem>>, %arg8: memref<10240x16xf32, #tpu.memory_space<vmem_shared>>) attributes {dimension_semantics = [#tpu.dimension_semantics<core_parallel>, #tpu.dimension_semantics<subcore_parallel>], iteration_bounds = array<i64: 2, 16>, scalar_prefetch = 0 : i64, scratch_operands = 3 : i64, tpu.core_type = #tpu.core_type<sc_vector_subcore>, window_params = [{transform_indices = #map}, {transform_indices = #map1}, {transform_indices = #map}, {transform_indices = #map1}]} {
    %mul3A = arith.constant 2 : i32
    %mul3A_0 = arith.muli %arg1, %mul3A : i32
    %add3A = arith.addi %mul3A_0, %arg0 : i32
    %mul3A_1 = arith.constant 2560 : i32
    %mul3A_2 = arith.muli %add3A, %mul3A_1 : i32
    %multiple_of3A = tpu.assume_multiple %mul3A_2, 8 : i32
    "tpu.region"() ({
      %run_scoped3A = tpu.sem_alloc : memref<!tpu.dma_semaphore, #tpu.memory_space<semaphore_mem>>
      %dma_start3A = arith.constant 0 : i32
      %dma_start3A_15 = arith.constant 0 : i32
      %dma_start3A_16 = tpu.memref_slice %arg3[%add3A, %dma_start3A, %dma_start3A_15] : memref<32x20x128xi32, #tpu.memory_space<hbm>> -> memref<1x20x128xi32, #tpu.memory_space<hbm>>
      %dma_start3A_17 = tpu.memref_squeeze %dma_start3A_16 : memref<1x20x128xi32, #tpu.memory_space<hbm>> -> memref<20x128xi32, #tpu.memory_space<hbm>>
      %dma_start3A_18 = arith.constant 0 : i32
      %dma_start3A_19 = arith.constant 0 : i32
      %dma_start3A_20 = tpu.memref_slice %arg3[%add3A, %dma_start3A_18, %dma_start3A_19] : memref<32x20x128xi32, #tpu.memory_space<hbm>> -> memref<1x20x128xi32, #tpu.memory_space<hbm>>
      %dma_start3A_21 = tpu.memref_squeeze %dma_start3A_20 : memref<1x20x128xi32, #tpu.memory_space<hbm>> -> memref<20x128xi32, #tpu.memory_space<hbm>>
      tpu.enqueue_dma source(%dma_start3A_21 : memref<20x128xi32, #tpu.memory_space<hbm>>) target(%arg6 : memref<20x128xi32, #tpu.memory_space<vmem>>) target_semaphore(%run_scoped3A : memref<!tpu.dma_semaphore, #tpu.memory_space<semaphore_mem>>)
      %dma_wait3A = arith.constant 0 : i32
      %dma_wait3A_22 = arith.constant 0 : i32
      %dma_wait3A_23 = tpu.memref_slice %arg3[%add3A, %dma_wait3A, %dma_wait3A_22] : memref<32x20x128xi32, #tpu.memory_space<hbm>> -> memref<1x20x128xi32, #tpu.memory_space<hbm>>
      %dma_wait3A_24 = tpu.memref_squeeze %dma_wait3A_23 : memref<1x20x128xi32, #tpu.memory_space<hbm>> -> memref<20x128xi32, #tpu.memory_space<hbm>>
      %dma_wait3A_25 = arith.constant 0 : i32
      %dma_wait3A_26 = arith.constant 0 : i32
      %dma_wait3A_27 = tpu.memref_slice %arg3[%add3A, %dma_wait3A_25, %dma_wait3A_26] : memref<32x20x128xi32, #tpu.memory_space<hbm>> -> memref<1x20x128xi32, #tpu.memory_space<hbm>>
      %dma_wait3A_28 = tpu.memref_squeeze %dma_wait3A_27 : memref<1x20x128xi32, #tpu.memory_space<hbm>> -> memref<20x128xi32, #tpu.memory_space<hbm>>
      tpu.wait_dma2 semaphore(%run_scoped3A : memref<!tpu.dma_semaphore, #tpu.memory_space<semaphore_mem>>) src(%dma_wait3A_28 : memref<20x128xi32, #tpu.memory_space<hbm>>) dst(%arg6 : memref<20x128xi32, #tpu.memory_space<vmem>>)
      tpu.yield
    }) : () -> ()
    %mul3A_3 = arith.constant 640 : i32
    %mul3A_4 = arith.muli %arg1, %mul3A_3 : i32
    "tpu.region"() ({
      %run_scoped3A = tpu.sem_alloc : memref<!tpu.dma_semaphore, #tpu.memory_space<semaphore_mem>>
      %dma_start3A = arith.constant 0 : i32
      %dma_start3A_15 = tpu.memref_slice %arg8[%mul3A_4, %dma_start3A] : memref<10240x16xf32, #tpu.memory_space<vmem_shared>> -> memref<640x16xf32, #tpu.memory_space<vmem_shared>>
      tpu.enqueue_dma source(%arg4 : memref<640x16xf32, #tpu.memory_space<hbm>>) target(%dma_start3A_15 : memref<640x16xf32, #tpu.memory_space<vmem_shared>>) target_semaphore(%run_scoped3A : memref<!tpu.dma_semaphore, #tpu.memory_space<semaphore_mem>>)
      %dma_wait3A = arith.constant 0 : i32
      %dma_wait3A_16 = tpu.memref_slice %arg8[%mul3A_4, %dma_wait3A] : memref<10240x16xf32, #tpu.memory_space<vmem_shared>> -> memref<640x16xf32, #tpu.memory_space<vmem_shared>>
      tpu.wait_dma2 semaphore(%run_scoped3A : memref<!tpu.dma_semaphore, #tpu.memory_space<semaphore_mem>>) src(%arg4 : memref<640x16xf32, #tpu.memory_space<hbm>>) dst(%dma_wait3A_16 : memref<640x16xf32, #tpu.memory_space<vmem_shared>>)
      tpu.yield
    }) : () -> ()
    %barrier3A = arith.constant 0 : index
    tpu.barrier barrier_id(%barrier3A)
    %scan3A = arith.constant 0 : i32
    %scan3A_5 = arith.constant 0 : i32
    %scan3A_6 = arith.constant 20 : i32
    %scan3A_7 = arith.addi %scan3A_5, %scan3A_6 : i32
    %scan3A_8 = arith.constant 1 : i32
    scf.for %scan3A_15 = %scan3A_5 to %scan3A_7 step %scan3A_8  : i32 {
      %mul3A_16 = arith.constant 128 : i32
      %mul3A_17 = arith.muli %scan3A_15, %mul3A_16 : i32
      %add3A_18 = arith.addi %multiple_of3A, %mul3A_17 : i32
      %multiple_of3A_19 = tpu.assume_multiple %add3A_18, 8 : i32
      "tpu.region"() ({
        %run_scoped3A = tpu.sem_alloc : memref<!tpu.dma_semaphore, #tpu.memory_space<semaphore_mem>>
        %dma_start3A = arith.constant 0 : i32
        %dma_start3A_20 = tpu.memref_slice %arg2[%multiple_of3A_19, %dma_start3A] : memref<81920x16xf32, #tpu.memory_space<hbm>> -> memref<128x16xf32, #tpu.memory_space<hbm>>
        %dma_start3A_21 = arith.constant 0 : i32
        %dma_start3A_22 = tpu.memref_slice %arg2[%multiple_of3A_19, %dma_start3A_21] : memref<81920x16xf32, #tpu.memory_space<hbm>> -> memref<128x16xf32, #tpu.memory_space<hbm>>
        tpu.enqueue_dma source(%dma_start3A_22 : memref<128x16xf32, #tpu.memory_space<hbm>>) target(%arg7 : memref<128x16xf32, #tpu.memory_space<vmem>>) target_semaphore(%run_scoped3A : memref<!tpu.dma_semaphore, #tpu.memory_space<semaphore_mem>>)
        %dma_wait3A = arith.constant 0 : i32
        %dma_wait3A_23 = tpu.memref_slice %arg2[%multiple_of3A_19, %dma_wait3A] : memref<81920x16xf32, #tpu.memory_space<hbm>> -> memref<128x16xf32, #tpu.memory_space<hbm>>
        %dma_wait3A_24 = arith.constant 0 : i32
        %dma_wait3A_25 = tpu.memref_slice %arg2[%multiple_of3A_19, %dma_wait3A_24] : memref<81920x16xf32, #tpu.memory_space<hbm>> -> memref<128x16xf32, #tpu.memory_space<hbm>>
        tpu.wait_dma2 semaphore(%run_scoped3A : memref<!tpu.dma_semaphore, #tpu.memory_space<semaphore_mem>>) src(%dma_wait3A_25 : memref<128x16xf32, #tpu.memory_space<hbm>>) dst(%arg7 : memref<128x16xf32, #tpu.memory_space<vmem>>)
        tpu.yield
      }) : () -> ()
      "tpu.region"() ({
        %run_scoped3A = tpu.sem_alloc : memref<!tpu.dma_semaphore, #tpu.memory_space<semaphore_mem>>
        %dma_start3A = arith.constant 0 : i32
        %dma_start3A_20 = tpu.memref_slice %arg6[%scan3A_15, %dma_start3A] : memref<20x128xi32, #tpu.memory_space<vmem>> -> memref<1x128xi32, #tpu.memory_space<vmem>>
        %dma_start3A_21 = tpu.memref_squeeze %dma_start3A_20 : memref<1x128xi32, #tpu.memory_space<vmem>> -> memref<128xi32, #tpu.memory_space<vmem>>
        %dma_start3A_22 = arith.constant 0 : i32
        %dma_start3A_23 = arith.constant 0 : i32
        %dma_start3A_24 = tpu.memref_slice %arg8[%dma_start3A_22, %dma_start3A_23] : memref<10240x16xf32, #tpu.memory_space<vmem_shared>> -> memref<10240x16xf32, #tpu.memory_space<vmem_shared>>
        tpu.enqueue_indirect_dma source(%arg7 : memref<128x16xf32, #tpu.memory_space<vmem>>) target(%dma_start3A_24 : memref<10240x16xf32, #tpu.memory_space<vmem_shared>>) offsets(%dma_start3A_21 : memref<128xi32, #tpu.memory_space<vmem>>) semaphore(%run_scoped3A : memref<!tpu.dma_semaphore, #tpu.memory_space<semaphore_mem>>) {add = true}
        %dma_wait3A = arith.constant 0 : i32
        %dma_wait3A_25 = tpu.memref_slice %arg6[%scan3A_15, %dma_wait3A] : memref<20x128xi32, #tpu.memory_space<vmem>> -> memref<1x128xi32, #tpu.memory_space<vmem>>
        %dma_wait3A_26 = tpu.memref_squeeze %dma_wait3A_25 : memref<1x128xi32, #tpu.memory_space<vmem>> -> memref<128xi32, #tpu.memory_space<vmem>>
        %dma_wait3A_27 = arith.constant 0 : i32
        %dma_wait3A_28 = arith.constant 0 : i32
        %dma_wait3A_29 = tpu.memref_slice %arg8[%dma_wait3A_27, %dma_wait3A_28] : memref<10240x16xf32, #tpu.memory_space<vmem_shared>> -> memref<10240x16xf32, #tpu.memory_space<vmem_shared>>
        tpu.wait_indirect_dma semaphore(%run_scoped3A : memref<!tpu.dma_semaphore, #tpu.memory_space<semaphore_mem>>) src(%arg7 : memref<128x16xf32, #tpu.memory_space<vmem>>) dst(%dma_wait3A_29 : memref<10240x16xf32, #tpu.memory_space<vmem_shared>>)
        tpu.yield
      }) : () -> ()
    }
    %scan3A_9 = arith.constant 20 : i32
    %barrier3A_10 = arith.constant 0 : index
    tpu.barrier barrier_id(%barrier3A_10)
    %mul3A_11 = arith.constant 640 : i32
    %mul3A_12 = arith.muli %arg1, %mul3A_11 : i32
    %mul3A_13 = arith.constant 640 : i32
    %mul3A_14 = arith.muli %arg1, %mul3A_13 : i32
    "tpu.region"() ({
      %run_scoped3A = tpu.sem_alloc : memref<!tpu.dma_semaphore, #tpu.memory_space<semaphore_mem>>
      %dma_start3A = arith.constant 0 : i32
      %dma_start3A_15 = tpu.memref_slice %arg5[%arg0, %mul3A_14, %dma_start3A] : memref<2x10240x16xf32, #tpu.memory_space<hbm>> -> memref<1x640x16xf32, #tpu.memory_space<hbm>>
      %dma_start3A_16 = tpu.memref_squeeze %dma_start3A_15 : memref<1x640x16xf32, #tpu.memory_space<hbm>> -> memref<640x16xf32, #tpu.memory_space<hbm>>
      %dma_start3A_17 = arith.constant 0 : i32
      %dma_start3A_18 = tpu.memref_slice %arg8[%mul3A_12, %dma_start3A_17] : memref<10240x16xf32, #tpu.memory_space<vmem_shared>> -> memref<640x16xf32, #tpu.memory_space<vmem_shared>>
      tpu.enqueue_dma source(%dma_start3A_18 : memref<640x16xf32, #tpu.memory_space<vmem_shared>>) target(%dma_start3A_16 : memref<640x16xf32, #tpu.memory_space<hbm>>) target_semaphore(%run_scoped3A : memref<!tpu.dma_semaphore, #tpu.memory_space<semaphore_mem>>)
      %dma_wait3A = arith.constant 0 : i32
      %dma_wait3A_19 = tpu.memref_slice %arg5[%arg0, %mul3A_14, %dma_wait3A] : memref<2x10240x16xf32, #tpu.memory_space<hbm>> -> memref<1x640x16xf32, #tpu.memory_space<hbm>>
      %dma_wait3A_20 = tpu.memref_squeeze %dma_wait3A_19 : memref<1x640x16xf32, #tpu.memory_space<hbm>> -> memref<640x16xf32, #tpu.memory_space<hbm>>
      %dma_wait3A_21 = arith.constant 0 : i32
      %dma_wait3A_22 = tpu.memref_slice %arg8[%mul3A_12, %dma_wait3A_21] : memref<10240x16xf32, #tpu.memory_space<vmem_shared>> -> memref<640x16xf32, #tpu.memory_space<vmem_shared>>
      tpu.wait_dma2 semaphore(%run_scoped3A : memref<!tpu.dma_semaphore, #tpu.memory_space<semaphore_mem>>) src(%dma_wait3A_22 : memref<640x16xf32, #tpu.memory_space<vmem_shared>>) dst(%dma_wait3A_20 : memref<640x16xf32, #tpu.memory_space<hbm>>)
      tpu.yield
    }) : () -> ()
    return
  }
}

module attributes {stable_mosaic.version = 14 : i64} {
  func.func @_edge0_body(%arg0: i32, %arg1: memref<256x128xbf16, #tpu.memory_space<vmem>>, %arg2: memref<512x128xf32, #tpu.memory_space<vmem>>, %arg3: memref<256x512xbf16, #tpu.memory_space<vmem>>, %arg4: memref<256x512xbf16, #tpu.memory_space<vmem>>, %arg5: memref<128x4096xbf16, #tpu.memory_space<vmem>>, %arg6: memref<1x4096xf32, #tpu.memory_space<vmem>>, %arg7: memref<256x4096xbf16, #tpu.memory_space<vmem>>, %arg8: memref<4096x128xbf16, #tpu.memory_space<vmem>>, %arg9: memref<256x128xf32, #tpu.memory_space<vmem>>) attributes {dimension_semantics = [#tpu.dimension_semantics<arbitrary>], iteration_bounds = array<i64: 40>, scalar_prefetch = 0 : i64, scratch_operands = 0 : i64, tpu.core_type = #tpu.core_type<tc>, window_params = [{transform_indices = @transform_0, window_bounds = array<i64: 256, 128>}, {transform_indices = @transform_1, window_bounds = array<i64: 512, 128>}, {pipeline_mode = #tpu.pipeline_mode<synchronous>, transform_indices = @transform_2, window_bounds = array<i64: 256, 512>}, {pipeline_mode = #tpu.pipeline_mode<synchronous>, transform_indices = @transform_3, window_bounds = array<i64: 256, 512>}, {pipeline_mode = #tpu.pipeline_mode<synchronous>, transform_indices = @transform_4, window_bounds = array<i64: 128, 4096>}, {pipeline_mode = #tpu.pipeline_mode<synchronous>, transform_indices = @transform_5, window_bounds = array<i64: 1, 4096>}, {pipeline_mode = #tpu.pipeline_mode<synchronous>, transform_indices = @transform_6, window_bounds = array<i64: 256, 4096>}, {pipeline_mode = #tpu.pipeline_mode<synchronous>, transform_indices = @transform_7, window_bounds = array<i64: 4096, 128>}, {transform_indices = @transform_8, window_bounds = array<i64: 256, 128>}]} {
    %get3A = arith.constant 0 : index
    %get3A_0 = arith.constant 0 : index
    %get3A_1 = vector.load %arg1[%get3A, %get3A_0] : memref<256x128xbf16, #tpu.memory_space<vmem>>, vector<256x128xbf16>
    %get3A_2 = arith.constant 0 : index
    %get3A_3 = arith.constant 0 : index
    %get3A_4 = vector.load %arg5[%get3A_2, %get3A_3] : memref<128x4096xbf16, #tpu.memory_space<vmem>>, vector<128x4096xbf16>
    %dot_general3A = arith.constant dense<0.000000e+00> : vector<256x4096xf32>
    %dot_general3A_5 = tpu.matmul %get3A_1, %get3A_4, %dot_general3A {dimension_numbers = #tpu.dot_dimension_numbers<[1], [0], [0], [1], [0, 0, 1, 1], [], []>, transpose_lhs_hint = false} : vector<256x128xbf16>, vector<128x4096xbf16>, vector<256x4096xf32> -> vector<256x4096xf32>
    %get3A_6 = arith.constant 0 : index
    %get3A_7 = arith.constant 0 : index
    %get3A_8 = vector.load %arg6[%get3A_6, %get3A_7] : memref<1x4096xf32, #tpu.memory_space<vmem>>, vector<1x4096xf32>
    %add3A = vector.broadcast %get3A_8 : vector<1x4096xf32> to vector<256x4096xf32>
    %add3A_9 = arith.addf %dot_general3A_5, %add3A : vector<256x4096xf32>
    %max3A = arith.constant 0.000000e+00 : f32
    %max3A_10 = vector.broadcast %max3A : f32 to vector<256x4096xf32>
    %max3A_11 = arith.maximumf %add3A_9, %max3A_10 : vector<256x4096xf32>
    %convert_element_type3A = arith.truncf %max3A_11 : vector<256x4096xf32> to vector<256x4096xbf16>
    %get3A_12 = arith.constant 0 : index
    %get3A_13 = arith.constant 0 : index
    %get3A_14 = vector.load %arg2[%get3A_12, %get3A_13] : memref<512x128xf32, #tpu.memory_space<vmem>>, vector<512x128xf32>
    %convert_element_type3A_15 = arith.truncf %get3A_14 : vector<512x128xf32> to vector<512x128xbf16>
    %get3A_16 = arith.constant 0 : index
    %get3A_17 = arith.constant 0 : index
    %get3A_18 = vector.load %arg3[%get3A_16, %get3A_17] : memref<256x512xbf16, #tpu.memory_space<vmem>>, vector<256x512xbf16>
    %dot_general3A_19 = arith.constant dense<0.000000e+00> : vector<256x128xf32>
    %dot_general3A_20 = tpu.matmul %get3A_18, %convert_element_type3A_15, %dot_general3A_19 {dimension_numbers = #tpu.dot_dimension_numbers<[1], [0], [0], [1], [0, 0, 1, 1], [], []>, transpose_lhs_hint = false} : vector<256x512xbf16>, vector<512x128xbf16>, vector<256x128xf32> -> vector<256x128xf32>
    %get3A_21 = arith.constant 0 : index
    %get3A_22 = arith.constant 0 : index
    %get3A_23 = vector.load %arg4[%get3A_21, %get3A_22] : memref<256x512xbf16, #tpu.memory_space<vmem>>, vector<256x512xbf16>
    %dot_general3A_24 = arith.constant dense<0.000000e+00> : vector<256x128xf32>
    %dot_general3A_25 = tpu.matmul %get3A_23, %convert_element_type3A_15, %dot_general3A_24 {dimension_numbers = #tpu.dot_dimension_numbers<[1], [0], [0], [1], [0, 0, 1, 1], [], []>, transpose_lhs_hint = false} : vector<256x512xbf16>, vector<512x128xbf16>, vector<256x128xf32> -> vector<256x128xf32>
    %concatenate3A = tpu.concatenate %dot_general3A_20, %dot_general3A_25 in 1 : vector<256x128xf32>, vector<256x128xf32> -> vector<256x256xf32>
    %convert_element_type3A_26 = arith.truncf %concatenate3A : vector<256x256xf32> to vector<256x256xbf16>
    %get3A_27 = arith.constant 0 : index
    %get3A_28 = arith.constant 0 : index
    %get3A_29 = vector.load %arg7[%get3A_27, %get3A_28] : memref<256x4096xbf16, #tpu.memory_space<vmem>>, vector<256x4096xbf16>
    %dot_general3A_30 = arith.constant dense<0.000000e+00> : vector<256x4096xf32>
    %dot_general3A_31 = tpu.matmul %convert_element_type3A_26, %get3A_29, %dot_general3A_30 {dimension_numbers = #tpu.dot_dimension_numbers<[1], [0], [0], [1], [0, 0, 1, 1], [], []>, transpose_lhs_hint = false} : vector<256x256xbf16>, vector<256x4096xbf16>, vector<256x4096xf32> -> vector<256x4096xf32>
    %convert_element_type3A_32 = arith.truncf %dot_general3A_31 : vector<256x4096xf32> to vector<256x4096xbf16>
    %mul3A = arith.mulf %convert_element_type3A_32, %convert_element_type3A : vector<256x4096xbf16>
    %get3A_33 = arith.constant 0 : index
    %get3A_34 = arith.constant 0 : index
    %get3A_35 = vector.load %arg8[%get3A_33, %get3A_34] : memref<4096x128xbf16, #tpu.memory_space<vmem>>, vector<4096x128xbf16>
    %dot_general3A_36 = arith.constant dense<0.000000e+00> : vector<256x128xf32>
    %dot_general3A_37 = tpu.matmul %mul3A, %get3A_35, %dot_general3A_36 {dimension_numbers = #tpu.dot_dimension_numbers<[1], [0], [0], [1], [0, 0, 1, 1], [], []>, transpose_lhs_hint = false} : vector<256x4096xbf16>, vector<4096x128xbf16>, vector<256x128xf32> -> vector<256x128xf32>
    %swap3A = arith.constant 0 : index
    %swap3A_38 = arith.constant 0 : index
    %swap3A_39 = vector.load %arg9[%swap3A, %swap3A_38] : memref<256x128xf32, #tpu.memory_space<vmem>>, vector<256x128xf32>
    tpu.vector_store %arg9[%swap3A, %swap3A_38], %dot_general3A_37 {strides = array<i32>} : memref<256x128xf32, #tpu.memory_space<vmem>>, vector<256x128xf32>,
    return
  }
  func.func @transform_0(%arg0: i32) -> (i32, i32) {
    %add3A = arith.constant 0 : i32
    %add3A_0 = arith.addi %arg0, %add3A : i32
    %min3A = arith.constant 78 : i32
    %min3A_1 = arith.minsi %add3A_0, %min3A : i32
    %c0_i32 = arith.constant 0 : i32
    %c0_i32_2 = arith.constant 0 : i32
    return %min3A_1, %c0_i32 : i32, i32
  }
  func.func @transform_1(%arg0: i32) -> (i32, i32) {
    %c0_i32 = arith.constant 0 : i32
    %c0_i32_0 = arith.constant 0 : i32
    return %arg0, %c0_i32 : i32, i32
  }
  func.func @transform_2(%arg0: i32) -> (i32, i32) {
    %c0_i32 = arith.constant 0 : i32
    %c0_i32_0 = arith.constant 0 : i32
    %c0_i32_1 = arith.constant 0 : i32
    return %c0_i32, %c0_i32_0 : i32, i32
  }
  func.func @transform_3(%arg0: i32) -> (i32, i32) {
    %c0_i32 = arith.constant 0 : i32
    %c0_i32_0 = arith.constant 0 : i32
    %c0_i32_1 = arith.constant 0 : i32
    return %c0_i32, %c0_i32_0 : i32, i32
  }
  func.func @transform_4(%arg0: i32) -> (i32, i32) {
    %c0_i32 = arith.constant 0 : i32
    %c0_i32_0 = arith.constant 0 : i32
    %c0_i32_1 = arith.constant 0 : i32
    return %c0_i32, %c0_i32_0 : i32, i32
  }
  func.func @transform_5(%arg0: i32) -> (i32, i32) {
    %c0_i32 = arith.constant 0 : i32
    %c0_i32_0 = arith.constant 0 : i32
    %c0_i32_1 = arith.constant 0 : i32
    return %c0_i32, %c0_i32_0 : i32, i32
  }
  func.func @transform_6(%arg0: i32) -> (i32, i32) {
    %c0_i32 = arith.constant 0 : i32
    %c0_i32_0 = arith.constant 0 : i32
    %c0_i32_1 = arith.constant 0 : i32
    return %c0_i32, %c0_i32_0 : i32, i32
  }
  func.func @transform_7(%arg0: i32) -> (i32, i32) {
    %c0_i32 = arith.constant 0 : i32
    %c0_i32_0 = arith.constant 0 : i32
    %c0_i32_1 = arith.constant 0 : i32
    return %c0_i32, %c0_i32_0 : i32, i32
  }
  func.func @transform_8(%arg0: i32) -> (i32, i32) {
    %c0_i32 = arith.constant 0 : i32
    %c0_i32_0 = arith.constant 0 : i32
    return %arg0, %c0_i32 : i32, i32
  }
}

module attributes {stable_mosaic.version = 14 : i64} {
  func.func @_edge0_body(%arg0: i32, %arg1: memref<256x128xbf16, #tpu.memory_space<vmem>>, %arg2: memref<512x128xf32, #tpu.memory_space<vmem>>, %arg3: memref<256x512xbf16, #tpu.memory_space<vmem>>, %arg4: memref<256x512xbf16, #tpu.memory_space<vmem>>, %arg5: memref<128x4096xbf16, #tpu.memory_space<vmem>>, %arg6: memref<1x4096xf32, #tpu.memory_space<vmem>>, %arg7: memref<256x4096xbf16, #tpu.memory_space<vmem>>, %arg8: memref<4096x128xbf16, #tpu.memory_space<vmem>>, %arg9: memref<256x128xf32, #tpu.memory_space<vmem>>) attributes {dimension_semantics = [#tpu.dimension_semantics<arbitrary>], iteration_bounds = array<i64: 40>, scalar_prefetch = 0 : i64, scratch_operands = 0 : i64, tpu.core_type = #tpu.core_type<tc>, window_params = [{transform_indices = @transform_0, window_bounds = array<i64: 256, 128>}, {transform_indices = @transform_1, window_bounds = array<i64: 512, 128>}, {pipeline_mode = #tpu.pipeline_mode<synchronous>, transform_indices = @transform_2, window_bounds = array<i64: 256, 512>}, {pipeline_mode = #tpu.pipeline_mode<synchronous>, transform_indices = @transform_3, window_bounds = array<i64: 256, 512>}, {pipeline_mode = #tpu.pipeline_mode<synchronous>, transform_indices = @transform_4, window_bounds = array<i64: 128, 4096>}, {pipeline_mode = #tpu.pipeline_mode<synchronous>, transform_indices = @transform_5, window_bounds = array<i64: 1, 4096>}, {pipeline_mode = #tpu.pipeline_mode<synchronous>, transform_indices = @transform_6, window_bounds = array<i64: 256, 4096>}, {pipeline_mode = #tpu.pipeline_mode<synchronous>, transform_indices = @transform_7, window_bounds = array<i64: 4096, 128>}, {transform_indices = @transform_8, window_bounds = array<i64: 256, 128>}]} {
    %get3A = arith.constant 0 : index
    %get3A_0 = arith.constant 0 : index
    %get3A_1 = vector.load %arg1[%get3A, %get3A_0] : memref<256x128xbf16, #tpu.memory_space<vmem>>, vector<256x128xbf16>
    %get3A_2 = arith.constant 0 : index
    %get3A_3 = arith.constant 0 : index
    %get3A_4 = vector.load %arg5[%get3A_2, %get3A_3] : memref<128x4096xbf16, #tpu.memory_space<vmem>>, vector<128x4096xbf16>
    %dot_general3A = arith.constant dense<0.000000e+00> : vector<256x4096xf32>
    %dot_general3A_5 = tpu.matmul %get3A_1, %get3A_4, %dot_general3A {dimension_numbers = #tpu.dot_dimension_numbers<[1], [0], [0], [1], [0, 0, 1, 1], [], []>, transpose_lhs_hint = false} : vector<256x128xbf16>, vector<128x4096xbf16>, vector<256x4096xf32> -> vector<256x4096xf32>
    %get3A_6 = arith.constant 0 : index
    %get3A_7 = arith.constant 0 : index
    %get3A_8 = vector.load %arg6[%get3A_6, %get3A_7] : memref<1x4096xf32, #tpu.memory_space<vmem>>, vector<1x4096xf32>
    %add3A = vector.broadcast %get3A_8 : vector<1x4096xf32> to vector<256x4096xf32>
    %add3A_9 = arith.addf %dot_general3A_5, %add3A : vector<256x4096xf32>
    %max3A = arith.constant 0.000000e+00 : f32
    %max3A_10 = vector.broadcast %max3A : f32 to vector<256x4096xf32>
    %max3A_11 = arith.maximumf %add3A_9, %max3A_10 : vector<256x4096xf32>
    %convert_element_type3A = arith.truncf %max3A_11 : vector<256x4096xf32> to vector<256x4096xbf16>
    %get3A_12 = arith.constant 0 : index
    %get3A_13 = arith.constant 0 : index
    %get3A_14 = vector.load %arg2[%get3A_12, %get3A_13] : memref<512x128xf32, #tpu.memory_space<vmem>>, vector<512x128xf32>
    %convert_element_type3A_15 = arith.truncf %get3A_14 : vector<512x128xf32> to vector<512x128xbf16>
    %get3A_16 = arith.constant 0 : index
    %get3A_17 = arith.constant 0 : index
    %get3A_18 = vector.load %arg3[%get3A_16, %get3A_17] : memref<256x512xbf16, #tpu.memory_space<vmem>>, vector<256x512xbf16>
    %dot_general3A_19 = arith.constant dense<0.000000e+00> : vector<256x128xf32>
    %dot_general3A_20 = tpu.matmul %get3A_18, %convert_element_type3A_15, %dot_general3A_19 {dimension_numbers = #tpu.dot_dimension_numbers<[1], [0], [0], [1], [0, 0, 1, 1], [], []>, transpose_lhs_hint = false} : vector<256x512xbf16>, vector<512x128xbf16>, vector<256x128xf32> -> vector<256x128xf32>
    %get3A_21 = arith.constant 0 : index
    %get3A_22 = arith.constant 0 : index
    %get3A_23 = vector.load %arg4[%get3A_21, %get3A_22] : memref<256x512xbf16, #tpu.memory_space<vmem>>, vector<256x512xbf16>
    %dot_general3A_24 = arith.constant dense<0.000000e+00> : vector<256x128xf32>
    %dot_general3A_25 = tpu.matmul %get3A_23, %convert_element_type3A_15, %dot_general3A_24 {dimension_numbers = #tpu.dot_dimension_numbers<[1], [0], [0], [1], [0, 0, 1, 1], [], []>, transpose_lhs_hint = false} : vector<256x512xbf16>, vector<512x128xbf16>, vector<256x128xf32> -> vector<256x128xf32>
    %concatenate3A = tpu.concatenate %dot_general3A_20, %dot_general3A_25 in 1 : vector<256x128xf32>, vector<256x128xf32> -> vector<256x256xf32>
    %convert_element_type3A_26 = arith.truncf %concatenate3A : vector<256x256xf32> to vector<256x256xbf16>
    %get3A_27 = arith.constant 0 : index
    %get3A_28 = arith.constant 0 : index
    %get3A_29 = vector.load %arg7[%get3A_27, %get3A_28] : memref<256x4096xbf16, #tpu.memory_space<vmem>>, vector<256x4096xbf16>
    %dot_general3A_30 = arith.constant dense<0.000000e+00> : vector<256x4096xf32>
    %dot_general3A_31 = tpu.matmul %convert_element_type3A_26, %get3A_29, %dot_general3A_30 {dimension_numbers = #tpu.dot_dimension_numbers<[1], [0], [0], [1], [0, 0, 1, 1], [], []>, transpose_lhs_hint = false} : vector<256x256xbf16>, vector<256x4096xbf16>, vector<256x4096xf32> -> vector<256x4096xf32>
    %convert_element_type3A_32 = arith.truncf %dot_general3A_31 : vector<256x4096xf32> to vector<256x4096xbf16>
    %mul3A = arith.mulf %convert_element_type3A_32, %convert_element_type3A : vector<256x4096xbf16>
    %get3A_33 = arith.constant 0 : index
    %get3A_34 = arith.constant 0 : index
    %get3A_35 = vector.load %arg8[%get3A_33, %get3A_34] : memref<4096x128xbf16, #tpu.memory_space<vmem>>, vector<4096x128xbf16>
    %dot_general3A_36 = arith.constant dense<0.000000e+00> : vector<256x128xf32>
    %dot_general3A_37 = tpu.matmul %mul3A, %get3A_35, %dot_general3A_36 {dimension_numbers = #tpu.dot_dimension_numbers<[1], [0], [0], [1], [0, 0, 1, 1], [], []>, transpose_lhs_hint = false} : vector<256x4096xbf16>, vector<4096x128xbf16>, vector<256x128xf32> -> vector<256x128xf32>
    %swap3A = arith.constant 0 : index
    %swap3A_38 = arith.constant 0 : index
    %swap3A_39 = vector.load %arg9[%swap3A, %swap3A_38] : memref<256x128xf32, #tpu.memory_space<vmem>>, vector<256x128xf32>
    tpu.vector_store %arg9[%swap3A, %swap3A_38], %dot_general3A_37 {strides = array<i32>} : memref<256x128xf32, #tpu.memory_space<vmem>>, vector<256x128xf32>,
    return
  }
  func.func @transform_0(%arg0: i32) -> (i32, i32) {
    %add3A = arith.constant 40 : i32
    %add3A_0 = arith.addi %arg0, %add3A : i32
    %min3A = arith.constant 78 : i32
    %min3A_1 = arith.minsi %add3A_0, %min3A : i32
    %c0_i32 = arith.constant 0 : i32
    %c0_i32_2 = arith.constant 0 : i32
    return %min3A_1, %c0_i32 : i32, i32
  }
  func.func @transform_1(%arg0: i32) -> (i32, i32) {
    %c0_i32 = arith.constant 0 : i32
    %c0_i32_0 = arith.constant 0 : i32
    return %arg0, %c0_i32 : i32, i32
  }
  func.func @transform_2(%arg0: i32) -> (i32, i32) {
    %c0_i32 = arith.constant 0 : i32
    %c0_i32_0 = arith.constant 0 : i32
    %c0_i32_1 = arith.constant 0 : i32
    return %c0_i32, %c0_i32_0 : i32, i32
  }
  func.func @transform_3(%arg0: i32) -> (i32, i32) {
    %c0_i32 = arith.constant 0 : i32
    %c0_i32_0 = arith.constant 0 : i32
    %c0_i32_1 = arith.constant 0 : i32
    return %c0_i32, %c0_i32_0 : i32, i32
  }
  func.func @transform_4(%arg0: i32) -> (i32, i32) {
    %c0_i32 = arith.constant 0 : i32
    %c0_i32_0 = arith.constant 0 : i32
    %c0_i32_1 = arith.constant 0 : i32
    return %c0_i32, %c0_i32_0 : i32, i32
  }
  func.func @transform_5(%arg0: i32) -> (i32, i32) {
    %c0_i32 = arith.constant 0 : i32
    %c0_i32_0 = arith.constant 0 : i32
    %c0_i32_1 = arith.constant 0 : i32
    return %c0_i32, %c0_i32_0 : i32, i32
  }
  func.func @transform_6(%arg0: i32) -> (i32, i32) {
    %c0_i32 = arith.constant 0 : i32
    %c0_i32_0 = arith.constant 0 : i32
    %c0_i32_1 = arith.constant 0 : i32
    return %c0_i32, %c0_i32_0 : i32, i32
  }
  func.func @transform_7(%arg0: i32) -> (i32, i32) {
    %c0_i32 = arith.constant 0 : i32
    %c0_i32_0 = arith.constant 0 : i32
    %c0_i32_1 = arith.constant 0 : i32
    return %c0_i32, %c0_i32_0 : i32, i32
  }
  func.func @transform_8(%arg0: i32) -> (i32, i32) {
    %c0_i32 = arith.constant 0 : i32
    %c0_i32_0 = arith.constant 0 : i32
    return %arg0, %c0_i32 : i32, i32
  }
}

module attributes {stable_mosaic.version = 14 : i64} {
  func.func @_upd_body(%arg0: memref<1280x128xf32, #tpu.memory_space<vmem>>, %arg1: memref<1280x128xf32, #tpu.memory_space<vmem>>, %arg2: memref<1280x128xf32, #tpu.memory_space<vmem>>, %arg3: memref<1280x128xf32, #tpu.memory_space<vmem>>, %arg4: memref<1280x128xf32, #tpu.memory_space<vmem>>, %arg5: memref<1280x128xf32, #tpu.memory_space<vmem>>, %arg6: memref<1280x128xf32, #tpu.memory_space<vmem>>, %arg7: memref<1280x128xf32, #tpu.memory_space<vmem>>, %arg8: memref<1280x256xf32, #tpu.memory_space<vmem>>, %arg9: memref<256x128xf32, #tpu.memory_space<vmem>>, %arg10: memref<1x128xf32, #tpu.memory_space<vmem>>, %arg11: memref<1280x128xf32, #tpu.memory_space<vmem>>) attributes {dimension_semantics = [], scalar_prefetch = 0 : i64, scratch_operands = 0 : i64, tpu.core_type = #tpu.core_type<tc>} {
    %get3A = arith.constant 0 : index
    %get3A_0 = arith.constant 0 : index
    %get3A_1 = vector.load %arg4[%get3A, %get3A_0] : memref<1280x128xf32, #tpu.memory_space<vmem>>, vector<1280x128xf32>
    %get3A_2 = arith.constant 0 : index
    %get3A_3 = arith.constant 0 : index
    %get3A_4 = vector.load %arg5[%get3A_2, %get3A_3] : memref<1280x128xf32, #tpu.memory_space<vmem>>, vector<1280x128xf32>
    %add3A = arith.addf %get3A_1, %get3A_4 : vector<1280x128xf32>
    %get3A_5 = arith.constant 0 : index
    %get3A_6 = arith.constant 0 : index
    %get3A_7 = vector.load %arg6[%get3A_5, %get3A_6] : memref<1280x128xf32, #tpu.memory_space<vmem>>, vector<1280x128xf32>
    %add3A_8 = arith.addf %add3A, %get3A_7 : vector<1280x128xf32>
    %get3A_9 = arith.constant 0 : index
    %get3A_10 = arith.constant 0 : index
    %get3A_11 = vector.load %arg7[%get3A_9, %get3A_10] : memref<1280x128xf32, #tpu.memory_space<vmem>>, vector<1280x128xf32>
    %add3A_12 = arith.addf %add3A_8, %get3A_11 : vector<1280x128xf32>
    %max3A = arith.constant 1.000000e+00 : f32
    %max3A_13 = vector.broadcast %max3A : f32 to vector<1280x128xf32>
    %max3A_14 = arith.maximumf %add3A_12, %max3A_13 : vector<1280x128xf32>
    %get3A_15 = arith.constant 0 : index
    %get3A_16 = arith.constant 0 : index
    %get3A_17 = vector.load %arg0[%get3A_15, %get3A_16] : memref<1280x128xf32, #tpu.memory_space<vmem>>, vector<1280x128xf32>
    %get3A_18 = arith.constant 0 : index
    %get3A_19 = arith.constant 0 : index
    %get3A_20 = vector.load %arg1[%get3A_18, %get3A_19] : memref<1280x128xf32, #tpu.memory_space<vmem>>, vector<1280x128xf32>
    %add3A_21 = arith.addf %get3A_17, %get3A_20 : vector<1280x128xf32>
    %get3A_22 = arith.constant 0 : index
    %get3A_23 = arith.constant 0 : index
    %get3A_24 = vector.load %arg2[%get3A_22, %get3A_23] : memref<1280x128xf32, #tpu.memory_space<vmem>>, vector<1280x128xf32>
    %add3A_25 = arith.addf %add3A_21, %get3A_24 : vector<1280x128xf32>
    %get3A_26 = arith.constant 0 : index
    %get3A_27 = arith.constant 0 : index
    %get3A_28 = vector.load %arg3[%get3A_26, %get3A_27] : memref<1280x128xf32, #tpu.memory_space<vmem>>, vector<1280x128xf32>
    %add3A_29 = arith.addf %add3A_25, %get3A_28 : vector<1280x128xf32>
    %div3A = arith.divf %add3A_29, %max3A_14 : vector<1280x128xf32>
    %get3A_30 = arith.constant 0 : index
    %get3A_31 = arith.constant 0 : index
    %get3A_32 = vector.load %arg8[%get3A_30, %get3A_31] : memref<1280x256xf32, #tpu.memory_space<vmem>>, vector<1280x256xf32>
    %get3A_33 = arith.constant 0 : index
    %get3A_34 = arith.constant 0 : index
    %get3A_35 = vector.load %arg9[%get3A_33, %get3A_34] : memref<256x128xf32, #tpu.memory_space<vmem>>, vector<256x128xf32>
    %dot_general3A = arith.constant dense<0.000000e+00> : vector<1280x128xf32>
    %dot_general3A_36 = tpu.matmul %get3A_32, %get3A_35, %dot_general3A {dimension_numbers = #tpu.dot_dimension_numbers<[1], [0], [0], [1], [0, 0, 1, 1], [], []>, transpose_lhs_hint = false} : vector<1280x256xf32>, vector<256x128xf32>, vector<1280x128xf32> -> vector<1280x128xf32>
    %add3A_37 = arith.addf %div3A, %dot_general3A_36 : vector<1280x128xf32>
    %get3A_38 = arith.constant 0 : index
    %get3A_39 = arith.constant 0 : index
    %get3A_40 = vector.load %arg10[%get3A_38, %get3A_39] : memref<1x128xf32, #tpu.memory_space<vmem>>, vector<1x128xf32>
    %add3A_41 = vector.broadcast %get3A_40 : vector<1x128xf32> to vector<1280x128xf32>
    %add3A_42 = arith.addf %add3A_37, %add3A_41 : vector<1280x128xf32>
    %swap3A = arith.constant 0 : index
    %swap3A_43 = arith.constant 0 : index
    %swap3A_44 = vector.load %arg11[%swap3A, %swap3A_43] : memref<1280x128xf32, #tpu.memory_space<vmem>>, vector<1280x128xf32>
    tpu.vector_store %arg11[%swap3A, %swap3A_43], %add3A_42 {strides = array<i32>} : memref<1280x128xf32, #tpu.memory_space<vmem>>, vector<1280x128xf32>,
    return
  }
}

module attributes {stable_mosaic.version = 14 : i64} {
  func.func @_edge1_body(%arg0: i32, %arg1: memref<256x128xbf16, #tpu.memory_space<vmem>>, %arg2: memref<256x128xf32, #tpu.memory_space<vmem>>, %arg3: memref<128x2048xbf16, #tpu.memory_space<vmem>>, %arg4: memref<1x2048xf32, #tpu.memory_space<vmem>>, %arg5: memref<128x2048xbf16, #tpu.memory_space<vmem>>, %arg6: memref<2048x128xbf16, #tpu.memory_space<vmem>>, %arg7: memref<256x128xf32, #tpu.memory_space<vmem>>) attributes {dimension_semantics = [#tpu.dimension_semantics<arbitrary>], iteration_bounds = array<i64: 40>, scalar_prefetch = 0 : i64, scratch_operands = 0 : i64, tpu.core_type = #tpu.core_type<tc>, window_params = [{transform_indices = @transform_0, window_bounds = array<i64: 256, 128>}, {transform_indices = @transform_1, window_bounds = array<i64: 256, 128>}, {pipeline_mode = #tpu.pipeline_mode<synchronous>, transform_indices = @transform_2, window_bounds = array<i64: 128, 2048>}, {pipeline_mode = #tpu.pipeline_mode<synchronous>, transform_indices = @transform_3, window_bounds = array<i64: 1, 2048>}, {pipeline_mode = #tpu.pipeline_mode<synchronous>, transform_indices = @transform_4, window_bounds = array<i64: 128, 2048>}, {pipeline_mode = #tpu.pipeline_mode<synchronous>, transform_indices = @transform_5, window_bounds = array<i64: 2048, 128>}, {transform_indices = @transform_6, window_bounds = array<i64: 256, 128>}]} {
    %get3A = arith.constant 0 : index
    %get3A_0 = arith.constant 0 : index
    %get3A_1 = vector.load %arg1[%get3A, %get3A_0] : memref<256x128xbf16, #tpu.memory_space<vmem>>, vector<256x128xbf16>
    %get3A_2 = arith.constant 0 : index
    %get3A_3 = arith.constant 0 : index
    %get3A_4 = vector.load %arg3[%get3A_2, %get3A_3] : memref<128x2048xbf16, #tpu.memory_space<vmem>>, vector<128x2048xbf16>
    %dot_general3A = arith.constant dense<0.000000e+00> : vector<256x2048xf32>
    %dot_general3A_5 = tpu.matmul %get3A_1, %get3A_4, %dot_general3A {dimension_numbers = #tpu.dot_dimension_numbers<[1], [0], [0], [1], [0, 0, 1, 1], [], []>, transpose_lhs_hint = false} : vector<256x128xbf16>, vector<128x2048xbf16>, vector<256x2048xf32> -> vector<256x2048xf32>
    %get3A_6 = arith.constant 0 : index
    %get3A_7 = arith.constant 0 : index
    %get3A_8 = vector.load %arg4[%get3A_6, %get3A_7] : memref<1x2048xf32, #tpu.memory_space<vmem>>, vector<1x2048xf32>
    %add3A = vector.broadcast %get3A_8 : vector<1x2048xf32> to vector<256x2048xf32>
    %add3A_9 = arith.addf %dot_general3A_5, %add3A : vector<256x2048xf32>
    %max3A = arith.constant 0.000000e+00 : f32
    %max3A_10 = vector.broadcast %max3A : f32 to vector<256x2048xf32>
    %max3A_11 = arith.maximumf %add3A_9, %max3A_10 : vector<256x2048xf32>
    %convert_element_type3A = arith.truncf %max3A_11 : vector<256x2048xf32> to vector<256x2048xbf16>
    %get3A_12 = arith.constant 0 : index
    %get3A_13 = arith.constant 0 : index
    %get3A_14 = vector.load %arg2[%get3A_12, %get3A_13] : memref<256x128xf32, #tpu.memory_space<vmem>>, vector<256x128xf32>
    %convert_element_type3A_15 = arith.truncf %get3A_14 : vector<256x128xf32> to vector<256x128xbf16>
    %get3A_16 = arith.constant 0 : index
    %get3A_17 = arith.constant 0 : index
    %get3A_18 = vector.load %arg5[%get3A_16, %get3A_17] : memref<128x2048xbf16, #tpu.memory_space<vmem>>, vector<128x2048xbf16>
    %dot_general3A_19 = arith.constant dense<0.000000e+00> : vector<256x2048xf32>
    %dot_general3A_20 = tpu.matmul %convert_element_type3A_15, %get3A_18, %dot_general3A_19 {dimension_numbers = #tpu.dot_dimension_numbers<[1], [0], [0], [1], [0, 0, 1, 1], [], []>, transpose_lhs_hint = false} : vector<256x128xbf16>, vector<128x2048xbf16>, vector<256x2048xf32> -> vector<256x2048xf32>
    %convert_element_type3A_21 = arith.truncf %dot_general3A_20 : vector<256x2048xf32> to vector<256x2048xbf16>
    %mul3A = arith.mulf %convert_element_type3A_21, %convert_element_type3A : vector<256x2048xbf16>
    %get3A_22 = arith.constant 0 : index
    %get3A_23 = arith.constant 0 : index
    %get3A_24 = vector.load %arg6[%get3A_22, %get3A_23] : memref<2048x128xbf16, #tpu.memory_space<vmem>>, vector<2048x128xbf16>
    %dot_general3A_25 = arith.constant dense<0.000000e+00> : vector<256x128xf32>
    %dot_general3A_26 = tpu.matmul %mul3A, %get3A_24, %dot_general3A_25 {dimension_numbers = #tpu.dot_dimension_numbers<[1], [0], [0], [1], [0, 0, 1, 1], [], []>, transpose_lhs_hint = false} : vector<256x2048xbf16>, vector<2048x128xbf16>, vector<256x128xf32> -> vector<256x128xf32>
    %swap3A = arith.constant 0 : index
    %swap3A_27 = arith.constant 0 : index
    %swap3A_28 = vector.load %arg7[%swap3A, %swap3A_27] : memref<256x128xf32, #tpu.memory_space<vmem>>, vector<256x128xf32>
    tpu.vector_store %arg7[%swap3A, %swap3A_27], %dot_general3A_26 {strides = array<i32>} : memref<256x128xf32, #tpu.memory_space<vmem>>, vector<256x128xf32>,
    return
  }
  func.func @transform_0(%arg0: i32) -> (i32, i32) {
    %add3A = arith.constant 0 : i32
    %add3A_0 = arith.addi %arg0, %add3A : i32
    %min3A = arith.constant 78 : i32
    %min3A_1 = arith.minsi %add3A_0, %min3A : i32
    %c0_i32 = arith.constant 0 : i32
    %c0_i32_2 = arith.constant 0 : i32
    return %min3A_1, %c0_i32 : i32, i32
  }
  func.func @transform_1(%arg0: i32) -> (i32, i32) {
    %c0_i32 = arith.constant 0 : i32
    %c0_i32_0 = arith.constant 0 : i32
    return %arg0, %c0_i32 : i32, i32
  }
  func.func @transform_2(%arg0: i32) -> (i32, i32) {
    %c0_i32 = arith.constant 0 : i32
    %c0_i32_0 = arith.constant 0 : i32
    %c0_i32_1 = arith.constant 0 : i32
    return %c0_i32, %c0_i32_0 : i32, i32
  }
  func.func @transform_3(%arg0: i32) -> (i32, i32) {
    %c0_i32 = arith.constant 0 : i32
    %c0_i32_0 = arith.constant 0 : i32
    %c0_i32_1 = arith.constant 0 : i32
    return %c0_i32, %c0_i32_0 : i32, i32
  }
  func.func @transform_4(%arg0: i32) -> (i32, i32) {
    %c0_i32 = arith.constant 0 : i32
    %c0_i32_0 = arith.constant 0 : i32
    %c0_i32_1 = arith.constant 0 : i32
    return %c0_i32, %c0_i32_0 : i32, i32
  }
  func.func @transform_5(%arg0: i32) -> (i32, i32) {
    %c0_i32 = arith.constant 0 : i32
    %c0_i32_0 = arith.constant 0 : i32
    %c0_i32_1 = arith.constant 0 : i32
    return %c0_i32, %c0_i32_0 : i32, i32
  }
  func.func @transform_6(%arg0: i32) -> (i32, i32) {
    %c0_i32 = arith.constant 0 : i32
    %c0_i32_0 = arith.constant 0 : i32
    return %arg0, %c0_i32 : i32, i32
  }
}

module attributes {stable_mosaic.version = 14 : i64} {
  func.func @_edge1_body(%arg0: i32, %arg1: memref<256x128xbf16, #tpu.memory_space<vmem>>, %arg2: memref<256x128xf32, #tpu.memory_space<vmem>>, %arg3: memref<128x2048xbf16, #tpu.memory_space<vmem>>, %arg4: memref<1x2048xf32, #tpu.memory_space<vmem>>, %arg5: memref<128x2048xbf16, #tpu.memory_space<vmem>>, %arg6: memref<2048x128xbf16, #tpu.memory_space<vmem>>, %arg7: memref<256x128xf32, #tpu.memory_space<vmem>>) attributes {dimension_semantics = [#tpu.dimension_semantics<arbitrary>], iteration_bounds = array<i64: 40>, scalar_prefetch = 0 : i64, scratch_operands = 0 : i64, tpu.core_type = #tpu.core_type<tc>, window_params = [{transform_indices = @transform_0, window_bounds = array<i64: 256, 128>}, {transform_indices = @transform_1, window_bounds = array<i64: 256, 128>}, {pipeline_mode = #tpu.pipeline_mode<synchronous>, transform_indices = @transform_2, window_bounds = array<i64: 128, 2048>}, {pipeline_mode = #tpu.pipeline_mode<synchronous>, transform_indices = @transform_3, window_bounds = array<i64: 1, 2048>}, {pipeline_mode = #tpu.pipeline_mode<synchronous>, transform_indices = @transform_4, window_bounds = array<i64: 128, 2048>}, {pipeline_mode = #tpu.pipeline_mode<synchronous>, transform_indices = @transform_5, window_bounds = array<i64: 2048, 128>}, {transform_indices = @transform_6, window_bounds = array<i64: 256, 128>}]} {
    %get3A = arith.constant 0 : index
    %get3A_0 = arith.constant 0 : index
    %get3A_1 = vector.load %arg1[%get3A, %get3A_0] : memref<256x128xbf16, #tpu.memory_space<vmem>>, vector<256x128xbf16>
    %get3A_2 = arith.constant 0 : index
    %get3A_3 = arith.constant 0 : index
    %get3A_4 = vector.load %arg3[%get3A_2, %get3A_3] : memref<128x2048xbf16, #tpu.memory_space<vmem>>, vector<128x2048xbf16>
    %dot_general3A = arith.constant dense<0.000000e+00> : vector<256x2048xf32>
    %dot_general3A_5 = tpu.matmul %get3A_1, %get3A_4, %dot_general3A {dimension_numbers = #tpu.dot_dimension_numbers<[1], [0], [0], [1], [0, 0, 1, 1], [], []>, transpose_lhs_hint = false} : vector<256x128xbf16>, vector<128x2048xbf16>, vector<256x2048xf32> -> vector<256x2048xf32>
    %get3A_6 = arith.constant 0 : index
    %get3A_7 = arith.constant 0 : index
    %get3A_8 = vector.load %arg4[%get3A_6, %get3A_7] : memref<1x2048xf32, #tpu.memory_space<vmem>>, vector<1x2048xf32>
    %add3A = vector.broadcast %get3A_8 : vector<1x2048xf32> to vector<256x2048xf32>
    %add3A_9 = arith.addf %dot_general3A_5, %add3A : vector<256x2048xf32>
    %max3A = arith.constant 0.000000e+00 : f32
    %max3A_10 = vector.broadcast %max3A : f32 to vector<256x2048xf32>
    %max3A_11 = arith.maximumf %add3A_9, %max3A_10 : vector<256x2048xf32>
    %convert_element_type3A = arith.truncf %max3A_11 : vector<256x2048xf32> to vector<256x2048xbf16>
    %get3A_12 = arith.constant 0 : index
    %get3A_13 = arith.constant 0 : index
    %get3A_14 = vector.load %arg2[%get3A_12, %get3A_13] : memref<256x128xf32, #tpu.memory_space<vmem>>, vector<256x128xf32>
    %convert_element_type3A_15 = arith.truncf %get3A_14 : vector<256x128xf32> to vector<256x128xbf16>
    %get3A_16 = arith.constant 0 : index
    %get3A_17 = arith.constant 0 : index
    %get3A_18 = vector.load %arg5[%get3A_16, %get3A_17] : memref<128x2048xbf16, #tpu.memory_space<vmem>>, vector<128x2048xbf16>
    %dot_general3A_19 = arith.constant dense<0.000000e+00> : vector<256x2048xf32>
    %dot_general3A_20 = tpu.matmul %convert_element_type3A_15, %get3A_18, %dot_general3A_19 {dimension_numbers = #tpu.dot_dimension_numbers<[1], [0], [0], [1], [0, 0, 1, 1], [], []>, transpose_lhs_hint = false} : vector<256x128xbf16>, vector<128x2048xbf16>, vector<256x2048xf32> -> vector<256x2048xf32>
    %convert_element_type3A_21 = arith.truncf %dot_general3A_20 : vector<256x2048xf32> to vector<256x2048xbf16>
    %mul3A = arith.mulf %convert_element_type3A_21, %convert_element_type3A : vector<256x2048xbf16>
    %get3A_22 = arith.constant 0 : index
    %get3A_23 = arith.constant 0 : index
    %get3A_24 = vector.load %arg6[%get3A_22, %get3A_23] : memref<2048x128xbf16, #tpu.memory_space<vmem>>, vector<2048x128xbf16>
    %dot_general3A_25 = arith.constant dense<0.000000e+00> : vector<256x128xf32>
    %dot_general3A_26 = tpu.matmul %mul3A, %get3A_24, %dot_general3A_25 {dimension_numbers = #tpu.dot_dimension_numbers<[1], [0], [0], [1], [0, 0, 1, 1], [], []>, transpose_lhs_hint = false} : vector<256x2048xbf16>, vector<2048x128xbf16>, vector<256x128xf32> -> vector<256x128xf32>
    %swap3A = arith.constant 0 : index
    %swap3A_27 = arith.constant 0 : index
    %swap3A_28 = vector.load %arg7[%swap3A, %swap3A_27] : memref<256x128xf32, #tpu.memory_space<vmem>>, vector<256x128xf32>
    tpu.vector_store %arg7[%swap3A, %swap3A_27], %dot_general3A_26 {strides = array<i32>} : memref<256x128xf32, #tpu.memory_space<vmem>>, vector<256x128xf32>,
    return
  }
  func.func @transform_0(%arg0: i32) -> (i32, i32) {
    %add3A = arith.constant 40 : i32
    %add3A_0 = arith.addi %arg0, %add3A : i32
    %min3A = arith.constant 78 : i32
    %min3A_1 = arith.minsi %add3A_0, %min3A : i32
    %c0_i32 = arith.constant 0 : i32
    %c0_i32_2 = arith.constant 0 : i32
    return %min3A_1, %c0_i32 : i32, i32
  }
  func.func @transform_1(%arg0: i32) -> (i32, i32) {
    %c0_i32 = arith.constant 0 : i32
    %c0_i32_0 = arith.constant 0 : i32
    return %arg0, %c0_i32 : i32, i32
  }
  func.func @transform_2(%arg0: i32) -> (i32, i32) {
    %c0_i32 = arith.constant 0 : i32
    %c0_i32_0 = arith.constant 0 : i32
    %c0_i32_1 = arith.constant 0 : i32
    return %c0_i32, %c0_i32_0 : i32, i32
  }
  func.func @transform_3(%arg0: i32) -> (i32, i32) {
    %c0_i32 = arith.constant 0 : i32
    %c0_i32_0 = arith.constant 0 : i32
    %c0_i32_1 = arith.constant 0 : i32
    return %c0_i32, %c0_i32_0 : i32, i32
  }
  func.func @transform_4(%arg0: i32) -> (i32, i32) {
    %c0_i32 = arith.constant 0 : i32
    %c0_i32_0 = arith.constant 0 : i32
    %c0_i32_1 = arith.constant 0 : i32
    return %c0_i32, %c0_i32_0 : i32, i32
  }
  func.func @transform_5(%arg0: i32) -> (i32, i32) {
    %c0_i32 = arith.constant 0 : i32
    %c0_i32_0 = arith.constant 0 : i32
    %c0_i32_1 = arith.constant 0 : i32
    return %c0_i32, %c0_i32_0 : i32, i32
  }
  func.func @transform_6(%arg0: i32) -> (i32, i32) {
    %c0_i32 = arith.constant 0 : i32
    %c0_i32_0 = arith.constant 0 : i32
    return %arg0, %c0_i32 : i32, i32
  }
}

module attributes {stable_mosaic.version = 14 : i64} {
  func.func @_final_body(%arg0: memref<1280x128xf32, #tpu.memory_space<vmem>>, %arg1: memref<1280x128xf32, #tpu.memory_space<vmem>>, %arg2: memref<1280x128xf32, #tpu.memory_space<vmem>>, %arg3: memref<1280x128xf32, #tpu.memory_space<vmem>>, %arg4: memref<1280x128xf32, #tpu.memory_space<vmem>>, %arg5: memref<1280x128xf32, #tpu.memory_space<vmem>>, %arg6: memref<1280x128xf32, #tpu.memory_space<vmem>>, %arg7: memref<1280x128xf32, #tpu.memory_space<vmem>>, %arg8: memref<1280x128xf32, #tpu.memory_space<vmem>>, %arg9: memref<128x128xf32, #tpu.memory_space<vmem>>, %arg10: memref<1x128xf32, #tpu.memory_space<vmem>>, %arg11: memref<8x1280xi32, #tpu.memory_space<vmem>>, %arg12: memref<16x16xf32, #tpu.memory_space<vmem>>, %arg13: memref<1x16xf32, #tpu.memory_space<vmem>>, %arg14: memref<16x8xf32, #tpu.memory_space<vmem>>, %arg15: memref<1x8xf32, #tpu.memory_space<vmem>>, %arg16: memref<64x8xf32, #tpu.memory_space<vmem>>) attributes {dimension_semantics = [], scalar_prefetch = 0 : i64, scratch_operands = 0 : i64, tpu.core_type = #tpu.core_type<tc>} {
    %get3A = arith.constant 0 : index
    %get3A_0 = arith.constant 0 : index
    %get3A_1 = vector.load %arg4[%get3A, %get3A_0] : memref<1280x128xf32, #tpu.memory_space<vmem>>, vector<1280x128xf32>
    %get3A_2 = arith.constant 0 : index
    %get3A_3 = arith.constant 0 : index
    %get3A_4 = vector.load %arg5[%get3A_2, %get3A_3] : memref<1280x128xf32, #tpu.memory_space<vmem>>, vector<1280x128xf32>
    %add3A = arith.addf %get3A_1, %get3A_4 : vector<1280x128xf32>
    %get3A_5 = arith.constant 0 : index
    %get3A_6 = arith.constant 0 : index
    %get3A_7 = vector.load %arg6[%get3A_5, %get3A_6] : memref<1280x128xf32, #tpu.memory_space<vmem>>, vector<1280x128xf32>
    %add3A_8 = arith.addf %add3A, %get3A_7 : vector<1280x128xf32>
    %get3A_9 = arith.constant 0 : index
    %get3A_10 = arith.constant 0 : index
    %get3A_11 = vector.load %arg7[%get3A_9, %get3A_10] : memref<1280x128xf32, #tpu.memory_space<vmem>>, vector<1280x128xf32>
    %add3A_12 = arith.addf %add3A_8, %get3A_11 : vector<1280x128xf32>
    %max3A = arith.constant 1.000000e+00 : f32
    %max3A_13 = vector.broadcast %max3A : f32 to vector<1280x128xf32>
    %max3A_14 = arith.maximumf %add3A_12, %max3A_13 : vector<1280x128xf32>
    %get3A_15 = arith.constant 0 : index
    %get3A_16 = arith.constant 0 : index
    %get3A_17 = vector.load %arg0[%get3A_15, %get3A_16] : memref<1280x128xf32, #tpu.memory_space<vmem>>, vector<1280x128xf32>
    %get3A_18 = arith.constant 0 : index
    %get3A_19 = arith.constant 0 : index
    %get3A_20 = vector.load %arg1[%get3A_18, %get3A_19] : memref<1280x128xf32, #tpu.memory_space<vmem>>, vector<1280x128xf32>
    %add3A_21 = arith.addf %get3A_17, %get3A_20 : vector<1280x128xf32>
    %get3A_22 = arith.constant 0 : index
    %get3A_23 = arith.constant 0 : index
    %get3A_24 = vector.load %arg2[%get3A_22, %get3A_23] : memref<1280x128xf32, #tpu.memory_space<vmem>>, vector<1280x128xf32>
    %add3A_25 = arith.addf %add3A_21, %get3A_24 : vector<1280x128xf32>
    %get3A_26 = arith.constant 0 : index
    %get3A_27 = arith.constant 0 : index
    %get3A_28 = vector.load %arg3[%get3A_26, %get3A_27] : memref<1280x128xf32, #tpu.memory_space<vmem>>, vector<1280x128xf32>
    %add3A_29 = arith.addf %add3A_25, %get3A_28 : vector<1280x128xf32>
    %div3A = arith.divf %add3A_29, %max3A_14 : vector<1280x128xf32>
    %get3A_30 = arith.constant 0 : index
    %get3A_31 = arith.constant 0 : index
    %get3A_32 = vector.load %arg8[%get3A_30, %get3A_31] : memref<1280x128xf32, #tpu.memory_space<vmem>>, vector<1280x128xf32>
    %get3A_33 = arith.constant 0 : index
    %get3A_34 = arith.constant 0 : index
    %get3A_35 = vector.load %arg9[%get3A_33, %get3A_34] : memref<128x128xf32, #tpu.memory_space<vmem>>, vector<128x128xf32>
    %dot_general3A = arith.constant dense<0.000000e+00> : vector<1280x128xf32>
    %dot_general3A_36 = tpu.matmul %get3A_32, %get3A_35, %dot_general3A {dimension_numbers = #tpu.dot_dimension_numbers<[1], [0], [0], [1], [0, 0, 1, 1], [], []>, transpose_lhs_hint = false} : vector<1280x128xf32>, vector<128x128xf32>, vector<1280x128xf32> -> vector<1280x128xf32>
    %add3A_37 = arith.addf %div3A, %dot_general3A_36 : vector<1280x128xf32>
    %get3A_38 = arith.constant 0 : index
    %get3A_39 = arith.constant 0 : index
    %get3A_40 = vector.load %arg10[%get3A_38, %get3A_39] : memref<1x128xf32, #tpu.memory_space<vmem>>, vector<1x128xf32>
    %add3A_41 = vector.broadcast %get3A_40 : vector<1x128xf32> to vector<1280x128xf32>
    %add3A_42 = arith.addf %add3A_37, %add3A_41 : vector<1280x128xf32>
    %iota3A = tpu.iota {dimensions = array<i32: 0>} : vector<1280x128xi32>
    %lt3A = arith.constant 1250 : i32
    %lt3A_43 = vector.broadcast %lt3A : i32 to vector<1280x128xi32>
    %lt3A_44 = arith.cmpi slt, %iota3A, %lt3A_43 : vector<1280x128xi32>
    %jit3A = arith.constant 0.000000e+00 : f32
    %broadcast_in_dim3A = vector.broadcast %jit3A : f32 to vector<1280x128xf32>
    %select_n3A = arith.select %lt3A_44, %add3A_42, %broadcast_in_dim3A : vector<1280x128xi1>, vector<1280x128xf32>
    %broadcast_in_dim3A_45 = arith.constant 0.000000e+00 : f32
    %broadcast_in_dim3A_46 = vector.broadcast %broadcast_in_dim3A_45 : f32 to vector<64x16xf32>
    %broadcast_in_dim3A_47 = arith.constant 0.000000e+00 : f32
    %broadcast_in_dim3A_48 = vector.broadcast %broadcast_in_dim3A_47 : f32 to vector<64x1xf32>
    %iota3A_49 = tpu.iota {dimensions = array<i32: 0>} : vector<64x1280xi32>
    %get3A_50 = arith.constant 0 : index
    %get3A_51 = arith.constant 0 : index
    %get3A_52 = vector.load %arg11[%get3A_50, %get3A_51] : memref<8x1280xi32, #tpu.memory_space<vmem>>, vector<1x1280xi32>
    %eq3A = vector.broadcast %get3A_52 : vector<1x1280xi32> to vector<64x1280xi32>
    %eq3A_53 = arith.cmpi eq, %eq3A, %iota3A_49 : vector<64x1280xi32>
    %convert_element_type3A = arith.extui %eq3A_53 : vector<64x1280xi1> to vector<64x1280xi32>
    %convert_element_type3A_54 = arith.sitofp %convert_element_type3A : vector<64x1280xi32> to vector<64x1280xf32>
    %slice3A = vector.extract_strided_slice %select_n3A {offsets = [0, 0], sizes = [1280, 16], strides = [1, 1]} : vector<1280x128xf32> to vector<1280x16xf32>
    %dot_general3A_55 = arith.constant dense<0.000000e+00> : vector<64x16xf32>
    %dot_general3A_56 = tpu.matmul %convert_element_type3A_54, %slice3A, %dot_general3A_55 {dimension_numbers = #tpu.dot_dimension_numbers<[1], [0], [0], [1], [0, 0, 1, 1], [], []>, transpose_lhs_hint = false} : vector<64x1280xf32>, vector<1280x16xf32>, vector<64x16xf32> -> vector<64x16xf32>
    %add3A_57 = arith.addf %broadcast_in_dim3A_46, %dot_general3A_56 : vector<64x16xf32>
    %reduce_sum3A = arith.constant dense<0.000000e+00> : vector<64xf32>
    %reduce_sum3A_58 = vector.multi_reduction <add>, %convert_element_type3A_54, %reduce_sum3A [1] : vector<64x1280xf32> to vector<64xf32>
    %broadcast_in_dim3A_59 = vector.shape_cast %reduce_sum3A_58 : vector<64xf32> to vector<64x1xf32>
    %add3A_60 = arith.addf %broadcast_in_dim3A_48, %broadcast_in_dim3A_59 : vector<64x1xf32>
    %get3A_61 = arith.constant 1 : index
    %get3A_62 = arith.constant 0 : index
    %get3A_63 = vector.load %arg11[%get3A_61, %get3A_62] : memref<8x1280xi32, #tpu.memory_space<vmem>>, vector<1x1280xi32>
    %eq3A_64 = vector.broadcast %get3A_63 : vector<1x1280xi32> to vector<64x1280xi32>
    %eq3A_65 = arith.cmpi eq, %eq3A_64, %iota3A_49 : vector<64x1280xi32>
    %convert_element_type3A_66 = arith.extui %eq3A_65 : vector<64x1280xi1> to vector<64x1280xi32>
    %convert_element_type3A_67 = arith.sitofp %convert_element_type3A_66 : vector<64x1280xi32> to vector<64x1280xf32>
    %slice3A_68 = vector.extract_strided_slice %select_n3A {offsets = [0, 16], sizes = [1280, 16], strides = [1, 1]} : vector<1280x128xf32> to vector<1280x16xf32>
    %dot_general3A_69 = arith.constant dense<0.000000e+00> : vector<64x16xf32>
    %dot_general3A_70 = tpu.matmul %convert_element_type3A_67, %slice3A_68, %dot_general3A_69 {dimension_numbers = #tpu.dot_dimension_numbers<[1], [0], [0], [1], [0, 0, 1, 1], [], []>, transpose_lhs_hint = false} : vector<64x1280xf32>, vector<1280x16xf32>, vector<64x16xf32> -> vector<64x16xf32>
    %add3A_71 = arith.addf %add3A_57, %dot_general3A_70 : vector<64x16xf32>
    %reduce_sum3A_72 = arith.constant dense<0.000000e+00> : vector<64xf32>
    %reduce_sum3A_73 = vector.multi_reduction <add>, %convert_element_type3A_67, %reduce_sum3A_72 [1] : vector<64x1280xf32> to vector<64xf32>
    %broadcast_in_dim3A_74 = vector.shape_cast %reduce_sum3A_73 : vector<64xf32> to vector<64x1xf32>
    %add3A_75 = arith.addf %add3A_60, %broadcast_in_dim3A_74 : vector<64x1xf32>
    %get3A_76 = arith.constant 2 : index
    %get3A_77 = arith.constant 0 : index
    %get3A_78 = vector.load %arg11[%get3A_76, %get3A_77] : memref<8x1280xi32, #tpu.memory_space<vmem>>, vector<1x1280xi32>
    %eq3A_79 = vector.broadcast %get3A_78 : vector<1x1280xi32> to vector<64x1280xi32>
    %eq3A_80 = arith.cmpi eq, %eq3A_79, %iota3A_49 : vector<64x1280xi32>
    %convert_element_type3A_81 = arith.extui %eq3A_80 : vector<64x1280xi1> to vector<64x1280xi32>
    %convert_element_type3A_82 = arith.sitofp %convert_element_type3A_81 : vector<64x1280xi32> to vector<64x1280xf32>
    %slice3A_83 = vector.extract_strided_slice %select_n3A {offsets = [0, 32], sizes = [1280, 16], strides = [1, 1]} : vector<1280x128xf32> to vector<1280x16xf32>
    %dot_general3A_84 = arith.constant dense<0.000000e+00> : vector<64x16xf32>
    %dot_general3A_85 = tpu.matmul %convert_element_type3A_82, %slice3A_83, %dot_general3A_84 {dimension_numbers = #tpu.dot_dimension_numbers<[1], [0], [0], [1], [0, 0, 1, 1], [], []>, transpose_lhs_hint = false} : vector<64x1280xf32>, vector<1280x16xf32>, vector<64x16xf32> -> vector<64x16xf32>
    %add3A_86 = arith.addf %add3A_71, %dot_general3A_85 : vector<64x16xf32>
    %reduce_sum3A_87 = arith.constant dense<0.000000e+00> : vector<64xf32>
    %reduce_sum3A_88 = vector.multi_reduction <add>, %convert_element_type3A_82, %reduce_sum3A_87 [1] : vector<64x1280xf32> to vector<64xf32>
    %broadcast_in_dim3A_89 = vector.shape_cast %reduce_sum3A_88 : vector<64xf32> to vector<64x1xf32>
    %add3A_90 = arith.addf %add3A_75, %broadcast_in_dim3A_89 : vector<64x1xf32>
    %get3A_91 = arith.constant 3 : index
    %get3A_92 = arith.constant 0 : index
    %get3A_93 = vector.load %arg11[%get3A_91, %get3A_92] : memref<8x1280xi32, #tpu.memory_space<vmem>>, vector<1x1280xi32>
    %eq3A_94 = vector.broadcast %get3A_93 : vector<1x1280xi32> to vector<64x1280xi32>
    %eq3A_95 = arith.cmpi eq, %eq3A_94, %iota3A_49 : vector<64x1280xi32>
    %convert_element_type3A_96 = arith.extui %eq3A_95 : vector<64x1280xi1> to vector<64x1280xi32>
    %convert_element_type3A_97 = arith.sitofp %convert_element_type3A_96 : vector<64x1280xi32> to vector<64x1280xf32>
    %slice3A_98 = vector.extract_strided_slice %select_n3A {offsets = [0, 48], sizes = [1280, 16], strides = [1, 1]} : vector<1280x128xf32> to vector<1280x16xf32>
    %dot_general3A_99 = arith.constant dense<0.000000e+00> : vector<64x16xf32>
    %dot_general3A_100 = tpu.matmul %convert_element_type3A_97, %slice3A_98, %dot_general3A_99 {dimension_numbers = #tpu.dot_dimension_numbers<[1], [0], [0], [1], [0, 0, 1, 1], [], []>, transpose_lhs_hint = false} : vector<64x1280xf32>, vector<1280x16xf32>, vector<64x16xf32> -> vector<64x16xf32>
    %add3A_101 = arith.addf %add3A_86, %dot_general3A_100 : vector<64x16xf32>
    %reduce_sum3A_102 = arith.constant dense<0.000000e+00> : vector<64xf32>
    %reduce_sum3A_103 = vector.multi_reduction <add>, %convert_element_type3A_97, %reduce_sum3A_102 [1] : vector<64x1280xf32> to vector<64xf32>
    %broadcast_in_dim3A_104 = vector.shape_cast %reduce_sum3A_103 : vector<64xf32> to vector<64x1xf32>
    %add3A_105 = arith.addf %add3A_90, %broadcast_in_dim3A_104 : vector<64x1xf32>
    %get3A_106 = arith.constant 4 : index
    %get3A_107 = arith.constant 0 : index
    %get3A_108 = vector.load %arg11[%get3A_106, %get3A_107] : memref<8x1280xi32, #tpu.memory_space<vmem>>, vector<1x1280xi32>
    %eq3A_109 = vector.broadcast %get3A_108 : vector<1x1280xi32> to vector<64x1280xi32>
    %eq3A_110 = arith.cmpi eq, %eq3A_109, %iota3A_49 : vector<64x1280xi32>
    %convert_element_type3A_111 = arith.extui %eq3A_110 : vector<64x1280xi1> to vector<64x1280xi32>
    %convert_element_type3A_112 = arith.sitofp %convert_element_type3A_111 : vector<64x1280xi32> to vector<64x1280xf32>
    %slice3A_113 = vector.extract_strided_slice %select_n3A {offsets = [0, 64], sizes = [1280, 16], strides = [1, 1]} : vector<1280x128xf32> to vector<1280x16xf32>
    %dot_general3A_114 = arith.constant dense<0.000000e+00> : vector<64x16xf32>
    %dot_general3A_115 = tpu.matmul %convert_element_type3A_112, %slice3A_113, %dot_general3A_114 {dimension_numbers = #tpu.dot_dimension_numbers<[1], [0], [0], [1], [0, 0, 1, 1], [], []>, transpose_lhs_hint = false} : vector<64x1280xf32>, vector<1280x16xf32>, vector<64x16xf32> -> vector<64x16xf32>
    %add3A_116 = arith.addf %add3A_101, %dot_general3A_115 : vector<64x16xf32>
    %reduce_sum3A_117 = arith.constant dense<0.000000e+00> : vector<64xf32>
    %reduce_sum3A_118 = vector.multi_reduction <add>, %convert_element_type3A_112, %reduce_sum3A_117 [1] : vector<64x1280xf32> to vector<64xf32>
    %broadcast_in_dim3A_119 = vector.shape_cast %reduce_sum3A_118 : vector<64xf32> to vector<64x1xf32>
    %add3A_120 = arith.addf %add3A_105, %broadcast_in_dim3A_119 : vector<64x1xf32>
    %get3A_121 = arith.constant 5 : index
    %get3A_122 = arith.constant 0 : index
    %get3A_123 = vector.load %arg11[%get3A_121, %get3A_122] : memref<8x1280xi32, #tpu.memory_space<vmem>>, vector<1x1280xi32>
    %eq3A_124 = vector.broadcast %get3A_123 : vector<1x1280xi32> to vector<64x1280xi32>
    %eq3A_125 = arith.cmpi eq, %eq3A_124, %iota3A_49 : vector<64x1280xi32>
    %convert_element_type3A_126 = arith.extui %eq3A_125 : vector<64x1280xi1> to vector<64x1280xi32>
    %convert_element_type3A_127 = arith.sitofp %convert_element_type3A_126 : vector<64x1280xi32> to vector<64x1280xf32>
    %slice3A_128 = vector.extract_strided_slice %select_n3A {offsets = [0, 80], sizes = [1280, 16], strides = [1, 1]} : vector<1280x128xf32> to vector<1280x16xf32>
    %dot_general3A_129 = arith.constant dense<0.000000e+00> : vector<64x16xf32>
    %dot_general3A_130 = tpu.matmul %convert_element_type3A_127, %slice3A_128, %dot_general3A_129 {dimension_numbers = #tpu.dot_dimension_numbers<[1], [0], [0], [1], [0, 0, 1, 1], [], []>, transpose_lhs_hint = false} : vector<64x1280xf32>, vector<1280x16xf32>, vector<64x16xf32> -> vector<64x16xf32>
    %add3A_131 = arith.addf %add3A_116, %dot_general3A_130 : vector<64x16xf32>
    %reduce_sum3A_132 = arith.constant dense<0.000000e+00> : vector<64xf32>
    %reduce_sum3A_133 = vector.multi_reduction <add>, %convert_element_type3A_127, %reduce_sum3A_132 [1] : vector<64x1280xf32> to vector<64xf32>
    %broadcast_in_dim3A_134 = vector.shape_cast %reduce_sum3A_133 : vector<64xf32> to vector<64x1xf32>
    %add3A_135 = arith.addf %add3A_120, %broadcast_in_dim3A_134 : vector<64x1xf32>
    %get3A_136 = arith.constant 6 : index
    %get3A_137 = arith.constant 0 : index
    %get3A_138 = vector.load %arg11[%get3A_136, %get3A_137] : memref<8x1280xi32, #tpu.memory_space<vmem>>, vector<1x1280xi32>
    %eq3A_139 = vector.broadcast %get3A_138 : vector<1x1280xi32> to vector<64x1280xi32>
    %eq3A_140 = arith.cmpi eq, %eq3A_139, %iota3A_49 : vector<64x1280xi32>
    %convert_element_type3A_141 = arith.extui %eq3A_140 : vector<64x1280xi1> to vector<64x1280xi32>
    %convert_element_type3A_142 = arith.sitofp %convert_element_type3A_141 : vector<64x1280xi32> to vector<64x1280xf32>
    %slice3A_143 = vector.extract_strided_slice %select_n3A {offsets = [0, 96], sizes = [1280, 16], strides = [1, 1]} : vector<1280x128xf32> to vector<1280x16xf32>
    %dot_general3A_144 = arith.constant dense<0.000000e+00> : vector<64x16xf32>
    %dot_general3A_145 = tpu.matmul %convert_element_type3A_142, %slice3A_143, %dot_general3A_144 {dimension_numbers = #tpu.dot_dimension_numbers<[1], [0], [0], [1], [0, 0, 1, 1], [], []>, transpose_lhs_hint = false} : vector<64x1280xf32>, vector<1280x16xf32>, vector<64x16xf32> -> vector<64x16xf32>
    %add3A_146 = arith.addf %add3A_131, %dot_general3A_145 : vector<64x16xf32>
    %reduce_sum3A_147 = arith.constant dense<0.000000e+00> : vector<64xf32>
    %reduce_sum3A_148 = vector.multi_reduction <add>, %convert_element_type3A_142, %reduce_sum3A_147 [1] : vector<64x1280xf32> to vector<64xf32>
    %broadcast_in_dim3A_149 = vector.shape_cast %reduce_sum3A_148 : vector<64xf32> to vector<64x1xf32>
    %add3A_150 = arith.addf %add3A_135, %broadcast_in_dim3A_149 : vector<64x1xf32>
    %get3A_151 = arith.constant 7 : index
    %get3A_152 = arith.constant 0 : index
    %get3A_153 = vector.load %arg11[%get3A_151, %get3A_152] : memref<8x1280xi32, #tpu.memory_space<vmem>>, vector<1x1280xi32>
    %eq3A_154 = vector.broadcast %get3A_153 : vector<1x1280xi32> to vector<64x1280xi32>
    %eq3A_155 = arith.cmpi eq, %eq3A_154, %iota3A_49 : vector<64x1280xi32>
    %convert_element_type3A_156 = arith.extui %eq3A_155 : vector<64x1280xi1> to vector<64x1280xi32>
    %convert_element_type3A_157 = arith.sitofp %convert_element_type3A_156 : vector<64x1280xi32> to vector<64x1280xf32>
    %slice3A_158 = vector.extract_strided_slice %select_n3A {offsets = [0, 112], sizes = [1280, 16], strides = [1, 1]} : vector<1280x128xf32> to vector<1280x16xf32>
    %dot_general3A_159 = arith.constant dense<0.000000e+00> : vector<64x16xf32>
    %dot_general3A_160 = tpu.matmul %convert_element_type3A_157, %slice3A_158, %dot_general3A_159 {dimension_numbers = #tpu.dot_dimension_numbers<[1], [0], [0], [1], [0, 0, 1, 1], [], []>, transpose_lhs_hint = false} : vector<64x1280xf32>, vector<1280x16xf32>, vector<64x16xf32> -> vector<64x16xf32>
    %add3A_161 = arith.addf %add3A_146, %dot_general3A_160 : vector<64x16xf32>
    %reduce_sum3A_162 = arith.constant dense<0.000000e+00> : vector<64xf32>
    %reduce_sum3A_163 = vector.multi_reduction <add>, %convert_element_type3A_157, %reduce_sum3A_162 [1] : vector<64x1280xf32> to vector<64xf32>
    %broadcast_in_dim3A_164 = vector.shape_cast %reduce_sum3A_163 : vector<64xf32> to vector<64x1xf32>
    %add3A_165 = arith.addf %add3A_150, %broadcast_in_dim3A_164 : vector<64x1xf32>
    %max3A_166 = arith.constant 1.000000e+00 : f32
    %max3A_167 = vector.broadcast %max3A_166 : f32 to vector<64x1xf32>
    %max3A_168 = arith.maximumf %add3A_165, %max3A_167 : vector<64x1xf32>
    %div3A_169 = vector.broadcast %max3A_168 : vector<64x1xf32> to vector<64x16xf32>
    %div3A_170 = arith.divf %add3A_161, %div3A_169 : vector<64x16xf32>
    %get3A_171 = arith.constant 0 : index
    %get3A_172 = arith.constant 0 : index
    %get3A_173 = vector.load %arg12[%get3A_171, %get3A_172] : memref<16x16xf32, #tpu.memory_space<vmem>>, vector<16x16xf32>
    %dot_general3A_174 = arith.constant dense<0.000000e+00> : vector<64x16xf32>
    %dot_general3A_175 = tpu.matmul %div3A_170, %get3A_173, %dot_general3A_174 {dimension_numbers = #tpu.dot_dimension_numbers<[1], [0], [0], [1], [0, 0, 1, 1], [], []>, transpose_lhs_hint = false} : vector<64x16xf32>, vector<16x16xf32>, vector<64x16xf32> -> vector<64x16xf32>
    %get3A_176 = arith.constant 0 : index
    %get3A_177 = arith.constant 0 : index
    %get3A_178 = vector.load %arg13[%get3A_176, %get3A_177] : memref<1x16xf32, #tpu.memory_space<vmem>>, vector<1x16xf32>
    %add3A_179 = vector.broadcast %get3A_178 : vector<1x16xf32> to vector<64x16xf32>
    %add3A_180 = arith.addf %dot_general3A_175, %add3A_179 : vector<64x16xf32>
    %max3A_181 = arith.constant 0.000000e+00 : f32
    %max3A_182 = vector.broadcast %max3A_181 : f32 to vector<64x16xf32>
    %max3A_183 = arith.maximumf %add3A_180, %max3A_182 : vector<64x16xf32>
    %get3A_184 = arith.constant 0 : index
    %get3A_185 = arith.constant 0 : index
    %get3A_186 = vector.load %arg14[%get3A_184, %get3A_185] : memref<16x8xf32, #tpu.memory_space<vmem>>, vector<16x8xf32>
    %dot_general3A_187 = arith.constant dense<0.000000e+00> : vector<64x8xf32>
    %dot_general3A_188 = tpu.matmul %max3A_183, %get3A_186, %dot_general3A_187 {dimension_numbers = #tpu.dot_dimension_numbers<[1], [0], [0], [1], [0, 0, 1, 1], [], []>, transpose_lhs_hint = false} : vector<64x16xf32>, vector<16x8xf32>, vector<64x8xf32> -> vector<64x8xf32>
    %get3A_189 = arith.constant 0 : index
    %get3A_190 = arith.constant 0 : index
    %get3A_191 = vector.load %arg15[%get3A_189, %get3A_190] : memref<1x8xf32, #tpu.memory_space<vmem>>, vector<1x8xf32>
    %add3A_192 = vector.broadcast %get3A_191 : vector<1x8xf32> to vector<64x8xf32>
    %add3A_193 = arith.addf %dot_general3A_188, %add3A_192 : vector<64x8xf32>
    %swap3A = arith.constant 0 : index
    %swap3A_194 = arith.constant 0 : index
    %swap3A_195 = vector.load %arg16[%swap3A, %swap3A_194] : memref<64x8xf32, #tpu.memory_space<vmem>>, vector<64x8xf32>
    tpu.vector_store %arg16[%swap3A, %swap3A_194], %add3A_193 {strides = array<i32>} : memref<64x8xf32, #tpu.memory_space<vmem>>, vector<64x8xf32>,
    return
  }
}

</mosaic_0001>

<sc_bundles>
// kernel: kernel.16.cloned.1.call-start
scs
__scs_entry_jumppad:
0x0: {  	(pc) =	sbr.rel $0x88, $3  }
0x1: {  	(tag) =	ssettag $0x0;
	lr =	simm.s32 $0x1  }
0x2: {  	[smem:$0x3F91] =	sst lr;
	_ =	strace $0xD0000000  }
0x3: {  	_ = 	snop  }
0x4: {  	_ = 	snop  }
0x5: {  	_ = 	snop  }
0x6: {  	_ = 	snop  }
0x7: {  	_ = 	snop  }
__scs_overlays_trampoline_lowered:
0x8: {  	[smem:$0x3FA0] =	sst s0  }
0x9: {  	[smem:$0x3FA1] =	sst s1  }
0xa: {  	[smem:$0x3FA2] =	sst s2  }
0xb: {  	[smem:$0x3FA3] =	sst s3  }
0xc: {  	[smem:$0x3FA4] =	sst s4  }
0xd: {  	[smem:$0x3FA5] =	sst s5  }
0xe: {  	[smem:$0x3FA6] =	sst s6  }
0xf: {  	[smem:$0x3FA7] =	sst s7  }
0x10: {  	[smem:$0x3FA8] =	sst s8  }
0x11: {  	[smem:$0x3FA9] =	sst s9;
	s0 =	simm.s32 @!p0 $0x0  }
0x12: {  	s1 =	sld [smem:$0x3F8F];
	s0 =	simm.s32 @p0 $0x1  }
0x13: {  	[smem:$0x3FAA] =	sst s0;
	s0 =	simm.s32 @!p1 $0x0  }
0x14: {  	s2 =	sld [smem:$0x3F8E];
	s0 =	simm.s32 @p1 $0x1  }
0x15: {  	[smem:$0x3FAB] =	sst s0;
	s0 =	simm.s32 @!p2 $0x0  }
0x16: {  	s3 =	sld [smem:$0x3FDB];
	s0 =	simm.s32 @p2 $0x1  }
0x17: {  	s4 =	simm.s32 $0x1BF5;
	[smem:$0x3FAD] =	sst s0  }
0x18: {  	s0 =	sld [smem:$0x3F90];
	_ =	swait.ge [sflag:s4], $0x0  }
0x19: {  	s7 =	sld [smem:$0x3F91]  }
0x1a: {  	s8 =	sadd.s32 $0xFFFFE003, lr  }
0x1b: {  	s9 =	sadd.s32 $0xFFFFFEF7, lr;
	s5 =	simm.s32 $0xFFFFFFFF;
	p2 =	slt.u32 s8, $0xFFFFF086  }
0x1c: {  	p1 =	slt.u32 s9, $0xF7A;
	s5 =	simm.s32 @!p2 $0x0  }
0x1d: {  	s5 =	simm.s32 @p1 $0x1;
	p0 =	seq.s32 s7, s2  }
0x1e: {  	s7 =	smul.u32 @!p0 $0xF7A, s2;
	p2 =	seq.s32 @!p0 s5, $0x0  }
0x1f: {  	s9 =	smul.u32 $0xF7A, s1;
	s8 =	simm.s32 @!p0 $0x1BF5;
	p2 =	por !p2, p0  }
0x20: {  	[sflag:s8] =	ssyncset.s32 @!p0 $0xFFFFF086;
	s6 =	sadd.s32 @!p0 s3, s7;
	s7 =	simm.s32 @!p0 $0x108  }
0x21: {  	s3 =	sadd.s32 s3, s9;
	s6 =	sadd.s32 @!p0 $0x88, s6;
	s7 =	simm.s32 @p2 $0x1082  }
0x22: {  	[simem:s7], [sflag:s8] =	dma.local @!p0 [hbm:s6], $0xF7A  }
0x23: {  	s9 =	sor.u32 $0xD0000000, s2;
	s6 =	simm.s32 $0x108;
	_ =	swait.ge @!p0 [sflag:s8], $0x0  }
0x24: {  	s3 =	sadd.s32 $0x88, s3;
	s6 =	simm.s32 @!p1 $0x1082;
	[sflag:s4] =	ssyncset.s32 $0xFFFFF086  }
0x25: {  	[simem:s6], [sflag:s4] =	dma.local [hbm:s3], $0xF7A  }
0x26: {  	[smem:$0x3F91] =	sst s1;
	(tag) =	ssettag s2;
	_ =	strace s9  }
0x27: {  	s1 =	sld [smem:$0x3FA1]  }
0x28: {  	s2 =	sld [smem:$0x3FA2]  }
0x29: {  	s4 =	sld [smem:$0x3FA4]  }
0x2a: {  	p0 =	seq.s32 s5, $0x0;
	s5 =	sld [smem:$0x3FA5]  }
0x2b: {  	s6 =	sld [smem:$0x3FA6]  }
0x2c: {  	s7 =	sld [smem:$0x3FA7]  }
0x2d: {  	s3 =	simm.s32 $0x108;
	s8 =	sld [smem:$0x3FA8]  }
0x2e: {  	s3 =	simm.s32 @!p0 $0x1082;
	s9 =	sld [smem:$0x3FA9]  }
0x2f: {  	lr =	sadd.s32 s0, s3;
	s0 =	sld [smem:$0x3FA0]  }
0x30: {  	s3 =	sld [smem:$0x3FA3]  }
0x31: {  	[smem:$0x3FAC] =	sst s10  }
0x32: {  	s10 =	sld [smem:$0x3FAA];
	_ =	sdelay $0x3  }
0x33: {  	p0 =	seq.s32 s10, $0x1;
	s10 =	sld [smem:$0x3FAC];
	_ =	sdelay $0x3  }
0x34: {  	[smem:$0x3FAC] =	sst s10  }
0x35: {  	s10 =	sld [smem:$0x3FAB];
	_ =	sdelay $0x3  }
0x36: {  	p1 =	seq.s32 s10, $0x1;
	s10 =	sld [smem:$0x3FAC];
	_ =	sdelay $0x3  }
0x37: {  	[smem:$0x3FAC] =	sst s10  }
0x38: {  	s10 =	sld [smem:$0x3FAD]  }
0x39: {  	_ = 	snop;
	(pc) =	sbr.ind lr, $3  }
0x3a: {  	_ = 	snop  }
0x3b: {  	_ = 	snop  }
0x3c: {  	p2 =	seq.s32 s10, $0x1;
	s10 =	sld [smem:$0x3FAC]  }
0x3d: {  	_ =	shalt  }
0x3e: {  	_ =	shalt  }
0x3f: {  	_ =	shalt  }
0x40: {  	_ =	shalt  }
0x41: {  	_ =	shalt  }
0x42: {  	_ =	shalt  }
0x43: {  	_ =	shalt  }
0x44: {  	_ =	shalt  }
0x45: {  	_ =	shalt  }
0x46: {  	_ =	shalt  }
0x47: {  	_ =	shalt  }
0x48: {  	_ =	shalt  }
0x49: {  	_ =	shalt  }
0x4a: {  	_ =	shalt  }
0x4b: {  	_ =	shalt  }
0x4c: {  	_ =	shalt  }
0x4d: {  	_ =	shalt  }
0x4e: {  	_ =	shalt  }
0x4f: {  	_ =	shalt  }
0x50: {  	_ =	shalt  }
0x51: {  	_ =	shalt  }
0x52: {  	_ =	shalt  }
0x53: {  	_ =	shalt  }
0x54: {  	_ =	shalt  }
0x55: {  	_ =	shalt  }
0x56: {  	_ =	shalt  }
0x57: {  	_ =	shalt  }
0x58: {  	_ =	shalt  }
0x59: {  	_ =	shalt  }
0x5a: {  	_ =	shalt  }
0x5b: {  	_ =	shalt  }
0x5c: {  	_ =	shalt  }
0x5d: {  	_ =	shalt  }
0x5e: {  	_ =	shalt  }
0x5f: {  	_ =	shalt  }
0x60: {  	_ =	shalt  }
0x61: {  	_ =	shalt  }
0x62: {  	_ =	shalt  }
0x63: {  	_ =	shalt  }
0x64: {  	_ =	shalt  }
0x65: {  	_ =	shalt  }
0x66: {  	_ =	shalt  }
0x67: {  	_ =	shalt  }
0x68: {  	_ =	shalt  }
0x69: {  	_ =	shalt  }
0x6a: {  	_ =	shalt  }
0x6b: {  	_ =	shalt  }
0x6c: {  	_ =	shalt  }
0x6d: {  	_ =	shalt  }
0x6e: {  	_ =	shalt  }
0x6f: {  	_ =	shalt  }
0x70: {  	_ =	shalt  }
0x71: {  	_ =	shalt  }
0x72: {  	_ =	shalt  }
0x73: {  	_ =	shalt  }
0x74: {  	_ =	shalt  }
0x75: {  	_ =	shalt  }
0x76: {  	_ =	shalt  }
0x77: {  	_ =	shalt  }
0x78: {  	_ =	shalt  }
0x79: {  	_ =	shalt  }
0x7a: {  	_ =	shalt  }
0x7b: {  	_ =	shalt  }
0x7c: {  	_ =	shalt  }
0x7d: {  	_ =	shalt  }
0x7e: {  	_ =	shalt  }
0x7f: {  	_ =	shalt  }
0x80: {  	_ =	shalt  }
0x81: {  	_ =	shalt  }
0x82: {  	_ =	shalt  }
0x83: {  	_ =	shalt  }
0x84: {  	_ =	shalt  }
0x85: {  	_ =	shalt  }
0x86: {  	_ =	shalt  }
0x87: {  	_ =	shalt  }
.Lfunc_end0:
.L_simem_size_0:
called_computation_lowered:
.L_overlay_start_0:
0x88: {  	s2 =	sld [smem:$0x3FD9]  }
0x89: {  	s3 =	sld [smem:$0x3FFE];
	_ =	sdelay $0x1  }
0x8a: {  	s1 =	srdreg.scid  }
0x8b: {  	s0 =	sand.u32 $0x1, s1  }
0x8c: {  	s16 =	sshll.u32 s0, $0xA;
	s2 =	sadd.s32 s3, s2  }
0x8d: {  	s2 =	sadd.s32 s2, s16  }
0x8e: {  	[smem:$0x3FB8] =	sst s2  }
0x8f: {  	_ = 	snop  }
0x90: {  	(tm) =	ssettm $0x1  }
0x91: {  	s17 =	sld [smem:$0x3FFB];
	_ =	sdelay $0x3  }
0x92: {  	_ =	strace s17  }
0x93: {  	s2 =	sld [smem:$0x3FFC];
	_ =	sdelay $0x3  }
0x94: {  	_ =	strace s2  }
0x95: {  	s2 =	sld [smem:$0x3FFD];
	_ =	sdelay $0x3  }
0x96: {  	_ =	strace s2  }
0x97: {  	_ =	strace $0x8FFFFFFF  }
0x98: {  	s18 =	sld [smem:$0x3FDB];
	_ =	sdelay $0x1  }
0x99: {  	s19 =	simm.s32 $_scs_section_size  }
0x9a: {  	s4 =	simm.s32 $_size__tile_overlayer_lowered;
	s5 =	simm.s32 $_tile_overlayer_lowered  }
0x9b: {  	s22 =	simm.s32 $0x1BFF;
	s21 =	sshll.u32 s5, $0x1;
	s2 =	sadd.s32 s19, s18  }
0x9c: {  	s6 =	simm.s32 $0x0;
	s20 =	sshll.u32 s4, $0x1;
	s4 =	sadd.s32 s21, s2  }
0x9d: {  	[timem:s6], [sflag:s22] =	dma.local [hbm:s4], s20  }
0x9e: {  	_ =	swait.ge [sflag:s22], s20  }
0x9f: {  	s3 =	ssub.s32 $0x0, s20;
	[sflag:s22] =	ssyncset.done $0x0  }
0xa0: {  	[sflag:s22] =	ssyncadd.s32 s3;
	_ =	sdelay $0x1  }
0xa1: {  	s23 =	simm.s32 $0x1B8B  }
0xa2: {  	_ =	swait.ge [sflag:s23], $0x1  }
0xa3: {  	[sflag:s23] =	ssyncset.done $0x0  }
0xa4: {  	s25 =	simm.s32 $0x1B8E;
	s24 =	sld [smem:$0x3FFE];
	[sflag:s23] =	ssyncadd.s32 $0xFFFFFFFF  }
0xa5: {  	s26 =	simm.s32 $execute0_lowered;
	[smem:$0x3FD2] =	sst s25  }
0xa6: {  	s4 =	sshll.u32 s26, $0x1;
	_ =	strace $0x80000046;
	[dreg:$0x1] =	wrdreg $0xFFFFFFFF  }
0xa7: {  	s28 =	simm.s32 $_size_execute0_lowered;
	s2 =	sadd.s32 s2, s4;
	[dreg:$0x0] =	wrdreg $0x0  }
0xa8: {  	s4 =	sshll.u32 s28, $0x1;
	[dreg:$0x2] =	wrdreg s2  }
0xa9: {  	[dreg:$0x3] =	wrdreg s4  }
0xaa: {  	[dreg:$0x4] =	wrdreg $0xC0  }
0xab: {  	_ =	task [dreg:s6], $0x5FFFF  }
0xac: {  	[dreg:$0x1] =	wrdreg $0xFFFFFFFF  }
0xad: {  	[dreg:$0x0] =	wrdreg $0x60  }
0xae: {  	[dreg:$0x2] =	wrdreg s24  }
0xaf: {  	[dreg:$0x3] =	wrdreg $0xA  }
0xb0: {  	_ =	task.clear_ibuf [dreg:s6], $0x4FFFF;
	_ =	strace $0x90000046  }
0xb1: {  	s29 =	simm.s32 $0xA;
	_ =	strace $0x80000048  }
0xb2: {  	_ =	swait.ge [sflag:s29], $0x1  }
0xb3: {  	[sflag:s29] =	ssyncadd.s32 $0xFFFFFFFF  }
0xb4: {  	_ =	strace $0x90000048  }
0xb5: {  	_ =	sfence  }
0xb6: {  	s30 =	sld [smem:$0x0];
	_ =	sdelay $0x2  }
0xb7: {  	s31 =	sshll.u32 s1, $0xD;
	s1 =	sshrl.u32 s1, $0x2  }
0xb8: {  	s3 =	sand.u32 $0x4000, s31;
	s1 =	sadd.s32 s1, s30  }
0xb9: {  	s0 =	sor.u32 s3, s0;
	s1 =	sshll.u32 s1, $0x11  }
0xba: {  	s0 =	sor.u32 s1, s0  }
0xbb: {  	s0 =	sadd.s32 $0x8F2B, s0  }
0xbc: {  	[sflag:s0] =	ssyncadd.remote.s32 $0x1  }
0xbd: {  	_ =	sfence.sel $0xFFFF  }
0xbe: {  	[dreg:$0x0] =	wrdreg $0xFFFFFFFF;
	(pc) =	sbr.abs _section_cstart, $3  }
0xbf: {  	[dreg:$0x1] =	wrdreg $0xFFFFFFFF  }
0xc0: {  	_ =	task.clear_ibuf [dreg:s6], $0x2FFFF;
	_ =	strace $0x9FFFFFFF  }
0xc1: {  	(tm) =	ssettm $0x7FFFFFFF  }
tec
execute0_lowered:
.L_overlay_start_1:
0x0: {  	(tag) =	ssettag $0x1  }
0x1: {  	s1 =	srdreg.scid;
	s0 =	stileid.u32  }
0x2: {  	s13 =	sand.u32 $0x1, s1;
	s31 =	sshll.u32 s0, $0x1  }
0x3: {  	s6 =	sor.u32 s13, s31  }
0x4: {  	s9 =	rddreg [dreg:$0x0];
	s3 =	smul.u32 $0x140, s6  }
0x5: {  	s2 =	simm.s32 $0x0;
	s1 =	rddreg [dreg:$0x1]  }
0x6: {  	[smem:$0x7FF] =	sst s2;
	s3 =	sadd.s32 s3, s9  }
0x7: {  	_ =	strace $0x80000047;
	s4 =	sadd.s32 $0x11200, s3;
	s3 =	simm.s32 $0x2  }
0x8: {  	[tilespmem:s2], [sflag:$0x2] =	stream.linear.gather [hbm4b:s4+s2], $0xA00, $0x38;
	[tilespmem:$0x5A00] =	vst v63  }
0x9: {  	s7 =	simm.s32 $0xA00;
	_ =	swait.ge [sflag:s3], $0xA00  }
0xa: {  	s8 =	simm.s32 $0x1;
	s5 =	sadd.s32 $0x7400, s9;
	[sflag:s3] =	ssyncset.done $0x0  }
0xb: {  	s10 =	smul.u32 $0x2800, s6;
	s6 =	simm.s32 $0x280;
	[sflag:s3] =	ssyncadd.s32 $0xFFFFF600  }
0xc: {  	[tilespmem:s7], [sflag:$0x1] =	stream.indirect.gather [hbm4b:s5+s6], $0x20, s2, s6, $0xb8;
	[tilespmem:$0x5A00] =	vst v63  }
0xd: {  	_ =	swait.ge [sflag:s8], $0x5000  }
0xe: {  	s14 =	sadd.s32 s10, s9;
	[sflag:s8] =	ssyncset.done $0x0  }
0xf: {  	s9 =	sadd.s32 $0x16200, s14;
	[sflag:s8] =	ssyncadd.s32 $0xFFFFB000  }
0x10: {  	[hbm4b:s9+s2] =	stream.linear.scatter [tilespmem:s7], [sflag:$0x2], $0x5000, $0x38;
	[tilespmem:$0x5A00] =	vst v63  }
0x11: {  	_ =	swait.ge [sflag:s3], $0x5000  }
0x12: {  	[sflag:s3] =	ssyncset.done $0x0  }
0x13: {  	[sflag:s3] =	ssyncadd.s32 $0xFFFFB000  }
0x14: {  	[tilespmem:s7], [sflag:$0x1] =	stream.indirect.gather [hbm4b:s5+s6], $0x20, s6, s6, $0xb8;
	[tilespmem:$0x5A00] =	vst v63  }
0x15: {  	_ =	swait.ge [sflag:s8], $0x5000  }
0x16: {  	[sflag:s8] =	ssyncset.done $0x0  }
0x17: {  	s10 =	sadd.s32 $0x16C00, s14;
	[sflag:s8] =	ssyncadd.s32 $0xFFFFB000  }
0x18: {  	[hbm4b:s10+s2] =	stream.linear.scatter [tilespmem:s7], [sflag:$0x2], $0x5000, $0x38;
	[tilespmem:$0x5A00] =	vst v63  }
0x19: {  	_ =	swait.ge [sflag:s3], $0x5000  }
0x1a: {  	[sflag:s3] =	ssyncset.done $0x0  }
0x1b: {  	s11 =	simm.s32 $0x500;
	[sflag:s3] =	ssyncadd.s32 $0xFFFFB000  }
0x1c: {  	[tilespmem:s7], [sflag:$0x1] =	stream.indirect.gather [hbm4b:s5+s6], $0x20, s11, s6, $0xb8;
	[tilespmem:$0x5A00] =	vst v63  }
0x1d: {  	_ =	swait.ge [sflag:s8], $0x5000  }
0x1e: {  	[sflag:s8] =	ssyncset.done $0x0  }
0x1f: {  	s15 =	ssub.s32 $0x2, s13;
	s12 =	sadd.s32 $0x17600, s14;
	[sflag:s8] =	ssyncadd.s32 $0xFFFFB000  }
0x20: {  	[hbm4b:s12+s2] =	stream.linear.scatter [tilespmem:s7], [sflag:$0x2], $0x5000, $0x38;
	[tilespmem:$0x5A00] =	vst v63  }
0x21: {  	s16 =	sshrl.u32 s15, $0x1;
	_ =	swait.ge [sflag:s3], $0x5000  }
0x22: {  	s15 =	ssub.s32 s15, s16;
	[sflag:s3] =	ssyncset.done $0x0  }
0x23: {  	s13 =	simm.s32 $0x780;
	s15 =	smax.u32 s15, $0x1;
	[sflag:s3] =	ssyncadd.s32 $0xFFFFB000  }
0x24: {  	[tilespmem:s7], [sflag:$0x1] =	stream.indirect.gather [hbm4b:s5+s6], $0x20, s13, s6, $0xb8;
	[tilespmem:$0x5A00] =	vst v63  }
0x25: {  	p0 =	sne.s32 s15, $0x1;
	_ =	swait.ge [sflag:s8], $0x5000  }
.Ltmp0:
0x26: {  	[sflag:s8] =	ssyncset.done $0x0;
	(pc) =	sbr.rel @!p0 .LBB2_2-.Ltmp0, $4  }
0x27: {  	s14 =	sadd.s32 $0x18000, s14;
	[sflag:s8] =	ssyncadd.s32 $0xFFFFB000  }
0x28: {  	[hbm4b:s14+s2] =	stream.linear.scatter [tilespmem:s7], [sflag:$0x2], $0x5000, $0x38;
	[tilespmem:$0x5A00] =	vst v63  }
0x29: {  	_ =	swait.ge [sflag:s3], $0x5000  }
0x2a: {  	s15 =	sadd.s32 $0xFFFFFFFF, s15;
	[sflag:s3] =	ssyncset.done $0x0  }
.LBB2_1:
0x2b: {  	p0 =	sne.s32 s15, $0x1;
	s15 =	sadd.s32 $0xFFFFFFFF, s15;
	[sflag:s3] =	ssyncadd.s32 $0xFFFFB000  }
0x2c: {  	[tilespmem:s2], [sflag:$0x2] =	stream.linear.gather [hbm4b:s4+s2], $0xA00, $0x38;
	[tilespmem:$0x5A00] =	vst v63  }
0x2d: {  	_ =	swait.ge [sflag:s3], $0xA00  }
0x2e: {  	[sflag:s3] =	ssyncset.done $0x0  }
0x2f: {  	[sflag:s3] =	ssyncadd.s32 $0xFFFFF600  }
0x30: {  	[tilespmem:s7], [sflag:$0x1] =	stream.indirect.gather [hbm4b:s5+s6], $0x20, s2, s6, $0xb8;
	[tilespmem:$0x5A00] =	vst v63  }
0x31: {  	_ =	swait.ge [sflag:s8], $0x5000  }
0x32: {  	[sflag:s8] =	ssyncset.done $0x0  }
0x33: {  	[sflag:s8] =	ssyncadd.s32 $0xFFFFB000  }
0x34: {  	[hbm4b:s9+s2] =	stream.linear.scatter [tilespmem:s7], [sflag:$0x2], $0x5000, $0x38;
	[tilespmem:$0x5A00] =	vst v63  }
0x35: {  	_ =	swait.ge [sflag:s3], $0x5000  }
0x36: {  	[sflag:s3] =	ssyncset.done $0x0  }
0x37: {  	[sflag:s3] =	ssyncadd.s32 $0xFFFFB000  }
0x38: {  	[tilespmem:s7], [sflag:$0x1] =	stream.indirect.gather [hbm4b:s5+s6], $0x20, s6, s6, $0xb8;
	[tilespmem:$0x5A00] =	vst v63  }
0x39: {  	_ =	swait.ge [sflag:s8], $0x5000  }
0x3a: {  	[sflag:s8] =	ssyncset.done $0x0  }
0x3b: {  	[sflag:s8] =	ssyncadd.s32 $0xFFFFB000  }
0x3c: {  	[hbm4b:s10+s2] =	stream.linear.scatter [tilespmem:s7], [sflag:$0x2], $0x5000, $0x38;
	[tilespmem:$0x5A00] =	vst v63  }
0x3d: {  	_ =	swait.ge [sflag:s3], $0x5000  }
0x3e: {  	[sflag:s3] =	ssyncset.done $0x0  }
0x3f: {  	[sflag:s3] =	ssyncadd.s32 $0xFFFFB000  }
0x40: {  	[tilespmem:s7], [sflag:$0x1] =	stream.indirect.gather [hbm4b:s5+s6], $0x20, s11, s6, $0xb8;
	[tilespmem:$0x5A00] =	vst v63  }
0x41: {  	_ =	swait.ge [sflag:s8], $0x5000  }
0x42: {  	[sflag:s8] =	ssyncset.done $0x0  }
0x43: {  	[sflag:s8] =	ssyncadd.s32 $0xFFFFB000  }
0x44: {  	[hbm4b:s12+s2] =	stream.linear.scatter [tilespmem:s7], [sflag:$0x2], $0x5000, $0x38;
	[tilespmem:$0x5A00] =	vst v63  }
0x45: {  	_ =	swait.ge [sflag:s3], $0x5000  }
0x46: {  	[sflag:s3] =	ssyncset.done $0x0  }
0x47: {  	[sflag:s3] =	ssyncadd.s32 $0xFFFFB000  }
0x48: {  	[tilespmem:s7], [sflag:$0x1] =	stream.indirect.gather [hbm4b:s5+s6], $0x20, s13, s6, $0xb8;
	[tilespmem:$0x5A00] =	vst v63  }
0x49: {  	_ =	swait.ge [sflag:s8], $0x5000  }
.Ltmp1:
0x4a: {  	[sflag:s8] =	ssyncset.done $0x0;
	(pc) =	sbr.rel @p0 .LBB2_1-.Ltmp1, $4  }
0x4b: {  	[sflag:s8] =	ssyncadd.s32 $0xFFFFB000  }
0x4c: {  	[hbm4b:s14+s2] =	stream.linear.scatter [tilespmem:s7], [sflag:$0x2], $0x5000, $0x38;
	[tilespmem:$0x5A00] =	vst v63  }
0x4d: {  	_ =	swait.ge [sflag:s3], $0x5000  }
0x4e: {  	[sflag:s3] =	ssyncset.done $0x0  }
.LBB2_2:
0x4f: {  	[sflag:s3] =	ssyncadd.s32 $0xFFFFB000  }
0x50: {  	_ =	sfence.sel $0x180000  }
0x51: {  	[bflag:$0x0] =	sbarrier.arrive $0xFFFF  }
0x52: {  	p0 =	sne.s32 s0, $0x0;
	_ =	strace $0x90000047  }
0x53: {  	s0 =	sadd.s32 @!p0 $0x100000, s1;
	[bflag:$0x2] =	sbarrier.arrive $0xFFFF  }
0x54: {  	[sflag:s0] =	ssyncadd.tile.s32 @!p0 $0x1;
	_ =	shalt  }
.Lfunc_end2:
_tile_overlayer_lowered:
.L_overlay_start_2:
0x55: {  	(tag) =	ssettag $0x2  }
0x56: {  	s0 =	rddreg [dreg:$0x0];
	s2 =	stileid.u32  }
0x57: {  	s1 =	rddreg [dreg:$0x1];
	p0 =	sne.s32 s2, $0x0  }
0x58: {  	s3 =	rddreg [dreg:$0x2];
	[bflag:$0x3] =	sbarrier.arrive $0xFFFF;
	s2 =	simm.s32 @!p0 $0x1C02  }
0x59: {  	[timem:s3], [sflag:s2] =	dma.local @!p0 [hbm:s0], s1  }
0x5a: {  	s0 =	simm.s32 @!p0 $0x2  }
0x5b: {  	_ =	swait.ge @!p0 [sflag:s0], s1  }
0x5c: {  	s1 =	ssub.s32 @!p0 $0x0, s1;
	[sflag:s0] =	ssyncset.done @!p0 $0x0  }
0x5d: {  	[sflag:s0] =	ssyncadd.s32 @!p0 s1  }
0x5e: {  	[bflag:$0x3] =	sbarrier.arrive $0xFFFF  }
0x5f: {  	_ =	shalt  }

// kernel: kernel.19.cloned.1.call-start
scs
__scs_entry_jumppad:
0x0: {  	(pc) =	sbr.rel $0x88, $3  }
0x1: {  	(tag) =	ssettag $0x0;
	lr =	simm.s32 $0x1  }
0x2: {  	[smem:$0x3F91] =	sst lr;
	_ =	strace $0xD0000000  }
0x3: {  	_ = 	snop  }
0x4: {  	_ = 	snop  }
0x5: {  	_ = 	snop  }
0x6: {  	_ = 	snop  }
0x7: {  	_ = 	snop  }
__scs_overlays_trampoline_lowered:
0x8: {  	[smem:$0x3FA0] =	sst s0  }
0x9: {  	[smem:$0x3FA1] =	sst s1  }
0xa: {  	[smem:$0x3FA2] =	sst s2  }
0xb: {  	[smem:$0x3FA3] =	sst s3  }
0xc: {  	[smem:$0x3FA4] =	sst s4  }
0xd: {  	[smem:$0x3FA5] =	sst s5  }
0xe: {  	[smem:$0x3FA6] =	sst s6  }
0xf: {  	[smem:$0x3FA7] =	sst s7  }
0x10: {  	[smem:$0x3FA8] =	sst s8  }
0x11: {  	[smem:$0x3FA9] =	sst s9;
	s0 =	simm.s32 @!p0 $0x0  }
0x12: {  	s1 =	sld [smem:$0x3F8F];
	s0 =	simm.s32 @p0 $0x1  }
0x13: {  	[smem:$0x3FAA] =	sst s0;
	s0 =	simm.s32 @!p1 $0x0  }
0x14: {  	s2 =	sld [smem:$0x3F8E];
	s0 =	simm.s32 @p1 $0x1  }
0x15: {  	[smem:$0x3FAB] =	sst s0;
	s0 =	simm.s32 @!p2 $0x0  }
0x16: {  	s3 =	sld [smem:$0x3FDB];
	s0 =	simm.s32 @p2 $0x1  }
0x17: {  	s4 =	simm.s32 $0x1BF5;
	[smem:$0x3FAD] =	sst s0  }
0x18: {  	s0 =	sld [smem:$0x3F90];
	_ =	swait.ge [sflag:s4], $0x0  }
0x19: {  	s7 =	sld [smem:$0x3F91]  }
0x1a: {  	s8 =	sadd.s32 $0xFFFFE003, lr  }
0x1b: {  	s9 =	sadd.s32 $0xFFFFFEF7, lr;
	s5 =	simm.s32 $0xFFFFFFFF;
	p2 =	slt.u32 s8, $0xFFFFF086  }
0x1c: {  	p1 =	slt.u32 s9, $0xF7A;
	s5 =	simm.s32 @!p2 $0x0  }
0x1d: {  	s5 =	simm.s32 @p1 $0x1;
	p0 =	seq.s32 s7, s2  }
0x1e: {  	s7 =	smul.u32 @!p0 $0xF7A, s2;
	p2 =	seq.s32 @!p0 s5, $0x0  }
0x1f: {  	s9 =	smul.u32 $0xF7A, s1;
	s8 =	simm.s32 @!p0 $0x1BF5;
	p2 =	por !p2, p0  }
0x20: {  	[sflag:s8] =	ssyncset.s32 @!p0 $0xFFFFF086;
	s6 =	sadd.s32 @!p0 s3, s7;
	s7 =	simm.s32 @!p0 $0x108  }
0x21: {  	s3 =	sadd.s32 s3, s9;
	s6 =	sadd.s32 @!p0 $0x88, s6;
	s7 =	simm.s32 @p2 $0x1082  }
0x22: {  	[simem:s7], [sflag:s8] =	dma.local @!p0 [hbm:s6], $0xF7A  }
0x23: {  	s9 =	sor.u32 $0xD0000000, s2;
	s6 =	simm.s32 $0x108;
	_ =	swait.ge @!p0 [sflag:s8], $0x0  }
0x24: {  	s3 =	sadd.s32 $0x88, s3;
	s6 =	simm.s32 @!p1 $0x1082;
	[sflag:s4] =	ssyncset.s32 $0xFFFFF086  }
0x25: {  	[simem:s6], [sflag:s4] =	dma.local [hbm:s3], $0xF7A  }
0x26: {  	[smem:$0x3F91] =	sst s1;
	(tag) =	ssettag s2;
	_ =	strace s9  }
0x27: {  	s1 =	sld [smem:$0x3FA1]  }
0x28: {  	s2 =	sld [smem:$0x3FA2]  }
0x29: {  	s4 =	sld [smem:$0x3FA4]  }
0x2a: {  	p0 =	seq.s32 s5, $0x0;
	s5 =	sld [smem:$0x3FA5]  }
0x2b: {  	s6 =	sld [smem:$0x3FA6]  }
0x2c: {  	s7 =	sld [smem:$0x3FA7]  }
0x2d: {  	s3 =	simm.s32 $0x108;
	s8 =	sld [smem:$0x3FA8]  }
0x2e: {  	s3 =	simm.s32 @!p0 $0x1082;
	s9 =	sld [smem:$0x3FA9]  }
0x2f: {  	lr =	sadd.s32 s0, s3;
	s0 =	sld [smem:$0x3FA0]  }
0x30: {  	s3 =	sld [smem:$0x3FA3]  }
0x31: {  	[smem:$0x3FAC] =	sst s10  }
0x32: {  	s10 =	sld [smem:$0x3FAA];
	_ =	sdelay $0x3  }
0x33: {  	p0 =	seq.s32 s10, $0x1;
	s10 =	sld [smem:$0x3FAC];
	_ =	sdelay $0x3  }
0x34: {  	[smem:$0x3FAC] =	sst s10  }
0x35: {  	s10 =	sld [smem:$0x3FAB];
	_ =	sdelay $0x3  }
0x36: {  	p1 =	seq.s32 s10, $0x1;
	s10 =	sld [smem:$0x3FAC];
	_ =	sdelay $0x3  }
0x37: {  	[smem:$0x3FAC] =	sst s10  }
0x38: {  	s10 =	sld [smem:$0x3FAD]  }
0x39: {  	_ = 	snop;
	(pc) =	sbr.ind lr, $3  }
0x3a: {  	_ = 	snop  }
0x3b: {  	_ = 	snop  }
0x3c: {  	p2 =	seq.s32 s10, $0x1;
	s10 =	sld [smem:$0x3FAC]  }
0x3d: {  	_ =	shalt  }
0x3e: {  	_ =	shalt  }
0x3f: {  	_ =	shalt  }
0x40: {  	_ =	shalt  }
0x41: {  	_ =	shalt  }
0x42: {  	_ =	shalt  }
0x43: {  	_ =	shalt  }
0x44: {  	_ =	shalt  }
0x45: {  	_ =	shalt  }
0x46: {  	_ =	shalt  }
0x47: {  	_ =	shalt  }
0x48: {  	_ =	shalt  }
0x49: {  	_ =	shalt  }
0x4a: {  	_ =	shalt  }
0x4b: {  	_ =	shalt  }
0x4c: {  	_ =	shalt  }
0x4d: {  	_ =	shalt  }
0x4e: {  	_ =	shalt  }
0x4f: {  	_ =	shalt  }
0x50: {  	_ =	shalt  }
0x51: {  	_ =	shalt  }
0x52: {  	_ =	shalt  }
0x53: {  	_ =	shalt  }
0x54: {  	_ =	shalt  }
0x55: {  	_ =	shalt  }
0x56: {  	_ =	shalt  }
0x57: {  	_ =	shalt  }
0x58: {  	_ =	shalt  }
0x59: {  	_ =	shalt  }
0x5a: {  	_ =	shalt  }
0x5b: {  	_ =	shalt  }
0x5c: {  	_ =	shalt  }
0x5d: {  	_ =	shalt  }
0x5e: {  	_ =	shalt  }
0x5f: {  	_ =	shalt  }
0x60: {  	_ =	shalt  }
0x61: {  	_ =	shalt  }
0x62: {  	_ =	shalt  }
0x63: {  	_ =	shalt  }
0x64: {  	_ =	shalt  }
0x65: {  	_ =	shalt  }
0x66: {  	_ =	shalt  }
0x67: {  	_ =	shalt  }
0x68: {  	_ =	shalt  }
0x69: {  	_ =	shalt  }
0x6a: {  	_ =	shalt  }
0x6b: {  	_ =	shalt  }
0x6c: {  	_ =	shalt  }
0x6d: {  	_ =	shalt  }
0x6e: {  	_ =	shalt  }
0x6f: {  	_ =	shalt  }
0x70: {  	_ =	shalt  }
0x71: {  	_ =	shalt  }
0x72: {  	_ =	shalt  }
0x73: {  	_ =	shalt  }
0x74: {  	_ =	shalt  }
0x75: {  	_ =	shalt  }
0x76: {  	_ =	shalt  }
0x77: {  	_ =	shalt  }
0x78: {  	_ =	shalt  }
0x79: {  	_ =	shalt  }
0x7a: {  	_ =	shalt  }
0x7b: {  	_ =	shalt  }
0x7c: {  	_ =	shalt  }
0x7d: {  	_ =	shalt  }
0x7e: {  	_ =	shalt  }
0x7f: {  	_ =	shalt  }
0x80: {  	_ =	shalt  }
0x81: {  	_ =	shalt  }
0x82: {  	_ =	shalt  }
0x83: {  	_ =	shalt  }
0x84: {  	_ =	shalt  }
0x85: {  	_ =	shalt  }
0x86: {  	_ =	shalt  }
0x87: {  	_ =	shalt  }
.Lfunc_end0:
.L_simem_size_0:
called_computation.1_lowered:
.L_overlay_start_0:
0x88: {  	s2 =	sld [smem:$0x3FD9]  }
0x89: {  	s3 =	sld [smem:$0x3FFE];
	_ =	sdelay $0x1  }
0x8a: {  	s1 =	srdreg.scid  }
0x8b: {  	s0 =	sand.u32 $0x1, s1  }
0x8c: {  	s17 =	sshll.u32 s0, $0xA;
	s2 =	sadd.s32 s3, s2  }
0x8d: {  	s2 =	sadd.s32 s2, s17  }
0x8e: {  	[smem:$0x3FB8] =	sst s2  }
0x8f: {  	_ = 	snop  }
0x90: {  	(tm) =	ssettm $0x1  }
0x91: {  	s18 =	sld [smem:$0x3FFB];
	_ =	sdelay $0x3  }
0x92: {  	_ =	strace s18  }
0x93: {  	s2 =	sld [smem:$0x3FFC];
	_ =	sdelay $0x3  }
0x94: {  	_ =	strace s2  }
0x95: {  	s2 =	sld [smem:$0x3FFD];
	_ =	sdelay $0x3  }
0x96: {  	_ =	strace s2  }
0x97: {  	_ =	strace $0x8FFFFFFF  }
0x98: {  	s19 =	sld [smem:$0x3FDB];
	_ =	sdelay $0x1  }
0x99: {  	s20 =	simm.s32 $_scs_section_size  }
0x9a: {  	s4 =	simm.s32 $_size__tile_overlayer_lowered;
	s5 =	simm.s32 $_tile_overlayer_lowered  }
0x9b: {  	s6 =	simm.s32 $0x1BFF;
	s21 =	sshll.u32 s5, $0x1;
	s3 =	sadd.s32 s20, s19  }
0x9c: {  	s22 =	simm.s32 $0x0;
	s4 =	sshll.u32 s4, $0x1;
	s5 =	sadd.s32 s21, s3  }
0x9d: {  	[timem:s22], [sflag:s6] =	dma.local [hbm:s5], s4  }
0x9e: {  	_ =	swait.ge [sflag:s6], s4  }
0x9f: {  	s4 =	ssub.s32 $0x0, s4;
	[sflag:s6] =	ssyncset.done $0x0  }
0xa0: {  	[sflag:s6] =	ssyncadd.s32 s4;
	_ =	sdelay $0x1  }
0xa1: {  	s23 =	simm.s32 $0x1B8B  }
0xa2: {  	_ =	swait.ge [sflag:s23], $0x1  }
0xa3: {  	[sflag:s23] =	ssyncset.done $0x0  }
0xa4: {  	[sflag:s23] =	ssyncadd.s32 $0xFFFFFFFF  }
0xa5: {  	s4 =	sld [smem:$0x0]  }
0xa6: {  	s5 =	sand.u32 $0xFFFFFFFE, s1  }
0xa7: {  	p0 =	sne.s32 s1, s5  }
0xa8: {  	s5 =	sshll.u32 @p0 s5, $0xE  }
0xa9: {  	s5 =	sadd.s32 @p0 $0x11B8D, s5;
	s6 =	sshll.u32 @p0 s4, $0x11  }
0xaa: {  	s5 =	sor.u32 @p0 s6, s5  }
0xab: {  	[sflag:s5] =	ssyncadd.remote.s32 @p0 $0x1;
	_ =	sdelay $0x1  }
0xac: {  	s5 =	simm.s32 @p0 $0x1B8D  }
0xad: {  	_ =	swait.eq @p0 [sflag:s5], $0x1  }
0xae: {  	[sflag:s5] =	ssyncadd.s32 @p0 $0xFFFFFFFF  }
0xaf: {  	s6 =	sshll.u32 @!p0 s1, $0xE  }
0xb0: {  	s6 =	sor.u32 @!p0 $0x4000, s6;
	s5 =	simm.s32 @!p0 $0x1B8D  }
0xb1: {  	s4 =	sshll.u32 @!p0 s4, $0x11;
	s6 =	sadd.s32 @!p0 $0x11B8D, s6;
	_ =	swait.eq @!p0 [sflag:s5], $0x1  }
0xb2: {  	s4 =	sor.u32 @!p0 s4, s6;
	[sflag:s5] =	ssyncadd.s32 @!p0 $0xFFFFFFFF  }
0xb3: {  	s25 =	simm.s32 $0x1B8E;
	s24 =	sld [smem:$0x3FFE];
	[sflag:s4] =	ssyncadd.remote.s32 @!p0 $0x1  }
0xb4: {  	s26 =	simm.s32 $execute0_lowered;
	[smem:$0x3FD2] =	sst s25  }
0xb5: {  	s5 =	sshll.u32 s26, $0x1;
	_ =	strace $0x80000049;
	[dreg:$0x1] =	wrdreg $0xFFFFFFFF  }
0xb6: {  	s28 =	simm.s32 $_size_execute0_lowered;
	s3 =	sadd.s32 s3, s5;
	[dreg:$0x0] =	wrdreg $0x0  }
0xb7: {  	s5 =	sshll.u32 s28, $0x1;
	[dreg:$0x2] =	wrdreg s3  }
0xb8: {  	[dreg:$0x3] =	wrdreg s5  }
0xb9: {  	[dreg:$0x4] =	wrdreg $0xC0  }
0xba: {  	_ =	task [dreg:s22], $0x5FFFF  }
0xbb: {  	[dreg:$0x1] =	wrdreg $0xFFFFFFFF  }
0xbc: {  	[dreg:$0x0] =	wrdreg $0x60  }
0xbd: {  	[dreg:$0x2] =	wrdreg s24  }
0xbe: {  	[dreg:$0x3] =	wrdreg $0x9  }
0xbf: {  	_ =	task.clear_ibuf [dreg:s22], $0x4FFFF;
	_ =	strace $0x90000049  }
0xc0: {  	s29 =	simm.s32 $0x9;
	_ =	strace $0x8000004B  }
0xc1: {  	_ =	swait.ge [sflag:s29], $0x1  }
0xc2: {  	[sflag:s29] =	ssyncadd.s32 $0xFFFFFFFF  }
0xc3: {  	_ =	strace $0x9000004B  }
0xc4: {  	_ =	sfence  }
0xc5: {  	s30 =	sld [smem:$0x0];
	_ =	sdelay $0x2  }
0xc6: {  	s31 =	sshll.u32 s1, $0xD;
	s1 =	sshrl.u32 s1, $0x2  }
0xc7: {  	s4 =	sand.u32 $0x4000, s31;
	s1 =	sadd.s32 s1, s30  }
0xc8: {  	s0 =	sor.u32 s4, s0;
	s1 =	sshll.u32 s1, $0x11  }
0xc9: {  	s0 =	sor.u32 s1, s0  }
0xca: {  	s0 =	sadd.s32 $0x8F2B, s0  }
0xcb: {  	[sflag:s0] =	ssyncadd.remote.s32 $0x1  }
0xcc: {  	_ =	sfence.sel $0xFFFF  }
0xcd: {  	[dreg:$0x0] =	wrdreg $0xFFFFFFFF;
	(pc) =	sbr.abs _section_cstart, $3  }
0xce: {  	[dreg:$0x1] =	wrdreg $0xFFFFFFFF  }
0xcf: {  	_ =	task.clear_ibuf [dreg:s22], $0x2FFFF;
	_ =	strace $0x9FFFFFFF  }
0xd0: {  	(tm) =	ssettm $0x7FFFFFFF  }
0xd1: {  	_ =	shalt  }
tec
execute0_lowered:
.L_overlay_start_1:
0x0: {  	(tag) =	ssettag $0x1  }
0x1: {  	s1 =	srdreg.scid;
	s0 =	stileid.u32  }
0x2: {  	s13 =	sand.u32 $0x1, s1;
	s31 =	sshll.u32 s0, $0x1  }
0x3: {  	s6 =	sor.u32 s13, s31  }
0x4: {  	s9 =	rddreg [dreg:$0x0];
	s3 =	smul.u32 $0x140, s6  }
0x5: {  	s2 =	simm.s32 $0x0;
	s1 =	rddreg [dreg:$0x1]  }
0x6: {  	[smem:$0x7FF] =	sst s2;
	s3 =	sadd.s32 s3, s9  }
0x7: {  	_ =	strace $0x8000004A;
	s4 =	sadd.s32 $0x66200, s3;
	s3 =	simm.s32 $0x2  }
0x8: {  	[tilespmem:s2], [sflag:$0x2] =	stream.linear.gather [hbm4b:s4+s2], $0xA00, $0x38;
	[tilespmem:$0x5A00] =	vst v63  }
0x9: {  	s7 =	simm.s32 $0xA00;
	_ =	swait.ge [sflag:s3], $0xA00  }
0xa: {  	s8 =	simm.s32 $0x1;
	s5 =	sadd.s32 $0x7400, s9;
	[sflag:s3] =	ssyncset.done $0x0  }
0xb: {  	s10 =	smul.u32 $0x2800, s6;
	s6 =	simm.s32 $0x280;
	[sflag:s3] =	ssyncadd.s32 $0xFFFFF600  }
0xc: {  	[tilespmem:s7], [sflag:$0x1] =	stream.indirect.gather [hbm4b:s5+s6], $0x20, s2, s6, $0xb8;
	[tilespmem:$0x5A00] =	vst v63  }
0xd: {  	_ =	swait.ge [sflag:s8], $0x5000  }
0xe: {  	s14 =	sadd.s32 s10, s9;
	[sflag:s8] =	ssyncset.done $0x0  }
0xf: {  	s9 =	sadd.s32 $0x68A00, s14;
	[sflag:s8] =	ssyncadd.s32 $0xFFFFB000  }
0x10: {  	[hbm4b:s9+s2] =	stream.linear.scatter [tilespmem:s7], [sflag:$0x2], $0x5000, $0x38;
	[tilespmem:$0x5A00] =	vst v63  }
0x11: {  	_ =	swait.ge [sflag:s3], $0x5000  }
0x12: {  	[sflag:s3] =	ssyncset.done $0x0  }
0x13: {  	[sflag:s3] =	ssyncadd.s32 $0xFFFFB000  }
0x14: {  	[tilespmem:s7], [sflag:$0x1] =	stream.indirect.gather [hbm4b:s5+s6], $0x20, s6, s6, $0xb8;
	[tilespmem:$0x5A00] =	vst v63  }
0x15: {  	_ =	swait.ge [sflag:s8], $0x5000  }
0x16: {  	[sflag:s8] =	ssyncset.done $0x0  }
0x17: {  	s10 =	sadd.s32 $0x69400, s14;
	[sflag:s8] =	ssyncadd.s32 $0xFFFFB000  }
0x18: {  	[hbm4b:s10+s2] =	stream.linear.scatter [tilespmem:s7], [sflag:$0x2], $0x5000, $0x38;
	[tilespmem:$0x5A00] =	vst v63  }
0x19: {  	_ =	swait.ge [sflag:s3], $0x5000  }
0x1a: {  	[sflag:s3] =	ssyncset.done $0x0  }
0x1b: {  	s11 =	simm.s32 $0x500;
	[sflag:s3] =	ssyncadd.s32 $0xFFFFB000  }
0x1c: {  	[tilespmem:s7], [sflag:$0x1] =	stream.indirect.gather [hbm4b:s5+s6], $0x20, s11, s6, $0xb8;
	[tilespmem:$0x5A00] =	vst v63  }
0x1d: {  	_ =	swait.ge [sflag:s8], $0x5000  }
0x1e: {  	[sflag:s8] =	ssyncset.done $0x0  }
0x1f: {  	s15 =	ssub.s32 $0x2, s13;
	s12 =	sadd.s32 $0x69E00, s14;
	[sflag:s8] =	ssyncadd.s32 $0xFFFFB000  }
0x20: {  	[hbm4b:s12+s2] =	stream.linear.scatter [tilespmem:s7], [sflag:$0x2], $0x5000, $0x38;
	[tilespmem:$0x5A00] =	vst v63  }
0x21: {  	s16 =	sshrl.u32 s15, $0x1;
	_ =	swait.ge [sflag:s3], $0x5000  }
0x22: {  	s15 =	ssub.s32 s15, s16;
	[sflag:s3] =	ssyncset.done $0x0  }
0x23: {  	s13 =	simm.s32 $0x780;
	s15 =	smax.u32 s15, $0x1;
	[sflag:s3] =	ssyncadd.s32 $0xFFFFB000  }
0x24: {  	[tilespmem:s7], [sflag:$0x1] =	stream.indirect.gather [hbm4b:s5+s6], $0x20, s13, s6, $0xb8;
	[tilespmem:$0x5A00] =	vst v63  }
0x25: {  	p0 =	sne.s32 s15, $0x1;
	_ =	swait.ge [sflag:s8], $0x5000  }
.Ltmp0:
0x26: {  	[sflag:s8] =	ssyncset.done $0x0;
	(pc) =	sbr.rel @!p0 .LBB2_2-.Ltmp0, $4  }
0x27: {  	s14 =	sadd.s32 $0x6A800, s14;
	[sflag:s8] =	ssyncadd.s32 $0xFFFFB000  }
0x28: {  	[hbm4b:s14+s2] =	stream.linear.scatter [tilespmem:s7], [sflag:$0x2], $0x5000, $0x38;
	[tilespmem:$0x5A00] =	vst v63  }
0x29: {  	_ =	swait.ge [sflag:s3], $0x5000  }
0x2a: {  	s15 =	sadd.s32 $0xFFFFFFFF, s15;
	[sflag:s3] =	ssyncset.done $0x0  }
.LBB2_1:
0x2b: {  	p0 =	sne.s32 s15, $0x1;
	s15 =	sadd.s32 $0xFFFFFFFF, s15;
	[sflag:s3] =	ssyncadd.s32 $0xFFFFB000  }
0x2c: {  	[tilespmem:s2], [sflag:$0x2] =	stream.linear.gather [hbm4b:s4+s2], $0xA00, $0x38;
	[tilespmem:$0x5A00] =	vst v63  }
0x2d: {  	_ =	swait.ge [sflag:s3], $0xA00  }
0x2e: {  	[sflag:s3] =	ssyncset.done $0x0  }
0x2f: {  	[sflag:s3] =	ssyncadd.s32 $0xFFFFF600  }
0x30: {  	[tilespmem:s7], [sflag:$0x1] =	stream.indirect.gather [hbm4b:s5+s6], $0x20, s2, s6, $0xb8;
	[tilespmem:$0x5A00] =	vst v63  }
0x31: {  	_ =	swait.ge [sflag:s8], $0x5000  }
0x32: {  	[sflag:s8] =	ssyncset.done $0x0  }
0x33: {  	[sflag:s8] =	ssyncadd.s32 $0xFFFFB000  }
0x34: {  	[hbm4b:s9+s2] =	stream.linear.scatter [tilespmem:s7], [sflag:$0x2], $0x5000, $0x38;
	[tilespmem:$0x5A00] =	vst v63  }
0x35: {  	_ =	swait.ge [sflag:s3], $0x5000  }
0x36: {  	[sflag:s3] =	ssyncset.done $0x0  }
0x37: {  	[sflag:s3] =	ssyncadd.s32 $0xFFFFB000  }
0x38: {  	[tilespmem:s7], [sflag:$0x1] =	stream.indirect.gather [hbm4b:s5+s6], $0x20, s6, s6, $0xb8;
	[tilespmem:$0x5A00] =	vst v63  }
0x39: {  	_ =	swait.ge [sflag:s8], $0x5000  }
0x3a: {  	[sflag:s8] =	ssyncset.done $0x0  }
0x3b: {  	[sflag:s8] =	ssyncadd.s32 $0xFFFFB000  }
0x3c: {  	[hbm4b:s10+s2] =	stream.linear.scatter [tilespmem:s7], [sflag:$0x2], $0x5000, $0x38;
	[tilespmem:$0x5A00] =	vst v63  }
0x3d: {  	_ =	swait.ge [sflag:s3], $0x5000  }
0x3e: {  	[sflag:s3] =	ssyncset.done $0x0  }
0x3f: {  	[sflag:s3] =	ssyncadd.s32 $0xFFFFB000  }
0x40: {  	[tilespmem:s7], [sflag:$0x1] =	stream.indirect.gather [hbm4b:s5+s6], $0x20, s11, s6, $0xb8;
	[tilespmem:$0x5A00] =	vst v63  }
0x41: {  	_ =	swait.ge [sflag:s8], $0x5000  }
0x42: {  	[sflag:s8] =	ssyncset.done $0x0  }
0x43: {  	[sflag:s8] =	ssyncadd.s32 $0xFFFFB000  }
0x44: {  	[hbm4b:s12+s2] =	stream.linear.scatter [tilespmem:s7], [sflag:$0x2], $0x5000, $0x38;
	[tilespmem:$0x5A00] =	vst v63  }
0x45: {  	_ =	swait.ge [sflag:s3], $0x5000  }
0x46: {  	[sflag:s3] =	ssyncset.done $0x0  }
0x47: {  	[sflag:s3] =	ssyncadd.s32 $0xFFFFB000  }
0x48: {  	[tilespmem:s7], [sflag:$0x1] =	stream.indirect.gather [hbm4b:s5+s6], $0x20, s13, s6, $0xb8;
	[tilespmem:$0x5A00] =	vst v63  }
0x49: {  	_ =	swait.ge [sflag:s8], $0x5000  }
.Ltmp1:
0x4a: {  	[sflag:s8] =	ssyncset.done $0x0;
	(pc) =	sbr.rel @p0 .LBB2_1-.Ltmp1, $4  }
0x4b: {  	[sflag:s8] =	ssyncadd.s32 $0xFFFFB000  }
0x4c: {  	[hbm4b:s14+s2] =	stream.linear.scatter [tilespmem:s7], [sflag:$0x2], $0x5000, $0x38;
	[tilespmem:$0x5A00] =	vst v63  }
0x4d: {  	_ =	swait.ge [sflag:s3], $0x5000  }
0x4e: {  	[sflag:s3] =	ssyncset.done $0x0  }
.LBB2_2:
0x4f: {  	[sflag:s3] =	ssyncadd.s32 $0xFFFFB000  }
0x50: {  	_ =	sfence.sel $0x180000  }
0x51: {  	[bflag:$0x0] =	sbarrier.arrive $0xFFFF  }
0x52: {  	p0 =	sne.s32 s0, $0x0;
	_ =	strace $0x9000004A  }
0x53: {  	s0 =	sadd.s32 @!p0 $0x100000, s1;
	[bflag:$0x2] =	sbarrier.arrive $0xFFFF  }
0x54: {  	[sflag:s0] =	ssyncadd.tile.s32 @!p0 $0x1;
	_ =	shalt  }
.Lfunc_end2:
_tile_overlayer_lowered:
.L_overlay_start_2:
0x55: {  	(tag) =	ssettag $0x2  }
0x56: {  	s0 =	rddreg [dreg:$0x0];
	s2 =	stileid.u32  }
0x57: {  	s1 =	rddreg [dreg:$0x1];
	p0 =	sne.s32 s2, $0x0  }
0x58: {  	s3 =	rddreg [dreg:$0x2];
	[bflag:$0x3] =	sbarrier.arrive $0xFFFF;
	s2 =	simm.s32 @!p0 $0x1C02  }
0x59: {  	[timem:s3], [sflag:s2] =	dma.local @!p0 [hbm:s0], s1  }
0x5a: {  	s0 =	simm.s32 @!p0 $0x2  }
0x5b: {  	_ =	swait.ge @!p0 [sflag:s0], s1  }
0x5c: {  	s1 =	ssub.s32 @!p0 $0x0, s1;
	[sflag:s0] =	ssyncset.done @!p0 $0x0  }
0x5d: {  	[sflag:s0] =	ssyncadd.s32 @!p0 s1  }
0x5e: {  	[bflag:$0x3] =	sbarrier.arrive $0xFFFF  }
0x5f: {  	_ =	shalt  }

// kernel: kernel.22.cloned.1.call-start
scs
__scs_entry_jumppad:
0x0: {  	(pc) =	sbr.rel $0x88, $3  }
0x1: {  	(tag) =	ssettag $0x0;
	lr =	simm.s32 $0x1  }
0x2: {  	[smem:$0x3F91] =	sst lr;
	_ =	strace $0xD0000000  }
0x3: {  	_ = 	snop  }
0x4: {  	_ = 	snop  }
0x5: {  	_ = 	snop  }
0x6: {  	_ = 	snop  }
0x7: {  	_ = 	snop  }
__scs_overlays_trampoline_lowered:
0x8: {  	[smem:$0x3FA0] =	sst s0  }
0x9: {  	[smem:$0x3FA1] =	sst s1  }
0xa: {  	[smem:$0x3FA2] =	sst s2  }
0xb: {  	[smem:$0x3FA3] =	sst s3  }
0xc: {  	[smem:$0x3FA4] =	sst s4  }
0xd: {  	[smem:$0x3FA5] =	sst s5  }
0xe: {  	[smem:$0x3FA6] =	sst s6  }
0xf: {  	[smem:$0x3FA7] =	sst s7  }
0x10: {  	[smem:$0x3FA8] =	sst s8  }
0x11: {  	[smem:$0x3FA9] =	sst s9;
	s0 =	simm.s32 @!p0 $0x0  }
0x12: {  	s1 =	sld [smem:$0x3F8F];
	s0 =	simm.s32 @p0 $0x1  }
0x13: {  	[smem:$0x3FAA] =	sst s0;
	s0 =	simm.s32 @!p1 $0x0  }
0x14: {  	s2 =	sld [smem:$0x3F8E];
	s0 =	simm.s32 @p1 $0x1  }
0x15: {  	[smem:$0x3FAB] =	sst s0;
	s0 =	simm.s32 @!p2 $0x0  }
0x16: {  	s3 =	sld [smem:$0x3FDB];
	s0 =	simm.s32 @p2 $0x1  }
0x17: {  	s4 =	simm.s32 $0x1BF5;
	[smem:$0x3FAD] =	sst s0  }
0x18: {  	s0 =	sld [smem:$0x3F90];
	_ =	swait.ge [sflag:s4], $0x0  }
0x19: {  	s7 =	sld [smem:$0x3F91]  }
0x1a: {  	s8 =	sadd.s32 $0xFFFFE003, lr  }
0x1b: {  	s9 =	sadd.s32 $0xFFFFFEF7, lr;
	s5 =	simm.s32 $0xFFFFFFFF;
	p2 =	slt.u32 s8, $0xFFFFF086  }
0x1c: {  	p1 =	slt.u32 s9, $0xF7A;
	s5 =	simm.s32 @!p2 $0x0  }
0x1d: {  	s5 =	simm.s32 @p1 $0x1;
	p0 =	seq.s32 s7, s2  }
0x1e: {  	s7 =	smul.u32 @!p0 $0xF7A, s2;
	p2 =	seq.s32 @!p0 s5, $0x0  }
0x1f: {  	s9 =	smul.u32 $0xF7A, s1;
	s8 =	simm.s32 @!p0 $0x1BF5;
	p2 =	por !p2, p0  }
0x20: {  	[sflag:s8] =	ssyncset.s32 @!p0 $0xFFFFF086;
	s6 =	sadd.s32 @!p0 s3, s7;
	s7 =	simm.s32 @!p0 $0x108  }
0x21: {  	s3 =	sadd.s32 s3, s9;
	s6 =	sadd.s32 @!p0 $0x88, s6;
	s7 =	simm.s32 @p2 $0x1082  }
0x22: {  	[simem:s7], [sflag:s8] =	dma.local @!p0 [hbm:s6], $0xF7A  }
0x23: {  	s9 =	sor.u32 $0xD0000000, s2;
	s6 =	simm.s32 $0x108;
	_ =	swait.ge @!p0 [sflag:s8], $0x0  }
0x24: {  	s3 =	sadd.s32 $0x88, s3;
	s6 =	simm.s32 @!p1 $0x1082;
	[sflag:s4] =	ssyncset.s32 $0xFFFFF086  }
0x25: {  	[simem:s6], [sflag:s4] =	dma.local [hbm:s3], $0xF7A  }
0x26: {  	[smem:$0x3F91] =	sst s1;
	(tag) =	ssettag s2;
	_ =	strace s9  }
0x27: {  	s1 =	sld [smem:$0x3FA1]  }
0x28: {  	s2 =	sld [smem:$0x3FA2]  }
0x29: {  	s4 =	sld [smem:$0x3FA4]  }
0x2a: {  	p0 =	seq.s32 s5, $0x0;
	s5 =	sld [smem:$0x3FA5]  }
0x2b: {  	s6 =	sld [smem:$0x3FA6]  }
0x2c: {  	s7 =	sld [smem:$0x3FA7]  }
0x2d: {  	s3 =	simm.s32 $0x108;
	s8 =	sld [smem:$0x3FA8]  }
0x2e: {  	s3 =	simm.s32 @!p0 $0x1082;
	s9 =	sld [smem:$0x3FA9]  }
0x2f: {  	lr =	sadd.s32 s0, s3;
	s0 =	sld [smem:$0x3FA0]  }
0x30: {  	s3 =	sld [smem:$0x3FA3]  }
0x31: {  	[smem:$0x3FAC] =	sst s10  }
0x32: {  	s10 =	sld [smem:$0x3FAA];
	_ =	sdelay $0x3  }
0x33: {  	p0 =	seq.s32 s10, $0x1;
	s10 =	sld [smem:$0x3FAC];
	_ =	sdelay $0x3  }
0x34: {  	[smem:$0x3FAC] =	sst s10  }
0x35: {  	s10 =	sld [smem:$0x3FAB];
	_ =	sdelay $0x3  }
0x36: {  	p1 =	seq.s32 s10, $0x1;
	s10 =	sld [smem:$0x3FAC];
	_ =	sdelay $0x3  }
0x37: {  	[smem:$0x3FAC] =	sst s10  }
0x38: {  	s10 =	sld [smem:$0x3FAD]  }
0x39: {  	_ = 	snop;
	(pc) =	sbr.ind lr, $3  }
0x3a: {  	_ = 	snop  }
0x3b: {  	_ = 	snop  }
0x3c: {  	p2 =	seq.s32 s10, $0x1;
	s10 =	sld [smem:$0x3FAC]  }
0x3d: {  	_ =	shalt  }
0x3e: {  	_ =	shalt  }
0x3f: {  	_ =	shalt  }
0x40: {  	_ =	shalt  }
0x41: {  	_ =	shalt  }
0x42: {  	_ =	shalt  }
0x43: {  	_ =	shalt  }
0x44: {  	_ =	shalt  }
0x45: {  	_ =	shalt  }
0x46: {  	_ =	shalt  }
0x47: {  	_ =	shalt  }
0x48: {  	_ =	shalt  }
0x49: {  	_ =	shalt  }
0x4a: {  	_ =	shalt  }
0x4b: {  	_ =	shalt  }
0x4c: {  	_ =	shalt  }
0x4d: {  	_ =	shalt  }
0x4e: {  	_ =	shalt  }
0x4f: {  	_ =	shalt  }
0x50: {  	_ =	shalt  }
0x51: {  	_ =	shalt  }
0x52: {  	_ =	shalt  }
0x53: {  	_ =	shalt  }
0x54: {  	_ =	shalt  }
0x55: {  	_ =	shalt  }
0x56: {  	_ =	shalt  }
0x57: {  	_ =	shalt  }
0x58: {  	_ =	shalt  }
0x59: {  	_ =	shalt  }
0x5a: {  	_ =	shalt  }
0x5b: {  	_ =	shalt  }
0x5c: {  	_ =	shalt  }
0x5d: {  	_ =	shalt  }
0x5e: {  	_ =	shalt  }
0x5f: {  	_ =	shalt  }
0x60: {  	_ =	shalt  }
0x61: {  	_ =	shalt  }
0x62: {  	_ =	shalt  }
0x63: {  	_ =	shalt  }
0x64: {  	_ =	shalt  }
0x65: {  	_ =	shalt  }
0x66: {  	_ =	shalt  }
0x67: {  	_ =	shalt  }
0x68: {  	_ =	shalt  }
0x69: {  	_ =	shalt  }
0x6a: {  	_ =	shalt  }
0x6b: {  	_ =	shalt  }
0x6c: {  	_ =	shalt  }
0x6d: {  	_ =	shalt  }
0x6e: {  	_ =	shalt  }
0x6f: {  	_ =	shalt  }
0x70: {  	_ =	shalt  }
0x71: {  	_ =	shalt  }
0x72: {  	_ =	shalt  }
0x73: {  	_ =	shalt  }
0x74: {  	_ =	shalt  }
0x75: {  	_ =	shalt  }
0x76: {  	_ =	shalt  }
0x77: {  	_ =	shalt  }
0x78: {  	_ =	shalt  }
0x79: {  	_ =	shalt  }
0x7a: {  	_ =	shalt  }
0x7b: {  	_ =	shalt  }
0x7c: {  	_ =	shalt  }
0x7d: {  	_ =	shalt  }
0x7e: {  	_ =	shalt  }
0x7f: {  	_ =	shalt  }
0x80: {  	_ =	shalt  }
0x81: {  	_ =	shalt  }
0x82: {  	_ =	shalt  }
0x83: {  	_ =	shalt  }
0x84: {  	_ =	shalt  }
0x85: {  	_ =	shalt  }
0x86: {  	_ =	shalt  }
0x87: {  	_ =	shalt  }
.Lfunc_end0:
.L_simem_size_0:
called_computation.2_lowered:
.L_overlay_start_0:
0x88: {  	s2 =	sld [smem:$0x3FD9]  }
0x89: {  	s3 =	sld [smem:$0x3FFE];
	_ =	sdelay $0x1  }
0x8a: {  	s1 =	srdreg.scid  }
0x8b: {  	s0 =	sand.u32 $0x1, s1  }
0x8c: {  	s17 =	sshll.u32 s0, $0xA;
	s2 =	sadd.s32 s3, s2  }
0x8d: {  	s2 =	sadd.s32 s2, s17  }
0x8e: {  	[smem:$0x3FB8] =	sst s2  }
0x8f: {  	_ = 	snop  }
0x90: {  	(tm) =	ssettm $0x1  }
0x91: {  	s18 =	sld [smem:$0x3FFB];
	_ =	sdelay $0x3  }
0x92: {  	_ =	strace s18  }
0x93: {  	s2 =	sld [smem:$0x3FFC];
	_ =	sdelay $0x3  }
0x94: {  	_ =	strace s2  }
0x95: {  	s2 =	sld [smem:$0x3FFD];
	_ =	sdelay $0x3  }
0x96: {  	_ =	strace s2  }
0x97: {  	_ =	strace $0x8FFFFFFF  }
0x98: {  	s19 =	sld [smem:$0x3FDB];
	_ =	sdelay $0x1  }
0x99: {  	s20 =	simm.s32 $_scs_section_size  }
0x9a: {  	s4 =	simm.s32 $_size__tile_overlayer_lowered;
	s5 =	simm.s32 $_tile_overlayer_lowered  }
0x9b: {  	s6 =	simm.s32 $0x1BFF;
	s21 =	sshll.u32 s5, $0x1;
	s3 =	sadd.s32 s20, s19  }
0x9c: {  	s22 =	simm.s32 $0x0;
	s4 =	sshll.u32 s4, $0x1;
	s5 =	sadd.s32 s21, s3  }
0x9d: {  	[timem:s22], [sflag:s6] =	dma.local [hbm:s5], s4  }
0x9e: {  	_ =	swait.ge [sflag:s6], s4  }
0x9f: {  	s4 =	ssub.s32 $0x0, s4;
	[sflag:s6] =	ssyncset.done $0x0  }
0xa0: {  	[sflag:s6] =	ssyncadd.s32 s4;
	_ =	sdelay $0x1  }
0xa1: {  	s23 =	simm.s32 $0x1B8B  }
0xa2: {  	_ =	swait.ge [sflag:s23], $0x1  }
0xa3: {  	[sflag:s23] =	ssyncset.done $0x0  }
0xa4: {  	[sflag:s23] =	ssyncadd.s32 $0xFFFFFFFF  }
0xa5: {  	s4 =	sld [smem:$0x0]  }
0xa6: {  	s5 =	sand.u32 $0xFFFFFFFE, s1  }
0xa7: {  	p0 =	sne.s32 s1, s5  }
0xa8: {  	s5 =	sshll.u32 @p0 s5, $0xE  }
0xa9: {  	s5 =	sadd.s32 @p0 $0x11B8D, s5;
	s6 =	sshll.u32 @p0 s4, $0x11  }
0xaa: {  	s5 =	sor.u32 @p0 s6, s5  }
0xab: {  	[sflag:s5] =	ssyncadd.remote.s32 @p0 $0x1;
	_ =	sdelay $0x1  }
0xac: {  	s5 =	simm.s32 @p0 $0x1B8D  }
0xad: {  	_ =	swait.eq @p0 [sflag:s5], $0x1  }
0xae: {  	[sflag:s5] =	ssyncadd.s32 @p0 $0xFFFFFFFF  }
0xaf: {  	s6 =	sshll.u32 @!p0 s1, $0xE  }
0xb0: {  	s6 =	sor.u32 @!p0 $0x4000, s6;
	s5 =	simm.s32 @!p0 $0x1B8D  }
0xb1: {  	s4 =	sshll.u32 @!p0 s4, $0x11;
	s6 =	sadd.s32 @!p0 $0x11B8D, s6;
	_ =	swait.eq @!p0 [sflag:s5], $0x1  }
0xb2: {  	s4 =	sor.u32 @!p0 s4, s6;
	[sflag:s5] =	ssyncadd.s32 @!p0 $0xFFFFFFFF  }
0xb3: {  	s25 =	simm.s32 $0x1B8E;
	s24 =	sld [smem:$0x3FFE];
	[sflag:s4] =	ssyncadd.remote.s32 @!p0 $0x1  }
0xb4: {  	s26 =	simm.s32 $execute0_lowered;
	[smem:$0x3FD2] =	sst s25  }
0xb5: {  	s5 =	sshll.u32 s26, $0x1;
	_ =	strace $0x8000004C;
	[dreg:$0x1] =	wrdreg $0xFFFFFFFF  }
0xb6: {  	s28 =	simm.s32 $_size_execute0_lowered;
	s3 =	sadd.s32 s3, s5;
	[dreg:$0x0] =	wrdreg $0x0  }
0xb7: {  	s5 =	sshll.u32 s28, $0x1;
	[dreg:$0x2] =	wrdreg s3  }
0xb8: {  	[dreg:$0x3] =	wrdreg s5  }
0xb9: {  	[dreg:$0x4] =	wrdreg $0xC0  }
0xba: {  	_ =	task [dreg:s22], $0x5FFFF  }
0xbb: {  	[dreg:$0x1] =	wrdreg $0xFFFFFFFF  }
0xbc: {  	[dreg:$0x0] =	wrdreg $0x60  }
0xbd: {  	[dreg:$0x2] =	wrdreg s24  }
0xbe: {  	[dreg:$0x3] =	wrdreg $0x1A000  }
0xbf: {  	[dreg:$0x4] =	wrdreg $0x42000  }
0xc0: {  	[dreg:$0x5] =	wrdreg $0xA  }
0xc1: {  	_ =	task.clear_ibuf [dreg:s22], $0x6FFFF;
	_ =	strace $0x9000004C  }
0xc2: {  	s29 =	simm.s32 $0xA;
	_ =	strace $0x8000004E  }
0xc3: {  	_ =	swait.ge [sflag:s29], $0x1  }
0xc4: {  	[sflag:s29] =	ssyncadd.s32 $0xFFFFFFFF  }
0xc5: {  	_ =	strace $0x9000004E  }
0xc6: {  	_ =	sfence  }
0xc7: {  	s30 =	sld [smem:$0x0];
	_ =	sdelay $0x2  }
0xc8: {  	s31 =	sshll.u32 s1, $0xD;
	s1 =	sshrl.u32 s1, $0x2  }
0xc9: {  	s4 =	sand.u32 $0x4000, s31;
	s1 =	sadd.s32 s1, s30  }
0xca: {  	s0 =	sor.u32 s4, s0;
	s1 =	sshll.u32 s1, $0x11  }
0xcb: {  	s0 =	sor.u32 s1, s0  }
0xcc: {  	s0 =	sadd.s32 $0x8F2B, s0  }
0xcd: {  	[sflag:s0] =	ssyncadd.remote.s32 $0x1  }
0xce: {  	_ =	sfence.sel $0xFFFF  }
0xcf: {  	[dreg:$0x0] =	wrdreg $0xFFFFFFFF;
	(pc) =	sbr.abs _section_cstart, $3  }
0xd0: {  	[dreg:$0x1] =	wrdreg $0xFFFFFFFF  }
0xd1: {  	_ =	task.clear_ibuf [dreg:s22], $0x2FFFF;
	_ =	strace $0x9FFFFFFF  }
0xd2: {  	(tm) =	ssettm $0x7FFFFFFF  }
0xd3: {  	_ =	shalt  }
tec
execute0_lowered:
.L_overlay_start_1:
0x0: {  	(tag) =	ssettag $0x1  }
0x1: {  	s7 =	rddreg [dreg:$0x0]  }
0x2: {  	s0 =	stileid.u32;
	s2 =	rddreg [dreg:$0x1]  }
0x3: {  	s1 =	srdreg.scid;
	s3 =	rddreg [dreg:$0x2]  }
0x4: {  	s4 =	simm.s32 $0x0;
	s17 =	simm.s32 $0xA00;
	s18 =	simm.s32 $0x80  }
0x5: {  	s19 =	simm.s32 $0x0;
	s8 =	sand.u32 $0x1, s1;
	s1 =	rddreg [dreg:$0x3]  }
0x6: {  	s28 =	sshll.u32 s0, $0x1;
	s9 =	smul.u32 $0x2800, s0;
	[smem:$0x7FF] =	sst s4  }
0x7: {  	s31 =	sshll.u32 s0, $0x6;
	s5 =	sor.u32 s8, s28;
	s6 =	smul.u32 $0x28000, s8  }
0x8: {  	_ =	strace $0x8000004D;
	s13 =	ssub.s32 $0x2, s8;
	s14 =	smul.u32 $0x1400, s8  }
0x9: {  	s5 =	smul.u32 $0xA00, s5;
	s10 =	sadd.s32 s9, s7;
	s29 =	sshrl.u32 s13, $0x1  }
0xa: {  	s15 =	sadd.s32 s9, s2;
	s16 =	sadd.s32 s9, s3;
	s12 =	sadd.s32 s9, s6  }
0xb: {  	s6 =	sadd.s32 $0x3E400, s7;
	s13 =	ssub.s32 s13, s29;
	s30 =	sadd.s32 s14, s10  }
0xc: {  	s14 =	sor.u32 $0x1C01, s31;
	s15 =	sshrl.u32 s15, $0x3;
	s16 =	sshrl.u32 s16, $0x3  }
0xd: {  	s5 =	sshrl.u32 s5, $0x3;
	s12 =	sshrl.u32 s12, $0x3;
	s10 =	smax.u32 s13, $0x1  }
0xe: {  	s13 =	simm.s32 $0x1200;
	s11 =	sadd.s32 s5, s7;
	s12 =	sadd.s32 s12, s7  }
0xf: {  	s5 =	sadd.s32 $0x3E200, s7;
	s7 =	sadd.s32 $0x13A00, s11;
	s8 =	sadd.s32 $0x48A00, s12  }
0x10: {  	s9 =	sadd.s32 $0x3EA00, s12;
	s11 =	sadd.s32 $0x16200, s30;
	s12 =	simm.s32 $0x1  }
.LBB2_1:
0x11: {  	[tilespmem:s4], [sflag:$0x1] =	stream.linear.gather [hbm4b:s7+s4], $0xA00, $0x38;
	[tilespmem:$0x6A00] =	vst v63  }
0x12: {  	_ =	swait.ge [sflag:s12], $0xA00  }
0x13: {  	[sflag:s12] =	ssyncset.done $0x0  }
0x14: {  	[sflag:s12] =	ssyncadd.s32 $0xFFFFF600  }
0x15: {  	[tilespmem:s13], [sflag:$0x1] =	stream.linear.gather [hbm4b:s5+s4], $0x800, $0x38;
	[tilespmem:$0x6A00] =	vst v63  }
0x16: {  	_ =	swait.ge [sflag:s12], $0x800  }
0x17: {  	[sflag:s12] =	ssyncset.done $0x0  }
0x18: {  	[sflag:s12] =	ssyncadd.s32 $0xFFFFF800  }
0x19: {  	[spmem:s15], [sflag:s14] =	dma.local [hbm:s6], $0x500  }
0x1a: {  	_ =	swait.ge [sflag:s12], $0x500  }
0x1b: {  	[sflag:s12] =	ssyncset.done $0x0  }
0x1c: {  	[sflag:s12] =	ssyncadd.s32 $0xFFFFFB00  }
0x1d: {  	[spmem:s16], [sflag:s14] =	dma.local [hbm:s6], $0x500  }
0x1e: {  	_ =	swait.ge [sflag:s12], $0x500  }
0x1f: {  	[sflag:s12] =	ssyncset.done $0x0  }
0x20: {  	[sflag:s12] =	ssyncadd.s32 $0xFFFFFB00  }
0x21: {  	s20 =	sadd.s32 $0x0, s11;
	[bflag:$0x0] =	sbarrier.arrive $0xFFFF  }
0x22: {  	[tilespmem:s17], [sflag:$0x1] =	stream.linear.gather [hbm4b:s20+s4], $0x800, $0x38;
	[tilespmem:$0x6A00] =	vst v63  }
0x23: {  	_ =	swait.ge [sflag:s12], $0x800  }
0x24: {  	[sflag:s12] =	ssyncset.done $0x0  }
0x25: {  	[sflag:s12] =	ssyncadd.s32 $0xFFFFF800  }
0x26: {  	[spmem:s2] =	stream.indirect.scatter.add.f32 [tilespmem:s17], [sflag:$0x1], $0x10, s4, s18, $0xb8;
	[tilespmem:$0x6A00] =	vst v63  }
0x27: {  	_ =	swait.ge [sflag:s12], $0x800  }
0x28: {  	[sflag:s12] =	ssyncset.done $0x0  }
0x29: {  	[sflag:s12] =	ssyncadd.s32 $0xFFFFF800  }
0x2a: {  	[spmem:s3] =	stream.indirect.scatter.add.f32 [tilespmem:s13], [sflag:$0x1], $0x10, s4, s18, $0xb8;
	[tilespmem:$0x6A00] =	vst v63  }
0x2b: {  	s21 =	simm.s32 $0x100;
	_ =	swait.ge [sflag:s12], $0x800  }
0x2c: {  	s22 =	simm.s32 $0x200;
	s20 =	simm.s32 $0x80;
	[sflag:s12] =	ssyncset.done $0x0  }
.LBB2_2:
0x2d: {  	s23 =	sadd.s32 s21, s11  }
0x2e: {  	[sflag:s12] =	ssyncadd.s32 $0xFFFFF800;
	s21 =	smov.u32 s22;
	s24 =	sadd.s32 $0x100, s22  }
0x2f: {  	[tilespmem:s17], [sflag:$0x1] =	stream.linear.gather [hbm4b:s23+s4], $0x800, $0x38;
	[tilespmem:$0x6A00] =	vst v63  }
0x30: {  	p0 =	sne.s32 s22, $0x1300;
	_ =	swait.ge [sflag:s12], $0x800  }
0x31: {  	[sflag:s12] =	ssyncset.done $0x0  }
0x32: {  	[sflag:s12] =	ssyncadd.s32 $0xFFFFF800  }
0x33: {  	[spmem:s2] =	stream.indirect.scatter.add.f32 [tilespmem:s17], [sflag:$0x1], $0x10, s20, s18, $0xb8;
	[tilespmem:$0x6A00] =	vst v63  }
0x34: {  	_ =	swait.ge [sflag:s12], $0x800  }
.Ltmp0:
0x35: {  	[sflag:s12] =	ssyncset.done $0x0;
	(pc) =	sbr.rel @p0 .LBB2_2-.Ltmp0, $4  }
0x36: {  	[sflag:s12] =	ssyncadd.s32 $0xFFFFF800  }
0x37: {  	[spmem:s3] =	stream.indirect.scatter.add.f32 [tilespmem:s13], [sflag:$0x1], $0x10, s20, s18, $0xb8;
	[tilespmem:$0x6A00] =	vst v63  }
0x38: {  	_ =	swait.ge [sflag:s12], $0x800  }
0x39: {  	s22 =	smov.u32 s24;
	s20 =	sadd.s32 $0x80, s20;
	[sflag:s12] =	ssyncset.done $0x0  }
0x3a: {  	s21 =	sadd.s32 s21, s11;
	[sflag:s12] =	ssyncadd.s32 $0xFFFFF800  }
0x3b: {  	[tilespmem:s17], [sflag:$0x1] =	stream.linear.gather [hbm4b:s21+s4], $0x800, $0x38;
	[tilespmem:$0x6A00] =	vst v63  }
0x3c: {  	_ =	swait.ge [sflag:s12], $0x800  }
0x3d: {  	[sflag:s12] =	ssyncset.done $0x0  }
0x3e: {  	[sflag:s12] =	ssyncadd.s32 $0xFFFFF800  }
0x3f: {  	[spmem:s2] =	stream.indirect.scatter.add.f32 [tilespmem:s17], [sflag:$0x1], $0x10, s20, s18, $0xb8;
	[tilespmem:$0x6A00] =	vst v63  }
0x40: {  	_ =	swait.ge [sflag:s12], $0x800  }
0x41: {  	[sflag:s12] =	ssyncset.done $0x0  }
0x42: {  	[sflag:s12] =	ssyncadd.s32 $0xFFFFF800  }
0x43: {  	[spmem:s3] =	stream.indirect.scatter.add.f32 [tilespmem:s13], [sflag:$0x1], $0x10, s20, s18, $0xb8;
	[tilespmem:$0x6A00] =	vst v63  }
0x44: {  	_ =	swait.ge [sflag:s12], $0x800  }
0x45: {  	[sflag:s12] =	ssyncset.done $0x0  }
0x46: {  	[sflag:s12] =	ssyncadd.s32 $0xFFFFF800  }
0x47: {  	[bflag:$0x0] =	sbarrier.arrive $0xFFFF  }
0x48: {  	[hbm:s8], [sflag:s14] =	dma.local [spmem:s15], $0x500  }
0x49: {  	s19 =	sadd.s32 $0x1, s19;
	_ =	swait.ge [sflag:s12], $0x500  }
0x4a: {  	p0 =	sne.s32 s19, s10;
	[sflag:s12] =	ssyncset.done $0x0  }
.Ltmp1:
0x4b: {  	[sflag:s12] =	ssyncadd.s32 $0xFFFFFB00;
	(pc) =	sbr.rel @p0 .LBB2_1-.Ltmp1, $4  }
0x4c: {  	[hbm:s9], [sflag:s14] =	dma.local [spmem:s16], $0x500  }
0x4d: {  	_ =	swait.ge [sflag:s12], $0x500  }
0x4e: {  	[sflag:s12] =	ssyncset.done $0x0  }
0x4f: {  	[sflag:s12] =	ssyncadd.s32 $0xFFFFFB00  }
0x50: {  	_ =	sfence.sel $0x180000  }
0x51: {  	[bflag:$0x0] =	sbarrier.arrive $0xFFFF  }
0x52: {  	p0 =	sne.s32 s0, $0x0;
	_ =	strace $0x9000004D  }
0x53: {  	s0 =	sadd.s32 @!p0 $0x100000, s1;
	[bflag:$0x2] =	sbarrier.arrive $0xFFFF  }
0x54: {  	[sflag:s0] =	ssyncadd.tile.s32 @!p0 $0x1;
	_ =	shalt  }
.Lfunc_end2:
_tile_overlayer_lowered:
.L_overlay_start_2:
0x55: {  	(tag) =	ssettag $0x2  }
0x56: {  	s0 =	rddreg [dreg:$0x0];
	s2 =	stileid.u32  }
0x57: {  	s1 =	rddreg [dreg:$0x1];
	p0 =	sne.s32 s2, $0x0  }
0x58: {  	s3 =	rddreg [dreg:$0x2];
	[bflag:$0x3] =	sbarrier.arrive $0xFFFF;
	s2 =	simm.s32 @!p0 $0x1C01  }
0x59: {  	[timem:s3], [sflag:s2] =	dma.local @!p0 [hbm:s0], s1  }
0x5a: {  	s0 =	simm.s32 @!p0 $0x1  }
0x5b: {  	_ =	swait.ge @!p0 [sflag:s0], s1  }
0x5c: {  	s1 =	ssub.s32 @!p0 $0x0, s1;
	[sflag:s0] =	ssyncset.done @!p0 $0x0  }
0x5d: {  	[sflag:s0] =	ssyncadd.s32 @!p0 s1  }
0x5e: {  	[bflag:$0x3] =	sbarrier.arrive $0xFFFF  }
0x5f: {  	_ =	shalt  }

// kernel: kernel.25.cloned.1.call-start
scs
__scs_entry_jumppad:
0x0: {  	(pc) =	sbr.rel $0x88, $3  }
0x1: {  	(tag) =	ssettag $0x0;
	lr =	simm.s32 $0x1  }
0x2: {  	[smem:$0x3F91] =	sst lr;
	_ =	strace $0xD0000000  }
0x3: {  	_ = 	snop  }
0x4: {  	_ = 	snop  }
0x5: {  	_ = 	snop  }
0x6: {  	_ = 	snop  }
0x7: {  	_ = 	snop  }
__scs_overlays_trampoline_lowered:
0x8: {  	[smem:$0x3FA0] =	sst s0  }
0x9: {  	[smem:$0x3FA1] =	sst s1  }
0xa: {  	[smem:$0x3FA2] =	sst s2  }
0xb: {  	[smem:$0x3FA3] =	sst s3  }
0xc: {  	[smem:$0x3FA4] =	sst s4  }
0xd: {  	[smem:$0x3FA5] =	sst s5  }
0xe: {  	[smem:$0x3FA6] =	sst s6  }
0xf: {  	[smem:$0x3FA7] =	sst s7  }
0x10: {  	[smem:$0x3FA8] =	sst s8  }
0x11: {  	[smem:$0x3FA9] =	sst s9;
	s0 =	simm.s32 @!p0 $0x0  }
0x12: {  	s1 =	sld [smem:$0x3F8F];
	s0 =	simm.s32 @p0 $0x1  }
0x13: {  	[smem:$0x3FAA] =	sst s0;
	s0 =	simm.s32 @!p1 $0x0  }
0x14: {  	s2 =	sld [smem:$0x3F8E];
	s0 =	simm.s32 @p1 $0x1  }
0x15: {  	[smem:$0x3FAB] =	sst s0;
	s0 =	simm.s32 @!p2 $0x0  }
0x16: {  	s3 =	sld [smem:$0x3FDB];
	s0 =	simm.s32 @p2 $0x1  }
0x17: {  	s4 =	simm.s32 $0x1BF5;
	[smem:$0x3FAD] =	sst s0  }
0x18: {  	s0 =	sld [smem:$0x3F90];
	_ =	swait.ge [sflag:s4], $0x0  }
0x19: {  	s7 =	sld [smem:$0x3F91]  }
0x1a: {  	s8 =	sadd.s32 $0xFFFFE003, lr  }
0x1b: {  	s9 =	sadd.s32 $0xFFFFFEF7, lr;
	s5 =	simm.s32 $0xFFFFFFFF;
	p2 =	slt.u32 s8, $0xFFFFF086  }
0x1c: {  	p1 =	slt.u32 s9, $0xF7A;
	s5 =	simm.s32 @!p2 $0x0  }
0x1d: {  	s5 =	simm.s32 @p1 $0x1;
	p0 =	seq.s32 s7, s2  }
0x1e: {  	s7 =	smul.u32 @!p0 $0xF7A, s2;
	p2 =	seq.s32 @!p0 s5, $0x0  }
0x1f: {  	s9 =	smul.u32 $0xF7A, s1;
	s8 =	simm.s32 @!p0 $0x1BF5;
	p2 =	por !p2, p0  }
0x20: {  	[sflag:s8] =	ssyncset.s32 @!p0 $0xFFFFF086;
	s6 =	sadd.s32 @!p0 s3, s7;
	s7 =	simm.s32 @!p0 $0x108  }
0x21: {  	s3 =	sadd.s32 s3, s9;
	s6 =	sadd.s32 @!p0 $0x88, s6;
	s7 =	simm.s32 @p2 $0x1082  }
0x22: {  	[simem:s7], [sflag:s8] =	dma.local @!p0 [hbm:s6], $0xF7A  }
0x23: {  	s9 =	sor.u32 $0xD0000000, s2;
	s6 =	simm.s32 $0x108;
	_ =	swait.ge @!p0 [sflag:s8], $0x0  }
0x24: {  	s3 =	sadd.s32 $0x88, s3;
	s6 =	simm.s32 @!p1 $0x1082;
	[sflag:s4] =	ssyncset.s32 $0xFFFFF086  }
0x25: {  	[simem:s6], [sflag:s4] =	dma.local [hbm:s3], $0xF7A  }
0x26: {  	[smem:$0x3F91] =	sst s1;
	(tag) =	ssettag s2;
	_ =	strace s9  }
0x27: {  	s1 =	sld [smem:$0x3FA1]  }
0x28: {  	s2 =	sld [smem:$0x3FA2]  }
0x29: {  	s4 =	sld [smem:$0x3FA4]  }
0x2a: {  	p0 =	seq.s32 s5, $0x0;
	s5 =	sld [smem:$0x3FA5]  }
0x2b: {  	s6 =	sld [smem:$0x3FA6]  }
0x2c: {  	s7 =	sld [smem:$0x3FA7]  }
0x2d: {  	s3 =	simm.s32 $0x108;
	s8 =	sld [smem:$0x3FA8]  }
0x2e: {  	s3 =	simm.s32 @!p0 $0x1082;
	s9 =	sld [smem:$0x3FA9]  }
0x2f: {  	lr =	sadd.s32 s0, s3;
	s0 =	sld [smem:$0x3FA0]  }
0x30: {  	s3 =	sld [smem:$0x3FA3]  }
0x31: {  	[smem:$0x3FAC] =	sst s10  }
0x32: {  	s10 =	sld [smem:$0x3FAA];
	_ =	sdelay $0x3  }
0x33: {  	p0 =	seq.s32 s10, $0x1;
	s10 =	sld [smem:$0x3FAC];
	_ =	sdelay $0x3  }
0x34: {  	[smem:$0x3FAC] =	sst s10  }
0x35: {  	s10 =	sld [smem:$0x3FAB];
	_ =	sdelay $0x3  }
0x36: {  	p1 =	seq.s32 s10, $0x1;
	s10 =	sld [smem:$0x3FAC];
	_ =	sdelay $0x3  }
0x37: {  	[smem:$0x3FAC] =	sst s10  }
0x38: {  	s10 =	sld [smem:$0x3FAD]  }
0x39: {  	_ = 	snop;
	(pc) =	sbr.ind lr, $3  }
0x3a: {  	_ = 	snop  }
0x3b: {  	_ = 	snop  }
0x3c: {  	p2 =	seq.s32 s10, $0x1;
	s10 =	sld [smem:$0x3FAC]  }
0x3d: {  	_ =	shalt  }
0x3e: {  	_ =	shalt  }
0x3f: {  	_ =	shalt  }
0x40: {  	_ =	shalt  }
0x41: {  	_ =	shalt  }
0x42: {  	_ =	shalt  }
0x43: {  	_ =	shalt  }
0x44: {  	_ =	shalt  }
0x45: {  	_ =	shalt  }
0x46: {  	_ =	shalt  }
0x47: {  	_ =	shalt  }
0x48: {  	_ =	shalt  }
0x49: {  	_ =	shalt  }
0x4a: {  	_ =	shalt  }
0x4b: {  	_ =	shalt  }
0x4c: {  	_ =	shalt  }
0x4d: {  	_ =	shalt  }
0x4e: {  	_ =	shalt  }
0x4f: {  	_ =	shalt  }
0x50: {  	_ =	shalt  }
0x51: {  	_ =	shalt  }
0x52: {  	_ =	shalt  }
0x53: {  	_ =	shalt  }
0x54: {  	_ =	shalt  }
0x55: {  	_ =	shalt  }
0x56: {  	_ =	shalt  }
0x57: {  	_ =	shalt  }
0x58: {  	_ =	shalt  }
0x59: {  	_ =	shalt  }
0x5a: {  	_ =	shalt  }
0x5b: {  	_ =	shalt  }
0x5c: {  	_ =	shalt  }
0x5d: {  	_ =	shalt  }
0x5e: {  	_ =	shalt  }
0x5f: {  	_ =	shalt  }
0x60: {  	_ =	shalt  }
0x61: {  	_ =	shalt  }
0x62: {  	_ =	shalt  }
0x63: {  	_ =	shalt  }
0x64: {  	_ =	shalt  }
0x65: {  	_ =	shalt  }
0x66: {  	_ =	shalt  }
0x67: {  	_ =	shalt  }
0x68: {  	_ =	shalt  }
0x69: {  	_ =	shalt  }
0x6a: {  	_ =	shalt  }
0x6b: {  	_ =	shalt  }
0x6c: {  	_ =	shalt  }
0x6d: {  	_ =	shalt  }
0x6e: {  	_ =	shalt  }
0x6f: {  	_ =	shalt  }
0x70: {  	_ =	shalt  }
0x71: {  	_ =	shalt  }
0x72: {  	_ =	shalt  }
0x73: {  	_ =	shalt  }
0x74: {  	_ =	shalt  }
0x75: {  	_ =	shalt  }
0x76: {  	_ =	shalt  }
0x77: {  	_ =	shalt  }
0x78: {  	_ =	shalt  }
0x79: {  	_ =	shalt  }
0x7a: {  	_ =	shalt  }
0x7b: {  	_ =	shalt  }
0x7c: {  	_ =	shalt  }
0x7d: {  	_ =	shalt  }
0x7e: {  	_ =	shalt  }
0x7f: {  	_ =	shalt  }
0x80: {  	_ =	shalt  }
0x81: {  	_ =	shalt  }
0x82: {  	_ =	shalt  }
0x83: {  	_ =	shalt  }
0x84: {  	_ =	shalt  }
0x85: {  	_ =	shalt  }
0x86: {  	_ =	shalt  }
0x87: {  	_ =	shalt  }
.Lfunc_end0:
.L_simem_size_0:
called_computation.3_lowered:
.L_overlay_start_0:
0x88: {  	s2 =	sld [smem:$0x3FD9]  }
0x89: {  	s3 =	sld [smem:$0x3FFE];
	_ =	sdelay $0x1  }
0x8a: {  	s1 =	srdreg.scid  }
0x8b: {  	s0 =	sand.u32 $0x1, s1  }
0x8c: {  	s17 =	sshll.u32 s0, $0xA;
	s2 =	sadd.s32 s3, s2  }
0x8d: {  	s2 =	sadd.s32 s2, s17  }
0x8e: {  	[smem:$0x3FB8] =	sst s2  }
0x8f: {  	_ = 	snop  }
0x90: {  	(tm) =	ssettm $0x1  }
0x91: {  	s18 =	sld [smem:$0x3FFB];
	_ =	sdelay $0x3  }
0x92: {  	_ =	strace s18  }
0x93: {  	s2 =	sld [smem:$0x3FFC];
	_ =	sdelay $0x3  }
0x94: {  	_ =	strace s2  }
0x95: {  	s2 =	sld [smem:$0x3FFD];
	_ =	sdelay $0x3  }
0x96: {  	_ =	strace s2  }
0x97: {  	_ =	strace $0x8FFFFFFF  }
0x98: {  	s19 =	sld [smem:$0x3FDB];
	_ =	sdelay $0x1  }
0x99: {  	s20 =	simm.s32 $_scs_section_size  }
0x9a: {  	s4 =	simm.s32 $_size__tile_overlayer_lowered;
	s5 =	simm.s32 $_tile_overlayer_lowered  }
0x9b: {  	s6 =	simm.s32 $0x1BFF;
	s21 =	sshll.u32 s5, $0x1;
	s3 =	sadd.s32 s20, s19  }
0x9c: {  	s22 =	simm.s32 $0x0;
	s4 =	sshll.u32 s4, $0x1;
	s5 =	sadd.s32 s21, s3  }
0x9d: {  	[timem:s22], [sflag:s6] =	dma.local [hbm:s5], s4  }
0x9e: {  	_ =	swait.ge [sflag:s6], s4  }
0x9f: {  	s4 =	ssub.s32 $0x0, s4;
	[sflag:s6] =	ssyncset.done $0x0  }
0xa0: {  	[sflag:s6] =	ssyncadd.s32 s4;
	_ =	sdelay $0x1  }
0xa1: {  	s23 =	simm.s32 $0x1B8B  }
0xa2: {  	_ =	swait.ge [sflag:s23], $0x1  }
0xa3: {  	[sflag:s23] =	ssyncset.done $0x0  }
0xa4: {  	[sflag:s23] =	ssyncadd.s32 $0xFFFFFFFF  }
0xa5: {  	s4 =	sld [smem:$0x0]  }
0xa6: {  	s5 =	sand.u32 $0xFFFFFFFE, s1  }
0xa7: {  	p0 =	sne.s32 s1, s5  }
0xa8: {  	s5 =	sshll.u32 @p0 s5, $0xE  }
0xa9: {  	s5 =	sadd.s32 @p0 $0x11B8D, s5;
	s6 =	sshll.u32 @p0 s4, $0x11  }
0xaa: {  	s5 =	sor.u32 @p0 s6, s5  }
0xab: {  	[sflag:s5] =	ssyncadd.remote.s32 @p0 $0x1;
	_ =	sdelay $0x1  }
0xac: {  	s5 =	simm.s32 @p0 $0x1B8D  }
0xad: {  	_ =	swait.eq @p0 [sflag:s5], $0x1  }
0xae: {  	[sflag:s5] =	ssyncadd.s32 @p0 $0xFFFFFFFF  }
0xaf: {  	s6 =	sshll.u32 @!p0 s1, $0xE  }
0xb0: {  	s6 =	sor.u32 @!p0 $0x4000, s6;
	s5 =	simm.s32 @!p0 $0x1B8D  }
0xb1: {  	s4 =	sshll.u32 @!p0 s4, $0x11;
	s6 =	sadd.s32 @!p0 $0x11B8D, s6;
	_ =	swait.eq @!p0 [sflag:s5], $0x1  }
0xb2: {  	s4 =	sor.u32 @!p0 s4, s6;
	[sflag:s5] =	ssyncadd.s32 @!p0 $0xFFFFFFFF  }
0xb3: {  	s25 =	simm.s32 $0x1B8E;
	s24 =	sld [smem:$0x3FFE];
	[sflag:s4] =	ssyncadd.remote.s32 @!p0 $0x1  }
0xb4: {  	s26 =	simm.s32 $execute0_lowered;
	[smem:$0x3FD2] =	sst s25  }
0xb5: {  	s5 =	sshll.u32 s26, $0x1;
	_ =	strace $0x8000004F;
	[dreg:$0x1] =	wrdreg $0xFFFFFFFF  }
0xb6: {  	s28 =	simm.s32 $_size_execute0_lowered;
	s3 =	sadd.s32 s3, s5;
	[dreg:$0x0] =	wrdreg $0x0  }
0xb7: {  	s5 =	sshll.u32 s28, $0x1;
	[dreg:$0x2] =	wrdreg s3  }
0xb8: {  	[dreg:$0x3] =	wrdreg s5  }
0xb9: {  	[dreg:$0x4] =	wrdreg $0xC0  }
0xba: {  	_ =	task [dreg:s22], $0x5FFFF  }
0xbb: {  	[dreg:$0x1] =	wrdreg $0xFFFFFFFF  }
0xbc: {  	[dreg:$0x0] =	wrdreg $0x60  }
0xbd: {  	[dreg:$0x2] =	wrdreg s24  }
0xbe: {  	[dreg:$0x3] =	wrdreg $0x1A000  }
0xbf: {  	[dreg:$0x4] =	wrdreg $0x42000  }
0xc0: {  	[dreg:$0x5] =	wrdreg $0x9  }
0xc1: {  	_ =	task.clear_ibuf [dreg:s22], $0x6FFFF;
	_ =	strace $0x9000004F  }
0xc2: {  	s29 =	simm.s32 $0x9;
	_ =	strace $0x80000051  }
0xc3: {  	_ =	swait.ge [sflag:s29], $0x1  }
0xc4: {  	[sflag:s29] =	ssyncadd.s32 $0xFFFFFFFF  }
0xc5: {  	_ =	strace $0x90000051  }
0xc6: {  	_ =	sfence  }
0xc7: {  	s30 =	sld [smem:$0x0];
	_ =	sdelay $0x2  }
0xc8: {  	s31 =	sshll.u32 s1, $0xD;
	s1 =	sshrl.u32 s1, $0x2  }
0xc9: {  	s4 =	sand.u32 $0x4000, s31;
	s1 =	sadd.s32 s1, s30  }
0xca: {  	s0 =	sor.u32 s4, s0;
	s1 =	sshll.u32 s1, $0x11  }
0xcb: {  	s0 =	sor.u32 s1, s0  }
0xcc: {  	s0 =	sadd.s32 $0x8F2B, s0  }
0xcd: {  	[sflag:s0] =	ssyncadd.remote.s32 $0x1  }
0xce: {  	_ =	sfence.sel $0xFFFF  }
0xcf: {  	[dreg:$0x0] =	wrdreg $0xFFFFFFFF;
	(pc) =	sbr.abs _section_cstart, $3  }
0xd0: {  	[dreg:$0x1] =	wrdreg $0xFFFFFFFF  }
0xd1: {  	_ =	task.clear_ibuf [dreg:s22], $0x2FFFF;
	_ =	strace $0x9FFFFFFF  }
0xd2: {  	(tm) =	ssettm $0x7FFFFFFF  }
0xd3: {  	_ =	shalt  }
tec
execute0_lowered:
.L_overlay_start_1:
0x0: {  	(tag) =	ssettag $0x1  }
0x1: {  	s7 =	rddreg [dreg:$0x0]  }
0x2: {  	s0 =	stileid.u32;
	s2 =	rddreg [dreg:$0x1]  }
0x3: {  	s1 =	srdreg.scid;
	s3 =	rddreg [dreg:$0x2]  }
0x4: {  	s4 =	simm.s32 $0x0;
	s17 =	simm.s32 $0xA00;
	s18 =	simm.s32 $0x80  }
0x5: {  	s19 =	simm.s32 $0x0;
	s8 =	sand.u32 $0x1, s1;
	s1 =	rddreg [dreg:$0x3]  }
0x6: {  	s28 =	sshll.u32 s0, $0x1;
	s9 =	smul.u32 $0x2800, s0;
	[smem:$0x7FF] =	sst s4  }
0x7: {  	s31 =	sshll.u32 s0, $0x6;
	s5 =	sor.u32 s8, s28;
	s6 =	smul.u32 $0x28000, s8  }
0x8: {  	_ =	strace $0x80000050;
	s13 =	ssub.s32 $0x2, s8;
	s14 =	smul.u32 $0x1400, s8  }
0x9: {  	s5 =	smul.u32 $0xA00, s5;
	s10 =	sadd.s32 s9, s7;
	s29 =	sshrl.u32 s13, $0x1  }
0xa: {  	s15 =	sadd.s32 s9, s2;
	s16 =	sadd.s32 s9, s3;
	s12 =	sadd.s32 s9, s6  }
0xb: {  	s6 =	sadd.s32 $0x3E400, s7;
	s13 =	ssub.s32 s13, s29;
	s30 =	sadd.s32 s14, s10  }
0xc: {  	s14 =	sor.u32 $0x1C01, s31;
	s15 =	sshrl.u32 s15, $0x3;
	s16 =	sshrl.u32 s16, $0x3  }
0xd: {  	s5 =	sshrl.u32 s5, $0x3;
	s12 =	sshrl.u32 s12, $0x3;
	s10 =	smax.u32 s13, $0x1  }
0xe: {  	s13 =	simm.s32 $0x1200;
	s11 =	sadd.s32 s5, s7;
	s12 =	sadd.s32 s12, s7  }
0xf: {  	s5 =	sadd.s32 $0x3E200, s7;
	s7 =	sadd.s32 $0x52A00, s11;
	s8 =	sadd.s32 $0x90A00, s12  }
0x10: {  	s9 =	sadd.s32 $0x55200, s12;
	s11 =	sadd.s32 $0x68A00, s30;
	s12 =	simm.s32 $0x1  }
.LBB2_1:
0x11: {  	[tilespmem:s4], [sflag:$0x1] =	stream.linear.gather [hbm4b:s7+s4], $0xA00, $0x38;
	[tilespmem:$0x6A00] =	vst v63  }
0x12: {  	_ =	swait.ge [sflag:s12], $0xA00  }
0x13: {  	[sflag:s12] =	ssyncset.done $0x0  }
0x14: {  	[sflag:s12] =	ssyncadd.s32 $0xFFFFF600  }
0x15: {  	[tilespmem:s13], [sflag:$0x1] =	stream.linear.gather [hbm4b:s5+s4], $0x800, $0x38;
	[tilespmem:$0x6A00] =	vst v63  }
0x16: {  	_ =	swait.ge [sflag:s12], $0x800  }
0x17: {  	[sflag:s12] =	ssyncset.done $0x0  }
0x18: {  	[sflag:s12] =	ssyncadd.s32 $0xFFFFF800  }
0x19: {  	[spmem:s15], [sflag:s14] =	dma.local [hbm:s6], $0x500  }
0x1a: {  	_ =	swait.ge [sflag:s12], $0x500  }
0x1b: {  	[sflag:s12] =	ssyncset.done $0x0  }
0x1c: {  	[sflag:s12] =	ssyncadd.s32 $0xFFFFFB00  }
0x1d: {  	[spmem:s16], [sflag:s14] =	dma.local [hbm:s6], $0x500  }
0x1e: {  	_ =	swait.ge [sflag:s12], $0x500  }
0x1f: {  	[sflag:s12] =	ssyncset.done $0x0  }
0x20: {  	[sflag:s12] =	ssyncadd.s32 $0xFFFFFB00  }
0x21: {  	s20 =	sadd.s32 $0x0, s11;
	[bflag:$0x0] =	sbarrier.arrive $0xFFFF  }
0x22: {  	[tilespmem:s17], [sflag:$0x1] =	stream.linear.gather [hbm4b:s20+s4], $0x800, $0x38;
	[tilespmem:$0x6A00] =	vst v63  }
0x23: {  	_ =	swait.ge [sflag:s12], $0x800  }
0x24: {  	[sflag:s12] =	ssyncset.done $0x0  }
0x25: {  	[sflag:s12] =	ssyncadd.s32 $0xFFFFF800  }
0x26: {  	[spmem:s2] =	stream.indirect.scatter.add.f32 [tilespmem:s17], [sflag:$0x1], $0x10, s4, s18, $0xb8;
	[tilespmem:$0x6A00] =	vst v63  }
0x27: {  	_ =	swait.ge [sflag:s12], $0x800  }
0x28: {  	[sflag:s12] =	ssyncset.done $0x0  }
0x29: {  	[sflag:s12] =	ssyncadd.s32 $0xFFFFF800  }
0x2a: {  	[spmem:s3] =	stream.indirect.scatter.add.f32 [tilespmem:s13], [sflag:$0x1], $0x10, s4, s18, $0xb8;
	[tilespmem:$0x6A00] =	vst v63  }
0x2b: {  	s21 =	simm.s32 $0x100;
	_ =	swait.ge [sflag:s12], $0x800  }
0x2c: {  	s22 =	simm.s32 $0x200;
	s20 =	simm.s32 $0x80;
	[sflag:s12] =	ssyncset.done $0x0  }
.LBB2_2:
0x2d: {  	s23 =	sadd.s32 s21, s11  }
0x2e: {  	[sflag:s12] =	ssyncadd.s32 $0xFFFFF800;
	s21 =	smov.u32 s22;
	s24 =	sadd.s32 $0x100, s22  }
0x2f: {  	[tilespmem:s17], [sflag:$0x1] =	stream.linear.gather [hbm4b:s23+s4], $0x800, $0x38;
	[tilespmem:$0x6A00] =	vst v63  }
0x30: {  	p0 =	sne.s32 s22, $0x1300;
	_ =	swait.ge [sflag:s12], $0x800  }
0x31: {  	[sflag:s12] =	ssyncset.done $0x0  }
0x32: {  	[sflag:s12] =	ssyncadd.s32 $0xFFFFF800  }
0x33: {  	[spmem:s2] =	stream.indirect.scatter.add.f32 [tilespmem:s17], [sflag:$0x1], $0x10, s20, s18, $0xb8;
	[tilespmem:$0x6A00] =	vst v63  }
0x34: {  	_ =	swait.ge [sflag:s12], $0x800  }
.Ltmp0:
0x35: {  	[sflag:s12] =	ssyncset.done $0x0;
	(pc) =	sbr.rel @p0 .LBB2_2-.Ltmp0, $4  }
0x36: {  	[sflag:s12] =	ssyncadd.s32 $0xFFFFF800  }
0x37: {  	[spmem:s3] =	stream.indirect.scatter.add.f32 [tilespmem:s13], [sflag:$0x1], $0x10, s20, s18, $0xb8;
	[tilespmem:$0x6A00] =	vst v63  }
0x38: {  	_ =	swait.ge [sflag:s12], $0x800  }
0x39: {  	s22 =	smov.u32 s24;
	s20 =	sadd.s32 $0x80, s20;
	[sflag:s12] =	ssyncset.done $0x0  }
0x3a: {  	s21 =	sadd.s32 s21, s11;
	[sflag:s12] =	ssyncadd.s32 $0xFFFFF800  }
0x3b: {  	[tilespmem:s17], [sflag:$0x1] =	stream.linear.gather [hbm4b:s21+s4], $0x800, $0x38;
	[tilespmem:$0x6A00] =	vst v63  }
0x3c: {  	_ =	swait.ge [sflag:s12], $0x800  }
0x3d: {  	[sflag:s12] =	ssyncset.done $0x0  }
0x3e: {  	[sflag:s12] =	ssyncadd.s32 $0xFFFFF800  }
0x3f: {  	[spmem:s2] =	stream.indirect.scatter.add.f32 [tilespmem:s17], [sflag:$0x1], $0x10, s20, s18, $0xb8;
	[tilespmem:$0x6A00] =	vst v63  }
0x40: {  	_ =	swait.ge [sflag:s12], $0x800  }
0x41: {  	[sflag:s12] =	ssyncset.done $0x0  }
0x42: {  	[sflag:s12] =	ssyncadd.s32 $0xFFFFF800  }
0x43: {  	[spmem:s3] =	stream.indirect.scatter.add.f32 [tilespmem:s13], [sflag:$0x1], $0x10, s20, s18, $0xb8;
	[tilespmem:$0x6A00] =	vst v63  }
0x44: {  	_ =	swait.ge [sflag:s12], $0x800  }
0x45: {  	[sflag:s12] =	ssyncset.done $0x0  }
0x46: {  	[sflag:s12] =	ssyncadd.s32 $0xFFFFF800  }
0x47: {  	[bflag:$0x0] =	sbarrier.arrive $0xFFFF  }
0x48: {  	[hbm:s8], [sflag:s14] =	dma.local [spmem:s15], $0x500  }
0x49: {  	s19 =	sadd.s32 $0x1, s19;
	_ =	swait.ge [sflag:s12], $0x500  }
0x4a: {  	p0 =	sne.s32 s19, s10;
	[sflag:s12] =	ssyncset.done $0x0  }
.Ltmp1:
0x4b: {  	[sflag:s12] =	ssyncadd.s32 $0xFFFFFB00;
	(pc) =	sbr.rel @p0 .LBB2_1-.Ltmp1, $4  }
0x4c: {  	[hbm:s9], [sflag:s14] =	dma.local [spmem:s16], $0x500  }
0x4d: {  	_ =	swait.ge [sflag:s12], $0x500  }
0x4e: {  	[sflag:s12] =	ssyncset.done $0x0  }
0x4f: {  	[sflag:s12] =	ssyncadd.s32 $0xFFFFFB00  }
0x50: {  	_ =	sfence.sel $0x180000  }
0x51: {  	[bflag:$0x0] =	sbarrier.arrive $0xFFFF  }
0x52: {  	p0 =	sne.s32 s0, $0x0;
	_ =	strace $0x90000050  }
0x53: {  	s0 =	sadd.s32 @!p0 $0x100000, s1;
	[bflag:$0x2] =	sbarrier.arrive $0xFFFF  }
0x54: {  	[sflag:s0] =	ssyncadd.tile.s32 @!p0 $0x1;
	_ =	shalt  }
.Lfunc_end2:
_tile_overlayer_lowered:
.L_overlay_start_2:
0x55: {  	(tag) =	ssettag $0x2  }
0x56: {  	s0 =	rddreg [dreg:$0x0];
	s2 =	stileid.u32  }
0x57: {  	s1 =	rddreg [dreg:$0x1];
	p0 =	sne.s32 s2, $0x0  }
0x58: {  	s3 =	rddreg [dreg:$0x2];
	[bflag:$0x3] =	sbarrier.arrive $0xFFFF;
	s2 =	simm.s32 @!p0 $0x1C01  }
0x59: {  	[timem:s3], [sflag:s2] =	dma.local @!p0 [hbm:s0], s1  }
0x5a: {  	s0 =	simm.s32 @!p0 $0x1  }
0x5b: {  	_ =	swait.ge @!p0 [sflag:s0], s1  }
0x5c: {  	s1 =	ssub.s32 @!p0 $0x0, s1;
	[sflag:s0] =	ssyncset.done @!p0 $0x0  }
0x5d: {  	[sflag:s0] =	ssyncadd.s32 @!p0 s1  }
0x5e: {  	[bflag:$0x3] =	sbarrier.arrive $0xFFFF  }
0x5f: {  	_ =	shalt  }

// kernel: kernel.28.cloned.1.call-start
scs
__scs_entry_jumppad:
0x0: {  	(pc) =	sbr.rel $0x88, $3  }
0x1: {  	(tag) =	ssettag $0x0;
	lr =	simm.s32 $0x1  }
0x2: {  	[smem:$0x3F91] =	sst lr;
	_ =	strace $0xD0000000  }
0x3: {  	_ = 	snop  }
0x4: {  	_ = 	snop  }
0x5: {  	_ = 	snop  }
0x6: {  	_ = 	snop  }
0x7: {  	_ = 	snop  }
__scs_overlays_trampoline_lowered:
0x8: {  	[smem:$0x3FA0] =	sst s0  }
0x9: {  	[smem:$0x3FA1] =	sst s1  }
0xa: {  	[smem:$0x3FA2] =	sst s2  }
0xb: {  	[smem:$0x3FA3] =	sst s3  }
0xc: {  	[smem:$0x3FA4] =	sst s4  }
0xd: {  	[smem:$0x3FA5] =	sst s5  }
0xe: {  	[smem:$0x3FA6] =	sst s6  }
0xf: {  	[smem:$0x3FA7] =	sst s7  }
0x10: {  	[smem:$0x3FA8] =	sst s8  }
0x11: {  	[smem:$0x3FA9] =	sst s9;
	s0 =	simm.s32 @!p0 $0x0  }
0x12: {  	s1 =	sld [smem:$0x3F8F];
	s0 =	simm.s32 @p0 $0x1  }
0x13: {  	[smem:$0x3FAA] =	sst s0;
	s0 =	simm.s32 @!p1 $0x0  }
0x14: {  	s2 =	sld [smem:$0x3F8E];
	s0 =	simm.s32 @p1 $0x1  }
0x15: {  	[smem:$0x3FAB] =	sst s0;
	s0 =	simm.s32 @!p2 $0x0  }
0x16: {  	s3 =	sld [smem:$0x3FDB];
	s0 =	simm.s32 @p2 $0x1  }
0x17: {  	s4 =	simm.s32 $0x1BF5;
	[smem:$0x3FAD] =	sst s0  }
0x18: {  	s0 =	sld [smem:$0x3F90];
	_ =	swait.ge [sflag:s4], $0x0  }
0x19: {  	s7 =	sld [smem:$0x3F91]  }
0x1a: {  	s8 =	sadd.s32 $0xFFFFE003, lr  }
0x1b: {  	s9 =	sadd.s32 $0xFFFFFEF7, lr;
	s5 =	simm.s32 $0xFFFFFFFF;
	p2 =	slt.u32 s8, $0xFFFFF086  }
0x1c: {  	p1 =	slt.u32 s9, $0xF7A;
	s5 =	simm.s32 @!p2 $0x0  }
0x1d: {  	s5 =	simm.s32 @p1 $0x1;
	p0 =	seq.s32 s7, s2  }
0x1e: {  	s7 =	smul.u32 @!p0 $0xF7A, s2;
	p2 =	seq.s32 @!p0 s5, $0x0  }
0x1f: {  	s9 =	smul.u32 $0xF7A, s1;
	s8 =	simm.s32 @!p0 $0x1BF5;
	p2 =	por !p2, p0  }
0x20: {  	[sflag:s8] =	ssyncset.s32 @!p0 $0xFFFFF086;
	s6 =	sadd.s32 @!p0 s3, s7;
	s7 =	simm.s32 @!p0 $0x108  }
0x21: {  	s3 =	sadd.s32 s3, s9;
	s6 =	sadd.s32 @!p0 $0x88, s6;
	s7 =	simm.s32 @p2 $0x1082  }
0x22: {  	[simem:s7], [sflag:s8] =	dma.local @!p0 [hbm:s6], $0xF7A  }
0x23: {  	s9 =	sor.u32 $0xD0000000, s2;
	s6 =	simm.s32 $0x108;
	_ =	swait.ge @!p0 [sflag:s8], $0x0  }
0x24: {  	s3 =	sadd.s32 $0x88, s3;
	s6 =	simm.s32 @!p1 $0x1082;
	[sflag:s4] =	ssyncset.s32 $0xFFFFF086  }
0x25: {  	[simem:s6], [sflag:s4] =	dma.local [hbm:s3], $0xF7A  }
0x26: {  	[smem:$0x3F91] =	sst s1;
	(tag) =	ssettag s2;
	_ =	strace s9  }
0x27: {  	s1 =	sld [smem:$0x3FA1]  }
0x28: {  	s2 =	sld [smem:$0x3FA2]  }
0x29: {  	s4 =	sld [smem:$0x3FA4]  }
0x2a: {  	p0 =	seq.s32 s5, $0x0;
	s5 =	sld [smem:$0x3FA5]  }
0x2b: {  	s6 =	sld [smem:$0x3FA6]  }
0x2c: {  	s7 =	sld [smem:$0x3FA7]  }
0x2d: {  	s3 =	simm.s32 $0x108;
	s8 =	sld [smem:$0x3FA8]  }
0x2e: {  	s3 =	simm.s32 @!p0 $0x1082;
	s9 =	sld [smem:$0x3FA9]  }
0x2f: {  	lr =	sadd.s32 s0, s3;
	s0 =	sld [smem:$0x3FA0]  }
0x30: {  	s3 =	sld [smem:$0x3FA3]  }
0x31: {  	[smem:$0x3FAC] =	sst s10  }
0x32: {  	s10 =	sld [smem:$0x3FAA];
	_ =	sdelay $0x3  }
0x33: {  	p0 =	seq.s32 s10, $0x1;
	s10 =	sld [smem:$0x3FAC];
	_ =	sdelay $0x3  }
0x34: {  	[smem:$0x3FAC] =	sst s10  }
0x35: {  	s10 =	sld [smem:$0x3FAB];
	_ =	sdelay $0x3  }
0x36: {  	p1 =	seq.s32 s10, $0x1;
	s10 =	sld [smem:$0x3FAC];
	_ =	sdelay $0x3  }
0x37: {  	[smem:$0x3FAC] =	sst s10  }
0x38: {  	s10 =	sld [smem:$0x3FAD]  }
0x39: {  	_ = 	snop;
	(pc) =	sbr.ind lr, $3  }
0x3a: {  	_ = 	snop  }
0x3b: {  	_ = 	snop  }
0x3c: {  	p2 =	seq.s32 s10, $0x1;
	s10 =	sld [smem:$0x3FAC]  }
0x3d: {  	_ =	shalt  }
0x3e: {  	_ =	shalt  }
0x3f: {  	_ =	shalt  }
0x40: {  	_ =	shalt  }
0x41: {  	_ =	shalt  }
0x42: {  	_ =	shalt  }
0x43: {  	_ =	shalt  }
0x44: {  	_ =	shalt  }
0x45: {  	_ =	shalt  }
0x46: {  	_ =	shalt  }
0x47: {  	_ =	shalt  }
0x48: {  	_ =	shalt  }
0x49: {  	_ =	shalt  }
0x4a: {  	_ =	shalt  }
0x4b: {  	_ =	shalt  }
0x4c: {  	_ =	shalt  }
0x4d: {  	_ =	shalt  }
0x4e: {  	_ =	shalt  }
0x4f: {  	_ =	shalt  }
0x50: {  	_ =	shalt  }
0x51: {  	_ =	shalt  }
0x52: {  	_ =	shalt  }
0x53: {  	_ =	shalt  }
0x54: {  	_ =	shalt  }
0x55: {  	_ =	shalt  }
0x56: {  	_ =	shalt  }
0x57: {  	_ =	shalt  }
0x58: {  	_ =	shalt  }
0x59: {  	_ =	shalt  }
0x5a: {  	_ =	shalt  }
0x5b: {  	_ =	shalt  }
0x5c: {  	_ =	shalt  }
0x5d: {  	_ =	shalt  }
0x5e: {  	_ =	shalt  }
0x5f: {  	_ =	shalt  }
0x60: {  	_ =	shalt  }
0x61: {  	_ =	shalt  }
0x62: {  	_ =	shalt  }
0x63: {  	_ =	shalt  }
0x64: {  	_ =	shalt  }
0x65: {  	_ =	shalt  }
0x66: {  	_ =	shalt  }
0x67: {  	_ =	shalt  }
0x68: {  	_ =	shalt  }
0x69: {  	_ =	shalt  }
0x6a: {  	_ =	shalt  }
0x6b: {  	_ =	shalt  }
0x6c: {  	_ =	shalt  }
0x6d: {  	_ =	shalt  }
0x6e: {  	_ =	shalt  }
0x6f: {  	_ =	shalt  }
0x70: {  	_ =	shalt  }
0x71: {  	_ =	shalt  }
0x72: {  	_ =	shalt  }
0x73: {  	_ =	shalt  }
0x74: {  	_ =	shalt  }
0x75: {  	_ =	shalt  }
0x76: {  	_ =	shalt  }
0x77: {  	_ =	shalt  }
0x78: {  	_ =	shalt  }
0x79: {  	_ =	shalt  }
0x7a: {  	_ =	shalt  }
0x7b: {  	_ =	shalt  }
0x7c: {  	_ =	shalt  }
0x7d: {  	_ =	shalt  }
0x7e: {  	_ =	shalt  }
0x7f: {  	_ =	shalt  }
0x80: {  	_ =	shalt  }
0x81: {  	_ =	shalt  }
0x82: {  	_ =	shalt  }
0x83: {  	_ =	shalt  }
0x84: {  	_ =	shalt  }
0x85: {  	_ =	shalt  }
0x86: {  	_ =	shalt  }
0x87: {  	_ =	shalt  }
.Lfunc_end0:
.L_simem_size_0:
called_computation.4_lowered:
.L_overlay_start_0:
0x88: {  	s2 =	sld [smem:$0x3FD9]  }
0x89: {  	s3 =	sld [smem:$0x3FFE];
	_ =	sdelay $0x1  }
0x8a: {  	s1 =	srdreg.scid  }
0x8b: {  	s0 =	sand.u32 $0x1, s1  }
0x8c: {  	s16 =	sshll.u32 s0, $0xA;
	s2 =	sadd.s32 s3, s2  }
0x8d: {  	s2 =	sadd.s32 s2, s16  }
0x8e: {  	[smem:$0x3FB8] =	sst s2  }
0x8f: {  	_ = 	snop  }
0x90: {  	(tm) =	ssettm $0x1  }
0x91: {  	s17 =	sld [smem:$0x3FFB];
	_ =	sdelay $0x3  }
0x92: {  	_ =	strace s17  }
0x93: {  	s2 =	sld [smem:$0x3FFC];
	_ =	sdelay $0x3  }
0x94: {  	_ =	strace s2  }
0x95: {  	s2 =	sld [smem:$0x3FFD];
	_ =	sdelay $0x3  }
0x96: {  	_ =	strace s2  }
0x97: {  	_ =	strace $0x8FFFFFFF  }
0x98: {  	s18 =	sld [smem:$0x3FDB];
	_ =	sdelay $0x1  }
0x99: {  	s19 =	simm.s32 $_scs_section_size  }
0x9a: {  	s4 =	simm.s32 $_size__tile_overlayer_lowered;
	s5 =	simm.s32 $_tile_overlayer_lowered  }
0x9b: {  	s22 =	simm.s32 $0x1BFF;
	s21 =	sshll.u32 s5, $0x1;
	s2 =	sadd.s32 s19, s18  }
0x9c: {  	s6 =	simm.s32 $0x0;
	s20 =	sshll.u32 s4, $0x1;
	s4 =	sadd.s32 s21, s2  }
0x9d: {  	[timem:s6], [sflag:s22] =	dma.local [hbm:s4], s20  }
0x9e: {  	_ =	swait.ge [sflag:s22], s20  }
0x9f: {  	s3 =	ssub.s32 $0x0, s20;
	[sflag:s22] =	ssyncset.done $0x0  }
0xa0: {  	[sflag:s22] =	ssyncadd.s32 s3;
	_ =	sdelay $0x1  }
0xa1: {  	s23 =	simm.s32 $0x1B8B  }
0xa2: {  	_ =	swait.ge [sflag:s23], $0x1  }
0xa3: {  	[sflag:s23] =	ssyncset.done $0x0  }
0xa4: {  	s25 =	simm.s32 $0x1B8E;
	s24 =	sld [smem:$0x3FFE];
	[sflag:s23] =	ssyncadd.s32 $0xFFFFFFFF  }
0xa5: {  	s26 =	simm.s32 $execute0_lowered;
	[smem:$0x3FD2] =	sst s25  }
0xa6: {  	s4 =	sshll.u32 s26, $0x1;
	_ =	strace $0x80000052;
	[dreg:$0x1] =	wrdreg $0xFFFFFFFF  }
0xa7: {  	s28 =	simm.s32 $_size_execute0_lowered;
	s2 =	sadd.s32 s2, s4;
	[dreg:$0x0] =	wrdreg $0x0  }
0xa8: {  	s4 =	sshll.u32 s28, $0x1;
	[dreg:$0x2] =	wrdreg s2  }
0xa9: {  	[dreg:$0x3] =	wrdreg s4  }
0xaa: {  	[dreg:$0x4] =	wrdreg $0xC0  }
0xab: {  	_ =	task [dreg:s6], $0x5FFFF  }
0xac: {  	[dreg:$0x1] =	wrdreg $0xFFFFFFFF  }
0xad: {  	[dreg:$0x0] =	wrdreg $0x60  }
0xae: {  	[dreg:$0x2] =	wrdreg s24  }
0xaf: {  	[dreg:$0x3] =	wrdreg $0xA  }
0xb0: {  	_ =	task.clear_ibuf [dreg:s6], $0x4FFFF;
	_ =	strace $0x90000052  }
0xb1: {  	s29 =	simm.s32 $0xA;
	_ =	strace $0x80000054  }
0xb2: {  	_ =	swait.ge [sflag:s29], $0x1  }
0xb3: {  	[sflag:s29] =	ssyncadd.s32 $0xFFFFFFFF  }
0xb4: {  	_ =	strace $0x90000054  }
0xb5: {  	_ =	sfence  }
0xb6: {  	s30 =	sld [smem:$0x0];
	_ =	sdelay $0x2  }
0xb7: {  	s31 =	sshll.u32 s1, $0xD;
	s1 =	sshrl.u32 s1, $0x2  }
0xb8: {  	s3 =	sand.u32 $0x4000, s31;
	s1 =	sadd.s32 s1, s30  }
0xb9: {  	s0 =	sor.u32 s3, s0;
	s1 =	sshll.u32 s1, $0x11  }
0xba: {  	s0 =	sor.u32 s1, s0  }
0xbb: {  	s0 =	sadd.s32 $0x8F2B, s0  }
0xbc: {  	[sflag:s0] =	ssyncadd.remote.s32 $0x1  }
0xbd: {  	_ =	sfence.sel $0xFFFF  }
0xbe: {  	[dreg:$0x0] =	wrdreg $0xFFFFFFFF;
	(pc) =	sbr.abs _section_cstart, $3  }
0xbf: {  	[dreg:$0x1] =	wrdreg $0xFFFFFFFF  }
0xc0: {  	_ =	task.clear_ibuf [dreg:s6], $0x2FFFF;
	_ =	strace $0x9FFFFFFF  }
0xc1: {  	(tm) =	ssettm $0x7FFFFFFF  }
tec
execute0_lowered:
.L_overlay_start_1:
0x0: {  	(tag) =	ssettag $0x1  }
0x1: {  	s1 =	srdreg.scid;
	s0 =	stileid.u32  }
0x2: {  	s13 =	sand.u32 $0x1, s1;
	s31 =	sshll.u32 s0, $0x1  }
0x3: {  	s6 =	sor.u32 s13, s31  }
0x4: {  	s9 =	rddreg [dreg:$0x0];
	s3 =	smul.u32 $0x140, s6  }
0x5: {  	s2 =	simm.s32 $0x0;
	s1 =	rddreg [dreg:$0x1]  }
0x6: {  	[smem:$0x7FF] =	sst s2;
	s3 =	sadd.s32 s3, s9  }
0x7: {  	_ =	strace $0x80000053;
	s4 =	sadd.s32 $0x11200, s3;
	s3 =	simm.s32 $0x2  }
0x8: {  	[tilespmem:s2], [sflag:$0x2] =	stream.linear.gather [hbm4b:s4+s2], $0xA00, $0x38;
	[tilespmem:$0x3200] =	vst v63  }
0x9: {  	s7 =	simm.s32 $0xA00;
	_ =	swait.ge [sflag:s3], $0xA00  }
0xa: {  	s8 =	simm.s32 $0x1;
	s5 =	sadd.s32 $0x7400, s9;
	[sflag:s3] =	ssyncset.done $0x0  }
0xb: {  	s10 =	smul.u32 $0x1400, s6;
	s6 =	simm.s32 $0x280;
	[sflag:s3] =	ssyncadd.s32 $0xFFFFF600  }
0xc: {  	[tilespmem:s7], [sflag:$0x1] =	stream.indirect.gather [hbm4b:s5+s6], $0x10, s2, s6, $0xb8;
	[tilespmem:$0x3200] =	vst v63  }
0xd: {  	_ =	swait.ge [sflag:s8], $0x2800  }
0xe: {  	s14 =	sadd.s32 s10, s9;
	[sflag:s8] =	ssyncset.done $0x0  }
0xf: {  	s9 =	sadd.s32 $0x16200, s14;
	[sflag:s8] =	ssyncadd.s32 $0xFFFFD800  }
0x10: {  	[hbm4b:s9+s2] =	stream.linear.scatter [tilespmem:s7], [sflag:$0x2], $0x2800, $0x38;
	[tilespmem:$0x3200] =	vst v63  }
0x11: {  	_ =	swait.ge [sflag:s3], $0x2800  }
0x12: {  	[sflag:s3] =	ssyncset.done $0x0  }
0x13: {  	[sflag:s3] =	ssyncadd.s32 $0xFFFFD800  }
0x14: {  	[tilespmem:s7], [sflag:$0x1] =	stream.indirect.gather [hbm4b:s5+s6], $0x10, s6, s6, $0xb8;
	[tilespmem:$0x3200] =	vst v63  }
0x15: {  	_ =	swait.ge [sflag:s8], $0x2800  }
0x16: {  	[sflag:s8] =	ssyncset.done $0x0  }
0x17: {  	s10 =	sadd.s32 $0x16700, s14;
	[sflag:s8] =	ssyncadd.s32 $0xFFFFD800  }
0x18: {  	[hbm4b:s10+s2] =	stream.linear.scatter [tilespmem:s7], [sflag:$0x2], $0x2800, $0x38;
	[tilespmem:$0x3200] =	vst v63  }
0x19: {  	_ =	swait.ge [sflag:s3], $0x2800  }
0x1a: {  	[sflag:s3] =	ssyncset.done $0x0  }
0x1b: {  	s11 =	simm.s32 $0x500;
	[sflag:s3] =	ssyncadd.s32 $0xFFFFD800  }
0x1c: {  	[tilespmem:s7], [sflag:$0x1] =	stream.indirect.gather [hbm4b:s5+s6], $0x10, s11, s6, $0xb8;
	[tilespmem:$0x3200] =	vst v63  }
0x1d: {  	_ =	swait.ge [sflag:s8], $0x2800  }
0x1e: {  	[sflag:s8] =	ssyncset.done $0x0  }
0x1f: {  	s15 =	ssub.s32 $0x2, s13;
	s12 =	sadd.s32 $0x16C00, s14;
	[sflag:s8] =	ssyncadd.s32 $0xFFFFD800  }
0x20: {  	[hbm4b:s12+s2] =	stream.linear.scatter [tilespmem:s7], [sflag:$0x2], $0x2800, $0x38;
	[tilespmem:$0x3200] =	vst v63  }
0x21: {  	s16 =	sshrl.u32 s15, $0x1;
	_ =	swait.ge [sflag:s3], $0x2800  }
0x22: {  	s15 =	ssub.s32 s15, s16;
	[sflag:s3] =	ssyncset.done $0x0  }
0x23: {  	s13 =	simm.s32 $0x780;
	s15 =	smax.u32 s15, $0x1;
	[sflag:s3] =	ssyncadd.s32 $0xFFFFD800  }
0x24: {  	[tilespmem:s7], [sflag:$0x1] =	stream.indirect.gather [hbm4b:s5+s6], $0x10, s13, s6, $0xb8;
	[tilespmem:$0x3200] =	vst v63  }
0x25: {  	p0 =	sne.s32 s15, $0x1;
	_ =	swait.ge [sflag:s8], $0x2800  }
.Ltmp0:
0x26: {  	[sflag:s8] =	ssyncset.done $0x0;
	(pc) =	sbr.rel @!p0 .LBB2_2-.Ltmp0, $4  }
0x27: {  	s14 =	sadd.s32 $0x17100, s14;
	[sflag:s8] =	ssyncadd.s32 $0xFFFFD800  }
0x28: {  	[hbm4b:s14+s2] =	stream.linear.scatter [tilespmem:s7], [sflag:$0x2], $0x2800, $0x38;
	[tilespmem:$0x3200] =	vst v63  }
0x29: {  	_ =	swait.ge [sflag:s3], $0x2800  }
0x2a: {  	s15 =	sadd.s32 $0xFFFFFFFF, s15;
	[sflag:s3] =	ssyncset.done $0x0  }
.LBB2_1:
0x2b: {  	p0 =	sne.s32 s15, $0x1;
	s15 =	sadd.s32 $0xFFFFFFFF, s15;
	[sflag:s3] =	ssyncadd.s32 $0xFFFFD800  }
0x2c: {  	[tilespmem:s2], [sflag:$0x2] =	stream.linear.gather [hbm4b:s4+s2], $0xA00, $0x38;
	[tilespmem:$0x3200] =	vst v63  }
0x2d: {  	_ =	swait.ge [sflag:s3], $0xA00  }
0x2e: {  	[sflag:s3] =	ssyncset.done $0x0  }
0x2f: {  	[sflag:s3] =	ssyncadd.s32 $0xFFFFF600  }
0x30: {  	[tilespmem:s7], [sflag:$0x1] =	stream.indirect.gather [hbm4b:s5+s6], $0x10, s2, s6, $0xb8;
	[tilespmem:$0x3200] =	vst v63  }
0x31: {  	_ =	swait.ge [sflag:s8], $0x2800  }
0x32: {  	[sflag:s8] =	ssyncset.done $0x0  }
0x33: {  	[sflag:s8] =	ssyncadd.s32 $0xFFFFD800  }
0x34: {  	[hbm4b:s9+s2] =	stream.linear.scatter [tilespmem:s7], [sflag:$0x2], $0x2800, $0x38;
	[tilespmem:$0x3200] =	vst v63  }
0x35: {  	_ =	swait.ge [sflag:s3], $0x2800  }
0x36: {  	[sflag:s3] =	ssyncset.done $0x0  }
0x37: {  	[sflag:s3] =	ssyncadd.s32 $0xFFFFD800  }
0x38: {  	[tilespmem:s7], [sflag:$0x1] =	stream.indirect.gather [hbm4b:s5+s6], $0x10, s6, s6, $0xb8;
	[tilespmem:$0x3200] =	vst v63  }
0x39: {  	_ =	swait.ge [sflag:s8], $0x2800  }
0x3a: {  	[sflag:s8] =	ssyncset.done $0x0  }
0x3b: {  	[sflag:s8] =	ssyncadd.s32 $0xFFFFD800  }
0x3c: {  	[hbm4b:s10+s2] =	stream.linear.scatter [tilespmem:s7], [sflag:$0x2], $0x2800, $0x38;
	[tilespmem:$0x3200] =	vst v63  }
0x3d: {  	_ =	swait.ge [sflag:s3], $0x2800  }
0x3e: {  	[sflag:s3] =	ssyncset.done $0x0  }
0x3f: {  	[sflag:s3] =	ssyncadd.s32 $0xFFFFD800  }
0x40: {  	[tilespmem:s7], [sflag:$0x1] =	stream.indirect.gather [hbm4b:s5+s6], $0x10, s11, s6, $0xb8;
	[tilespmem:$0x3200] =	vst v63  }
0x41: {  	_ =	swait.ge [sflag:s8], $0x2800  }
0x42: {  	[sflag:s8] =	ssyncset.done $0x0  }
0x43: {  	[sflag:s8] =	ssyncadd.s32 $0xFFFFD800  }
0x44: {  	[hbm4b:s12+s2] =	stream.linear.scatter [tilespmem:s7], [sflag:$0x2], $0x2800, $0x38;
	[tilespmem:$0x3200] =	vst v63  }
0x45: {  	_ =	swait.ge [sflag:s3], $0x2800  }
0x46: {  	[sflag:s3] =	ssyncset.done $0x0  }
0x47: {  	[sflag:s3] =	ssyncadd.s32 $0xFFFFD800  }
0x48: {  	[tilespmem:s7], [sflag:$0x1] =	stream.indirect.gather [hbm4b:s5+s6], $0x10, s13, s6, $0xb8;
	[tilespmem:$0x3200] =	vst v63  }
0x49: {  	_ =	swait.ge [sflag:s8], $0x2800  }
.Ltmp1:
0x4a: {  	[sflag:s8] =	ssyncset.done $0x0;
	(pc) =	sbr.rel @p0 .LBB2_1-.Ltmp1, $4  }
0x4b: {  	[sflag:s8] =	ssyncadd.s32 $0xFFFFD800  }
0x4c: {  	[hbm4b:s14+s2] =	stream.linear.scatter [tilespmem:s7], [sflag:$0x2], $0x2800, $0x38;
	[tilespmem:$0x3200] =	vst v63  }
0x4d: {  	_ =	swait.ge [sflag:s3], $0x2800  }
0x4e: {  	[sflag:s3] =	ssyncset.done $0x0  }
.LBB2_2:
0x4f: {  	[sflag:s3] =	ssyncadd.s32 $0xFFFFD800  }
0x50: {  	_ =	sfence.sel $0x180000  }
0x51: {  	[bflag:$0x0] =	sbarrier.arrive $0xFFFF  }
0x52: {  	p0 =	sne.s32 s0, $0x0;
	_ =	strace $0x90000053  }
0x53: {  	s0 =	sadd.s32 @!p0 $0x100000, s1;
	[bflag:$0x2] =	sbarrier.arrive $0xFFFF  }
0x54: {  	[sflag:s0] =	ssyncadd.tile.s32 @!p0 $0x1;
	_ =	shalt  }
.Lfunc_end2:
_tile_overlayer_lowered:
.L_overlay_start_2:
0x55: {  	(tag) =	ssettag $0x2  }
0x56: {  	s0 =	rddreg [dreg:$0x0];
	s2 =	stileid.u32  }
0x57: {  	s1 =	rddreg [dreg:$0x1];
	p0 =	sne.s32 s2, $0x0  }
0x58: {  	s3 =	rddreg [dreg:$0x2];
	[bflag:$0x3] =	sbarrier.arrive $0xFFFF;
	s2 =	simm.s32 @!p0 $0x1C02  }
0x59: {  	[timem:s3], [sflag:s2] =	dma.local @!p0 [hbm:s0], s1  }
0x5a: {  	s0 =	simm.s32 @!p0 $0x2  }
0x5b: {  	_ =	swait.ge @!p0 [sflag:s0], s1  }
0x5c: {  	s1 =	ssub.s32 @!p0 $0x0, s1;
	[sflag:s0] =	ssyncset.done @!p0 $0x0  }
0x5d: {  	[sflag:s0] =	ssyncadd.s32 @!p0 s1  }
0x5e: {  	[bflag:$0x3] =	sbarrier.arrive $0xFFFF  }
0x5f: {  	_ =	shalt  }

// kernel: kernel.31.cloned.1.call-start
scs
__scs_entry_jumppad:
0x0: {  	(pc) =	sbr.rel $0x88, $3  }
0x1: {  	(tag) =	ssettag $0x0;
	lr =	simm.s32 $0x1  }
0x2: {  	[smem:$0x3F91] =	sst lr;
	_ =	strace $0xD0000000  }
0x3: {  	_ = 	snop  }
0x4: {  	_ = 	snop  }
0x5: {  	_ = 	snop  }
0x6: {  	_ = 	snop  }
0x7: {  	_ = 	snop  }
__scs_overlays_trampoline_lowered:
0x8: {  	[smem:$0x3FA0] =	sst s0  }
0x9: {  	[smem:$0x3FA1] =	sst s1  }
0xa: {  	[smem:$0x3FA2] =	sst s2  }
0xb: {  	[smem:$0x3FA3] =	sst s3  }
0xc: {  	[smem:$0x3FA4] =	sst s4  }
0xd: {  	[smem:$0x3FA5] =	sst s5  }
0xe: {  	[smem:$0x3FA6] =	sst s6  }
0xf: {  	[smem:$0x3FA7] =	sst s7  }
0x10: {  	[smem:$0x3FA8] =	sst s8  }
0x11: {  	[smem:$0x3FA9] =	sst s9;
	s0 =	simm.s32 @!p0 $0x0  }
0x12: {  	s1 =	sld [smem:$0x3F8F];
	s0 =	simm.s32 @p0 $0x1  }
0x13: {  	[smem:$0x3FAA] =	sst s0;
	s0 =	simm.s32 @!p1 $0x0  }
0x14: {  	s2 =	sld [smem:$0x3F8E];
	s0 =	simm.s32 @p1 $0x1  }
0x15: {  	[smem:$0x3FAB] =	sst s0;
	s0 =	simm.s32 @!p2 $0x0  }
0x16: {  	s3 =	sld [smem:$0x3FDB];
	s0 =	simm.s32 @p2 $0x1  }
0x17: {  	s4 =	simm.s32 $0x1BF5;
	[smem:$0x3FAD] =	sst s0  }
0x18: {  	s0 =	sld [smem:$0x3F90];
	_ =	swait.ge [sflag:s4], $0x0  }
0x19: {  	s7 =	sld [smem:$0x3F91]  }
0x1a: {  	s8 =	sadd.s32 $0xFFFFE003, lr  }
0x1b: {  	s9 =	sadd.s32 $0xFFFFFEF7, lr;
	s5 =	simm.s32 $0xFFFFFFFF;
	p2 =	slt.u32 s8, $0xFFFFF086  }
0x1c: {  	p1 =	slt.u32 s9, $0xF7A;
	s5 =	simm.s32 @!p2 $0x0  }
0x1d: {  	s5 =	simm.s32 @p1 $0x1;
	p0 =	seq.s32 s7, s2  }
0x1e: {  	s7 =	smul.u32 @!p0 $0xF7A, s2;
	p2 =	seq.s32 @!p0 s5, $0x0  }
0x1f: {  	s9 =	smul.u32 $0xF7A, s1;
	s8 =	simm.s32 @!p0 $0x1BF5;
	p2 =	por !p2, p0  }
0x20: {  	[sflag:s8] =	ssyncset.s32 @!p0 $0xFFFFF086;
	s6 =	sadd.s32 @!p0 s3, s7;
	s7 =	simm.s32 @!p0 $0x108  }
0x21: {  	s3 =	sadd.s32 s3, s9;
	s6 =	sadd.s32 @!p0 $0x88, s6;
	s7 =	simm.s32 @p2 $0x1082  }
0x22: {  	[simem:s7], [sflag:s8] =	dma.local @!p0 [hbm:s6], $0xF7A  }
0x23: {  	s9 =	sor.u32 $0xD0000000, s2;
	s6 =	simm.s32 $0x108;
	_ =	swait.ge @!p0 [sflag:s8], $0x0  }
0x24: {  	s3 =	sadd.s32 $0x88, s3;
	s6 =	simm.s32 @!p1 $0x1082;
	[sflag:s4] =	ssyncset.s32 $0xFFFFF086  }
0x25: {  	[simem:s6], [sflag:s4] =	dma.local [hbm:s3], $0xF7A  }
0x26: {  	[smem:$0x3F91] =	sst s1;
	(tag) =	ssettag s2;
	_ =	strace s9  }
0x27: {  	s1 =	sld [smem:$0x3FA1]  }
0x28: {  	s2 =	sld [smem:$0x3FA2]  }
0x29: {  	s4 =	sld [smem:$0x3FA4]  }
0x2a: {  	p0 =	seq.s32 s5, $0x0;
	s5 =	sld [smem:$0x3FA5]  }
0x2b: {  	s6 =	sld [smem:$0x3FA6]  }
0x2c: {  	s7 =	sld [smem:$0x3FA7]  }
0x2d: {  	s3 =	simm.s32 $0x108;
	s8 =	sld [smem:$0x3FA8]  }
0x2e: {  	s3 =	simm.s32 @!p0 $0x1082;
	s9 =	sld [smem:$0x3FA9]  }
0x2f: {  	lr =	sadd.s32 s0, s3;
	s0 =	sld [smem:$0x3FA0]  }
0x30: {  	s3 =	sld [smem:$0x3FA3]  }
0x31: {  	[smem:$0x3FAC] =	sst s10  }
0x32: {  	s10 =	sld [smem:$0x3FAA];
	_ =	sdelay $0x3  }
0x33: {  	p0 =	seq.s32 s10, $0x1;
	s10 =	sld [smem:$0x3FAC];
	_ =	sdelay $0x3  }
0x34: {  	[smem:$0x3FAC] =	sst s10  }
0x35: {  	s10 =	sld [smem:$0x3FAB];
	_ =	sdelay $0x3  }
0x36: {  	p1 =	seq.s32 s10, $0x1;
	s10 =	sld [smem:$0x3FAC];
	_ =	sdelay $0x3  }
0x37: {  	[smem:$0x3FAC] =	sst s10  }
0x38: {  	s10 =	sld [smem:$0x3FAD]  }
0x39: {  	_ = 	snop;
	(pc) =	sbr.ind lr, $3  }
0x3a: {  	_ = 	snop  }
0x3b: {  	_ = 	snop  }
0x3c: {  	p2 =	seq.s32 s10, $0x1;
	s10 =	sld [smem:$0x3FAC]  }
0x3d: {  	_ =	shalt  }
0x3e: {  	_ =	shalt  }
0x3f: {  	_ =	shalt  }
0x40: {  	_ =	shalt  }
0x41: {  	_ =	shalt  }
0x42: {  	_ =	shalt  }
0x43: {  	_ =	shalt  }
0x44: {  	_ =	shalt  }
0x45: {  	_ =	shalt  }
0x46: {  	_ =	shalt  }
0x47: {  	_ =	shalt  }
0x48: {  	_ =	shalt  }
0x49: {  	_ =	shalt  }
0x4a: {  	_ =	shalt  }
0x4b: {  	_ =	shalt  }
0x4c: {  	_ =	shalt  }
0x4d: {  	_ =	shalt  }
0x4e: {  	_ =	shalt  }
0x4f: {  	_ =	shalt  }
0x50: {  	_ =	shalt  }
0x51: {  	_ =	shalt  }
0x52: {  	_ =	shalt  }
0x53: {  	_ =	shalt  }
0x54: {  	_ =	shalt  }
0x55: {  	_ =	shalt  }
0x56: {  	_ =	shalt  }
0x57: {  	_ =	shalt  }
0x58: {  	_ =	shalt  }
0x59: {  	_ =	shalt  }
0x5a: {  	_ =	shalt  }
0x5b: {  	_ =	shalt  }
0x5c: {  	_ =	shalt  }
0x5d: {  	_ =	shalt  }
0x5e: {  	_ =	shalt  }
0x5f: {  	_ =	shalt  }
0x60: {  	_ =	shalt  }
0x61: {  	_ =	shalt  }
0x62: {  	_ =	shalt  }
0x63: {  	_ =	shalt  }
0x64: {  	_ =	shalt  }
0x65: {  	_ =	shalt  }
0x66: {  	_ =	shalt  }
0x67: {  	_ =	shalt  }
0x68: {  	_ =	shalt  }
0x69: {  	_ =	shalt  }
0x6a: {  	_ =	shalt  }
0x6b: {  	_ =	shalt  }
0x6c: {  	_ =	shalt  }
0x6d: {  	_ =	shalt  }
0x6e: {  	_ =	shalt  }
0x6f: {  	_ =	shalt  }
0x70: {  	_ =	shalt  }
0x71: {  	_ =	shalt  }
0x72: {  	_ =	shalt  }
0x73: {  	_ =	shalt  }
0x74: {  	_ =	shalt  }
0x75: {  	_ =	shalt  }
0x76: {  	_ =	shalt  }
0x77: {  	_ =	shalt  }
0x78: {  	_ =	shalt  }
0x79: {  	_ =	shalt  }
0x7a: {  	_ =	shalt  }
0x7b: {  	_ =	shalt  }
0x7c: {  	_ =	shalt  }
0x7d: {  	_ =	shalt  }
0x7e: {  	_ =	shalt  }
0x7f: {  	_ =	shalt  }
0x80: {  	_ =	shalt  }
0x81: {  	_ =	shalt  }
0x82: {  	_ =	shalt  }
0x83: {  	_ =	shalt  }
0x84: {  	_ =	shalt  }
0x85: {  	_ =	shalt  }
0x86: {  	_ =	shalt  }
0x87: {  	_ =	shalt  }
.Lfunc_end0:
.L_simem_size_0:
called_computation.5_lowered:
.L_overlay_start_0:
0x88: {  	s2 =	sld [smem:$0x3FD9]  }
0x89: {  	s3 =	sld [smem:$0x3FFE];
	_ =	sdelay $0x1  }
0x8a: {  	s1 =	srdreg.scid  }
0x8b: {  	s0 =	sand.u32 $0x1, s1  }
0x8c: {  	s17 =	sshll.u32 s0, $0xA;
	s2 =	sadd.s32 s3, s2  }
0x8d: {  	s2 =	sadd.s32 s2, s17  }
0x8e: {  	[smem:$0x3FB8] =	sst s2  }
0x8f: {  	_ = 	snop  }
0x90: {  	(tm) =	ssettm $0x1  }
0x91: {  	s18 =	sld [smem:$0x3FFB];
	_ =	sdelay $0x3  }
0x92: {  	_ =	strace s18  }
0x93: {  	s2 =	sld [smem:$0x3FFC];
	_ =	sdelay $0x3  }
0x94: {  	_ =	strace s2  }
0x95: {  	s2 =	sld [smem:$0x3FFD];
	_ =	sdelay $0x3  }
0x96: {  	_ =	strace s2  }
0x97: {  	_ =	strace $0x8FFFFFFF  }
0x98: {  	s19 =	sld [smem:$0x3FDB];
	_ =	sdelay $0x1  }
0x99: {  	s20 =	simm.s32 $_scs_section_size  }
0x9a: {  	s4 =	simm.s32 $_size__tile_overlayer_lowered;
	s5 =	simm.s32 $_tile_overlayer_lowered  }
0x9b: {  	s6 =	simm.s32 $0x1BFF;
	s21 =	sshll.u32 s5, $0x1;
	s3 =	sadd.s32 s20, s19  }
0x9c: {  	s22 =	simm.s32 $0x0;
	s4 =	sshll.u32 s4, $0x1;
	s5 =	sadd.s32 s21, s3  }
0x9d: {  	[timem:s22], [sflag:s6] =	dma.local [hbm:s5], s4  }
0x9e: {  	_ =	swait.ge [sflag:s6], s4  }
0x9f: {  	s4 =	ssub.s32 $0x0, s4;
	[sflag:s6] =	ssyncset.done $0x0  }
0xa0: {  	[sflag:s6] =	ssyncadd.s32 s4;
	_ =	sdelay $0x1  }
0xa1: {  	s23 =	simm.s32 $0x1B8B  }
0xa2: {  	_ =	swait.ge [sflag:s23], $0x1  }
0xa3: {  	[sflag:s23] =	ssyncset.done $0x0  }
0xa4: {  	[sflag:s23] =	ssyncadd.s32 $0xFFFFFFFF  }
0xa5: {  	s4 =	sld [smem:$0x0]  }
0xa6: {  	s5 =	sand.u32 $0xFFFFFFFE, s1  }
0xa7: {  	p0 =	sne.s32 s1, s5  }
0xa8: {  	s5 =	sshll.u32 @p0 s5, $0xE  }
0xa9: {  	s5 =	sadd.s32 @p0 $0x11B8D, s5;
	s6 =	sshll.u32 @p0 s4, $0x11  }
0xaa: {  	s5 =	sor.u32 @p0 s6, s5  }
0xab: {  	[sflag:s5] =	ssyncadd.remote.s32 @p0 $0x1;
	_ =	sdelay $0x1  }
0xac: {  	s5 =	simm.s32 @p0 $0x1B8D  }
0xad: {  	_ =	swait.eq @p0 [sflag:s5], $0x1  }
0xae: {  	[sflag:s5] =	ssyncadd.s32 @p0 $0xFFFFFFFF  }
0xaf: {  	s6 =	sshll.u32 @!p0 s1, $0xE  }
0xb0: {  	s6 =	sor.u32 @!p0 $0x4000, s6;
	s5 =	simm.s32 @!p0 $0x1B8D  }
0xb1: {  	s4 =	sshll.u32 @!p0 s4, $0x11;
	s6 =	sadd.s32 @!p0 $0x11B8D, s6;
	_ =	swait.eq @!p0 [sflag:s5], $0x1  }
0xb2: {  	s4 =	sor.u32 @!p0 s4, s6;
	[sflag:s5] =	ssyncadd.s32 @!p0 $0xFFFFFFFF  }
0xb3: {  	s25 =	simm.s32 $0x1B8E;
	s24 =	sld [smem:$0x3FFE];
	[sflag:s4] =	ssyncadd.remote.s32 @!p0 $0x1  }
0xb4: {  	s26 =	simm.s32 $execute0_lowered;
	[smem:$0x3FD2] =	sst s25  }
0xb5: {  	s5 =	sshll.u32 s26, $0x1;
	_ =	strace $0x80000055;
	[dreg:$0x1] =	wrdreg $0xFFFFFFFF  }
0xb6: {  	s28 =	simm.s32 $_size_execute0_lowered;
	s3 =	sadd.s32 s3, s5;
	[dreg:$0x0] =	wrdreg $0x0  }
0xb7: {  	s5 =	sshll.u32 s28, $0x1;
	[dreg:$0x2] =	wrdreg s3  }
0xb8: {  	[dreg:$0x3] =	wrdreg s5  }
0xb9: {  	[dreg:$0x4] =	wrdreg $0xC0  }
0xba: {  	_ =	task [dreg:s22], $0x5FFFF  }
0xbb: {  	[dreg:$0x1] =	wrdreg $0xFFFFFFFF  }
0xbc: {  	[dreg:$0x0] =	wrdreg $0x60  }
0xbd: {  	[dreg:$0x2] =	wrdreg s24  }
0xbe: {  	[dreg:$0x3] =	wrdreg $0x9  }
0xbf: {  	_ =	task.clear_ibuf [dreg:s22], $0x4FFFF;
	_ =	strace $0x90000055  }
0xc0: {  	s29 =	simm.s32 $0x9;
	_ =	strace $0x80000057  }
0xc1: {  	_ =	swait.ge [sflag:s29], $0x1  }
0xc2: {  	[sflag:s29] =	ssyncadd.s32 $0xFFFFFFFF  }
0xc3: {  	_ =	strace $0x90000057  }
0xc4: {  	_ =	sfence  }
0xc5: {  	s30 =	sld [smem:$0x0];
	_ =	sdelay $0x2  }
0xc6: {  	s31 =	sshll.u32 s1, $0xD;
	s1 =	sshrl.u32 s1, $0x2  }
0xc7: {  	s4 =	sand.u32 $0x4000, s31;
	s1 =	sadd.s32 s1, s30  }
0xc8: {  	s0 =	sor.u32 s4, s0;
	s1 =	sshll.u32 s1, $0x11  }
0xc9: {  	s0 =	sor.u32 s1, s0  }
0xca: {  	s0 =	sadd.s32 $0x8F2B, s0  }
0xcb: {  	[sflag:s0] =	ssyncadd.remote.s32 $0x1  }
0xcc: {  	_ =	sfence.sel $0xFFFF  }
0xcd: {  	[dreg:$0x0] =	wrdreg $0xFFFFFFFF;
	(pc) =	sbr.abs _section_cstart, $3  }
0xce: {  	[dreg:$0x1] =	wrdreg $0xFFFFFFFF  }
0xcf: {  	_ =	task.clear_ibuf [dreg:s22], $0x2FFFF;
	_ =	strace $0x9FFFFFFF  }
0xd0: {  	(tm) =	ssettm $0x7FFFFFFF  }
0xd1: {  	_ =	shalt  }
tec
execute0_lowered:
.L_overlay_start_1:
0x0: {  	(tag) =	ssettag $0x1  }
0x1: {  	s1 =	srdreg.scid;
	s0 =	stileid.u32  }
0x2: {  	s13 =	sand.u32 $0x1, s1;
	s31 =	sshll.u32 s0, $0x1  }
0x3: {  	s6 =	sor.u32 s13, s31  }
0x4: {  	s9 =	rddreg [dreg:$0x0];
	s3 =	smul.u32 $0x140, s6  }
0x5: {  	s2 =	simm.s32 $0x0;
	s1 =	rddreg [dreg:$0x1]  }
0x6: {  	[smem:$0x7FF] =	sst s2;
	s3 =	sadd.s32 s3, s9  }
0x7: {  	_ =	strace $0x80000056;
	s4 =	sadd.s32 $0x66200, s3;
	s3 =	simm.s32 $0x2  }
0x8: {  	[tilespmem:s2], [sflag:$0x2] =	stream.linear.gather [hbm4b:s4+s2], $0xA00, $0x38;
	[tilespmem:$0x3200] =	vst v63  }
0x9: {  	s7 =	simm.s32 $0xA00;
	_ =	swait.ge [sflag:s3], $0xA00  }
0xa: {  	s8 =	simm.s32 $0x1;
	s5 =	sadd.s32 $0x7400, s9;
	[sflag:s3] =	ssyncset.done $0x0  }
0xb: {  	s10 =	smul.u32 $0x1400, s6;
	s6 =	simm.s32 $0x280;
	[sflag:s3] =	ssyncadd.s32 $0xFFFFF600  }
0xc: {  	[tilespmem:s7], [sflag:$0x1] =	stream.indirect.gather [hbm4b:s5+s6], $0x10, s2, s6, $0xb8;
	[tilespmem:$0x3200] =	vst v63  }
0xd: {  	_ =	swait.ge [sflag:s8], $0x2800  }
0xe: {  	s14 =	sadd.s32 s10, s9;
	[sflag:s8] =	ssyncset.done $0x0  }
0xf: {  	s9 =	sadd.s32 $0x68A00, s14;
	[sflag:s8] =	ssyncadd.s32 $0xFFFFD800  }
0x10: {  	[hbm4b:s9+s2] =	stream.linear.scatter [tilespmem:s7], [sflag:$0x2], $0x2800, $0x38;
	[tilespmem:$0x3200] =	vst v63  }
0x11: {  	_ =	swait.ge [sflag:s3], $0x2800  }
0x12: {  	[sflag:s3] =	ssyncset.done $0x0  }
0x13: {  	[sflag:s3] =	ssyncadd.s32 $0xFFFFD800  }
0x14: {  	[tilespmem:s7], [sflag:$0x1] =	stream.indirect.gather [hbm4b:s5+s6], $0x10, s6, s6, $0xb8;
	[tilespmem:$0x3200] =	vst v63  }
0x15: {  	_ =	swait.ge [sflag:s8], $0x2800  }
0x16: {  	[sflag:s8] =	ssyncset.done $0x0  }
0x17: {  	s10 =	sadd.s32 $0x68F00, s14;
	[sflag:s8] =	ssyncadd.s32 $0xFFFFD800  }
0x18: {  	[hbm4b:s10+s2] =	stream.linear.scatter [tilespmem:s7], [sflag:$0x2], $0x2800, $0x38;
	[tilespmem:$0x3200] =	vst v63  }
0x19: {  	_ =	swait.ge [sflag:s3], $0x2800  }
0x1a: {  	[sflag:s3] =	ssyncset.done $0x0  }
0x1b: {  	s11 =	simm.s32 $0x500;
	[sflag:s3] =	ssyncadd.s32 $0xFFFFD800  }
0x1c: {  	[tilespmem:s7], [sflag:$0x1] =	stream.indirect.gather [hbm4b:s5+s6], $0x10, s11, s6, $0xb8;
	[tilespmem:$0x3200] =	vst v63  }
0x1d: {  	_ =	swait.ge [sflag:s8], $0x2800  }
0x1e: {  	[sflag:s8] =	ssyncset.done $0x0  }
0x1f: {  	s15 =	ssub.s32 $0x2, s13;
	s12 =	sadd.s32 $0x69400, s14;
	[sflag:s8] =	ssyncadd.s32 $0xFFFFD800  }
0x20: {  	[hbm4b:s12+s2] =	stream.linear.scatter [tilespmem:s7], [sflag:$0x2], $0x2800, $0x38;
	[tilespmem:$0x3200] =	vst v63  }
0x21: {  	s16 =	sshrl.u32 s15, $0x1;
	_ =	swait.ge [sflag:s3], $0x2800  }
0x22: {  	s15 =	ssub.s32 s15, s16;
	[sflag:s3] =	ssyncset.done $0x0  }
0x23: {  	s13 =	simm.s32 $0x780;
	s15 =	smax.u32 s15, $0x1;
	[sflag:s3] =	ssyncadd.s32 $0xFFFFD800  }
0x24: {  	[tilespmem:s7], [sflag:$0x1] =	stream.indirect.gather [hbm4b:s5+s6], $0x10, s13, s6, $0xb8;
	[tilespmem:$0x3200] =	vst v63  }
0x25: {  	p0 =	sne.s32 s15, $0x1;
	_ =	swait.ge [sflag:s8], $0x2800  }
.Ltmp0:
0x26: {  	[sflag:s8] =	ssyncset.done $0x0;
	(pc) =	sbr.rel @!p0 .LBB2_2-.Ltmp0, $4  }
0x27: {  	s14 =	sadd.s32 $0x69900, s14;
	[sflag:s8] =	ssyncadd.s32 $0xFFFFD800  }
0x28: {  	[hbm4b:s14+s2] =	stream.linear.scatter [tilespmem:s7], [sflag:$0x2], $0x2800, $0x38;
	[tilespmem:$0x3200] =	vst v63  }
0x29: {  	_ =	swait.ge [sflag:s3], $0x2800  }
0x2a: {  	s15 =	sadd.s32 $0xFFFFFFFF, s15;
	[sflag:s3] =	ssyncset.done $0x0  }
.LBB2_1:
0x2b: {  	p0 =	sne.s32 s15, $0x1;
	s15 =	sadd.s32 $0xFFFFFFFF, s15;
	[sflag:s3] =	ssyncadd.s32 $0xFFFFD800  }
0x2c: {  	[tilespmem:s2], [sflag:$0x2] =	stream.linear.gather [hbm4b:s4+s2], $0xA00, $0x38;
	[tilespmem:$0x3200] =	vst v63  }
0x2d: {  	_ =	swait.ge [sflag:s3], $0xA00  }
0x2e: {  	[sflag:s3] =	ssyncset.done $0x0  }
0x2f: {  	[sflag:s3] =	ssyncadd.s32 $0xFFFFF600  }
0x30: {  	[tilespmem:s7], [sflag:$0x1] =	stream.indirect.gather [hbm4b:s5+s6], $0x10, s2, s6, $0xb8;
	[tilespmem:$0x3200] =	vst v63  }
0x31: {  	_ =	swait.ge [sflag:s8], $0x2800  }
0x32: {  	[sflag:s8] =	ssyncset.done $0x0  }
0x33: {  	[sflag:s8] =	ssyncadd.s32 $0xFFFFD800  }
0x34: {  	[hbm4b:s9+s2] =	stream.linear.scatter [tilespmem:s7], [sflag:$0x2], $0x2800, $0x38;
	[tilespmem:$0x3200] =	vst v63  }
0x35: {  	_ =	swait.ge [sflag:s3], $0x2800  }
0x36: {  	[sflag:s3] =	ssyncset.done $0x0  }
0x37: {  	[sflag:s3] =	ssyncadd.s32 $0xFFFFD800  }
0x38: {  	[tilespmem:s7], [sflag:$0x1] =	stream.indirect.gather [hbm4b:s5+s6], $0x10, s6, s6, $0xb8;
	[tilespmem:$0x3200] =	vst v63  }
0x39: {  	_ =	swait.ge [sflag:s8], $0x2800  }
0x3a: {  	[sflag:s8] =	ssyncset.done $0x0  }
0x3b: {  	[sflag:s8] =	ssyncadd.s32 $0xFFFFD800  }
0x3c: {  	[hbm4b:s10+s2] =	stream.linear.scatter [tilespmem:s7], [sflag:$0x2], $0x2800, $0x38;
	[tilespmem:$0x3200] =	vst v63  }
0x3d: {  	_ =	swait.ge [sflag:s3], $0x2800  }
0x3e: {  	[sflag:s3] =	ssyncset.done $0x0  }
0x3f: {  	[sflag:s3] =	ssyncadd.s32 $0xFFFFD800  }
0x40: {  	[tilespmem:s7], [sflag:$0x1] =	stream.indirect.gather [hbm4b:s5+s6], $0x10, s11, s6, $0xb8;
	[tilespmem:$0x3200] =	vst v63  }
0x41: {  	_ =	swait.ge [sflag:s8], $0x2800  }
0x42: {  	[sflag:s8] =	ssyncset.done $0x0  }
0x43: {  	[sflag:s8] =	ssyncadd.s32 $0xFFFFD800  }
0x44: {  	[hbm4b:s12+s2] =	stream.linear.scatter [tilespmem:s7], [sflag:$0x2], $0x2800, $0x38;
	[tilespmem:$0x3200] =	vst v63  }
0x45: {  	_ =	swait.ge [sflag:s3], $0x2800  }
0x46: {  	[sflag:s3] =	ssyncset.done $0x0  }
0x47: {  	[sflag:s3] =	ssyncadd.s32 $0xFFFFD800  }
0x48: {  	[tilespmem:s7], [sflag:$0x1] =	stream.indirect.gather [hbm4b:s5+s6], $0x10, s13, s6, $0xb8;
	[tilespmem:$0x3200] =	vst v63  }
0x49: {  	_ =	swait.ge [sflag:s8], $0x2800  }
.Ltmp1:
0x4a: {  	[sflag:s8] =	ssyncset.done $0x0;
	(pc) =	sbr.rel @p0 .LBB2_1-.Ltmp1, $4  }
0x4b: {  	[sflag:s8] =	ssyncadd.s32 $0xFFFFD800  }
0x4c: {  	[hbm4b:s14+s2] =	stream.linear.scatter [tilespmem:s7], [sflag:$0x2], $0x2800, $0x38;
	[tilespmem:$0x3200] =	vst v63  }
0x4d: {  	_ =	swait.ge [sflag:s3], $0x2800  }
0x4e: {  	[sflag:s3] =	ssyncset.done $0x0  }
.LBB2_2:
0x4f: {  	[sflag:s3] =	ssyncadd.s32 $0xFFFFD800  }
0x50: {  	_ =	sfence.sel $0x180000  }
0x51: {  	[bflag:$0x0] =	sbarrier.arrive $0xFFFF  }
0x52: {  	p0 =	sne.s32 s0, $0x0;
	_ =	strace $0x90000056  }
0x53: {  	s0 =	sadd.s32 @!p0 $0x100000, s1;
	[bflag:$0x2] =	sbarrier.arrive $0xFFFF  }
0x54: {  	[sflag:s0] =	ssyncadd.tile.s32 @!p0 $0x1;
	_ =	shalt  }
.Lfunc_end2:
_tile_overlayer_lowered:
.L_overlay_start_2:
0x55: {  	(tag) =	ssettag $0x2  }
0x56: {  	s0 =	rddreg [dreg:$0x0];
	s2 =	stileid.u32  }
0x57: {  	s1 =	rddreg [dreg:$0x1];
	p0 =	sne.s32 s2, $0x0  }
0x58: {  	s3 =	rddreg [dreg:$0x2];
	[bflag:$0x3] =	sbarrier.arrive $0xFFFF;
	s2 =	simm.s32 @!p0 $0x1C02  }
0x59: {  	[timem:s3], [sflag:s2] =	dma.local @!p0 [hbm:s0], s1  }
0x5a: {  	s0 =	simm.s32 @!p0 $0x2  }
0x5b: {  	_ =	swait.ge @!p0 [sflag:s0], s1  }
0x5c: {  	s1 =	ssub.s32 @!p0 $0x0, s1;
	[sflag:s0] =	ssyncset.done @!p0 $0x0  }
0x5d: {  	[sflag:s0] =	ssyncadd.s32 @!p0 s1  }
0x5e: {  	[bflag:$0x3] =	sbarrier.arrive $0xFFFF  }
0x5f: {  	_ =	shalt  }

// kernel: kernel.34.cloned.1.call-start
scs
__scs_entry_jumppad:
0x0: {  	(pc) =	sbr.rel $0x88, $3  }
0x1: {  	(tag) =	ssettag $0x0;
	lr =	simm.s32 $0x1  }
0x2: {  	[smem:$0x3F91] =	sst lr;
	_ =	strace $0xD0000000  }
0x3: {  	_ = 	snop  }
0x4: {  	_ = 	snop  }
0x5: {  	_ = 	snop  }
0x6: {  	_ = 	snop  }
0x7: {  	_ = 	snop  }
__scs_overlays_trampoline_lowered:
0x8: {  	[smem:$0x3FA0] =	sst s0  }
0x9: {  	[smem:$0x3FA1] =	sst s1  }
0xa: {  	[smem:$0x3FA2] =	sst s2  }
0xb: {  	[smem:$0x3FA3] =	sst s3  }
0xc: {  	[smem:$0x3FA4] =	sst s4  }
0xd: {  	[smem:$0x3FA5] =	sst s5  }
0xe: {  	[smem:$0x3FA6] =	sst s6  }
0xf: {  	[smem:$0x3FA7] =	sst s7  }
0x10: {  	[smem:$0x3FA8] =	sst s8  }
0x11: {  	[smem:$0x3FA9] =	sst s9;
	s0 =	simm.s32 @!p0 $0x0  }
0x12: {  	s1 =	sld [smem:$0x3F8F];
	s0 =	simm.s32 @p0 $0x1  }
0x13: {  	[smem:$0x3FAA] =	sst s0;
	s0 =	simm.s32 @!p1 $0x0  }
0x14: {  	s2 =	sld [smem:$0x3F8E];
	s0 =	simm.s32 @p1 $0x1  }
0x15: {  	[smem:$0x3FAB] =	sst s0;
	s0 =	simm.s32 @!p2 $0x0  }
0x16: {  	s3 =	sld [smem:$0x3FDB];
	s0 =	simm.s32 @p2 $0x1  }
0x17: {  	s4 =	simm.s32 $0x1BF5;
	[smem:$0x3FAD] =	sst s0  }
0x18: {  	s0 =	sld [smem:$0x3F90];
	_ =	swait.ge [sflag:s4], $0x0  }
0x19: {  	s7 =	sld [smem:$0x3F91]  }
0x1a: {  	s8 =	sadd.s32 $0xFFFFE003, lr  }
0x1b: {  	s9 =	sadd.s32 $0xFFFFFEF7, lr;
	s5 =	simm.s32 $0xFFFFFFFF;
	p2 =	slt.u32 s8, $0xFFFFF086  }
0x1c: {  	p1 =	slt.u32 s9, $0xF7A;
	s5 =	simm.s32 @!p2 $0x0  }
0x1d: {  	s5 =	simm.s32 @p1 $0x1;
	p0 =	seq.s32 s7, s2  }
0x1e: {  	s7 =	smul.u32 @!p0 $0xF7A, s2;
	p2 =	seq.s32 @!p0 s5, $0x0  }
0x1f: {  	s9 =	smul.u32 $0xF7A, s1;
	s8 =	simm.s32 @!p0 $0x1BF5;
	p2 =	por !p2, p0  }
0x20: {  	[sflag:s8] =	ssyncset.s32 @!p0 $0xFFFFF086;
	s6 =	sadd.s32 @!p0 s3, s7;
	s7 =	simm.s32 @!p0 $0x108  }
0x21: {  	s3 =	sadd.s32 s3, s9;
	s6 =	sadd.s32 @!p0 $0x88, s6;
	s7 =	simm.s32 @p2 $0x1082  }
0x22: {  	[simem:s7], [sflag:s8] =	dma.local @!p0 [hbm:s6], $0xF7A  }
0x23: {  	s9 =	sor.u32 $0xD0000000, s2;
	s6 =	simm.s32 $0x108;
	_ =	swait.ge @!p0 [sflag:s8], $0x0  }
0x24: {  	s3 =	sadd.s32 $0x88, s3;
	s6 =	simm.s32 @!p1 $0x1082;
	[sflag:s4] =	ssyncset.s32 $0xFFFFF086  }
0x25: {  	[simem:s6], [sflag:s4] =	dma.local [hbm:s3], $0xF7A  }
0x26: {  	[smem:$0x3F91] =	sst s1;
	(tag) =	ssettag s2;
	_ =	strace s9  }
0x27: {  	s1 =	sld [smem:$0x3FA1]  }
0x28: {  	s2 =	sld [smem:$0x3FA2]  }
0x29: {  	s4 =	sld [smem:$0x3FA4]  }
0x2a: {  	p0 =	seq.s32 s5, $0x0;
	s5 =	sld [smem:$0x3FA5]  }
0x2b: {  	s6 =	sld [smem:$0x3FA6]  }
0x2c: {  	s7 =	sld [smem:$0x3FA7]  }
0x2d: {  	s3 =	simm.s32 $0x108;
	s8 =	sld [smem:$0x3FA8]  }
0x2e: {  	s3 =	simm.s32 @!p0 $0x1082;
	s9 =	sld [smem:$0x3FA9]  }
0x2f: {  	lr =	sadd.s32 s0, s3;
	s0 =	sld [smem:$0x3FA0]  }
0x30: {  	s3 =	sld [smem:$0x3FA3]  }
0x31: {  	[smem:$0x3FAC] =	sst s10  }
0x32: {  	s10 =	sld [smem:$0x3FAA];
	_ =	sdelay $0x3  }
0x33: {  	p0 =	seq.s32 s10, $0x1;
	s10 =	sld [smem:$0x3FAC];
	_ =	sdelay $0x3  }
0x34: {  	[smem:$0x3FAC] =	sst s10  }
0x35: {  	s10 =	sld [smem:$0x3FAB];
	_ =	sdelay $0x3  }
0x36: {  	p1 =	seq.s32 s10, $0x1;
	s10 =	sld [smem:$0x3FAC];
	_ =	sdelay $0x3  }
0x37: {  	[smem:$0x3FAC] =	sst s10  }
0x38: {  	s10 =	sld [smem:$0x3FAD]  }
0x39: {  	_ = 	snop;
	(pc) =	sbr.ind lr, $3  }
0x3a: {  	_ = 	snop  }
0x3b: {  	_ = 	snop  }
0x3c: {  	p2 =	seq.s32 s10, $0x1;
	s10 =	sld [smem:$0x3FAC]  }
0x3d: {  	_ =	shalt  }
0x3e: {  	_ =	shalt  }
0x3f: {  	_ =	shalt  }
0x40: {  	_ =	shalt  }
0x41: {  	_ =	shalt  }
0x42: {  	_ =	shalt  }
0x43: {  	_ =	shalt  }
0x44: {  	_ =	shalt  }
0x45: {  	_ =	shalt  }
0x46: {  	_ =	shalt  }
0x47: {  	_ =	shalt  }
0x48: {  	_ =	shalt  }
0x49: {  	_ =	shalt  }
0x4a: {  	_ =	shalt  }
0x4b: {  	_ =	shalt  }
0x4c: {  	_ =	shalt  }
0x4d: {  	_ =	shalt  }
0x4e: {  	_ =	shalt  }
0x4f: {  	_ =	shalt  }
0x50: {  	_ =	shalt  }
0x51: {  	_ =	shalt  }
0x52: {  	_ =	shalt  }
0x53: {  	_ =	shalt  }
0x54: {  	_ =	shalt  }
0x55: {  	_ =	shalt  }
0x56: {  	_ =	shalt  }
0x57: {  	_ =	shalt  }
0x58: {  	_ =	shalt  }
0x59: {  	_ =	shalt  }
0x5a: {  	_ =	shalt  }
0x5b: {  	_ =	shalt  }
0x5c: {  	_ =	shalt  }
0x5d: {  	_ =	shalt  }
0x5e: {  	_ =	shalt  }
0x5f: {  	_ =	shalt  }
0x60: {  	_ =	shalt  }
0x61: {  	_ =	shalt  }
0x62: {  	_ =	shalt  }
0x63: {  	_ =	shalt  }
0x64: {  	_ =	shalt  }
0x65: {  	_ =	shalt  }
0x66: {  	_ =	shalt  }
0x67: {  	_ =	shalt  }
0x68: {  	_ =	shalt  }
0x69: {  	_ =	shalt  }
0x6a: {  	_ =	shalt  }
0x6b: {  	_ =	shalt  }
0x6c: {  	_ =	shalt  }
0x6d: {  	_ =	shalt  }
0x6e: {  	_ =	shalt  }
0x6f: {  	_ =	shalt  }
0x70: {  	_ =	shalt  }
0x71: {  	_ =	shalt  }
0x72: {  	_ =	shalt  }
0x73: {  	_ =	shalt  }
0x74: {  	_ =	shalt  }
0x75: {  	_ =	shalt  }
0x76: {  	_ =	shalt  }
0x77: {  	_ =	shalt  }
0x78: {  	_ =	shalt  }
0x79: {  	_ =	shalt  }
0x7a: {  	_ =	shalt  }
0x7b: {  	_ =	shalt  }
0x7c: {  	_ =	shalt  }
0x7d: {  	_ =	shalt  }
0x7e: {  	_ =	shalt  }
0x7f: {  	_ =	shalt  }
0x80: {  	_ =	shalt  }
0x81: {  	_ =	shalt  }
0x82: {  	_ =	shalt  }
0x83: {  	_ =	shalt  }
0x84: {  	_ =	shalt  }
0x85: {  	_ =	shalt  }
0x86: {  	_ =	shalt  }
0x87: {  	_ =	shalt  }
.Lfunc_end0:
.L_simem_size_0:
called_computation.6_lowered:
.L_overlay_start_0:
0x88: {  	s2 =	sld [smem:$0x3FD9]  }
0x89: {  	s3 =	sld [smem:$0x3FFE];
	_ =	sdelay $0x1  }
0x8a: {  	s1 =	srdreg.scid  }
0x8b: {  	s0 =	sand.u32 $0x1, s1  }
0x8c: {  	s17 =	sshll.u32 s0, $0xA;
	s2 =	sadd.s32 s3, s2  }
0x8d: {  	s2 =	sadd.s32 s2, s17  }
0x8e: {  	[smem:$0x3FB8] =	sst s2  }
0x8f: {  	_ = 	snop  }
0x90: {  	(tm) =	ssettm $0x1  }
0x91: {  	s18 =	sld [smem:$0x3FFB];
	_ =	sdelay $0x3  }
0x92: {  	_ =	strace s18  }
0x93: {  	s2 =	sld [smem:$0x3FFC];
	_ =	sdelay $0x3  }
0x94: {  	_ =	strace s2  }
0x95: {  	s2 =	sld [smem:$0x3FFD];
	_ =	sdelay $0x3  }
0x96: {  	_ =	strace s2  }
0x97: {  	_ =	strace $0x8FFFFFFF  }
0x98: {  	s19 =	sld [smem:$0x3FDB];
	_ =	sdelay $0x1  }
0x99: {  	s20 =	simm.s32 $_scs_section_size  }
0x9a: {  	s4 =	simm.s32 $_size__tile_overlayer_lowered;
	s5 =	simm.s32 $_tile_overlayer_lowered  }
0x9b: {  	s6 =	simm.s32 $0x1BFF;
	s21 =	sshll.u32 s5, $0x1;
	s3 =	sadd.s32 s20, s19  }
0x9c: {  	s22 =	simm.s32 $0x0;
	s4 =	sshll.u32 s4, $0x1;
	s5 =	sadd.s32 s21, s3  }
0x9d: {  	[timem:s22], [sflag:s6] =	dma.local [hbm:s5], s4  }
0x9e: {  	_ =	swait.ge [sflag:s6], s4  }
0x9f: {  	s4 =	ssub.s32 $0x0, s4;
	[sflag:s6] =	ssyncset.done $0x0  }
0xa0: {  	[sflag:s6] =	ssyncadd.s32 s4;
	_ =	sdelay $0x1  }
0xa1: {  	s23 =	simm.s32 $0x1B8B  }
0xa2: {  	_ =	swait.ge [sflag:s23], $0x1  }
0xa3: {  	[sflag:s23] =	ssyncset.done $0x0  }
0xa4: {  	[sflag:s23] =	ssyncadd.s32 $0xFFFFFFFF  }
0xa5: {  	s4 =	sld [smem:$0x0]  }
0xa6: {  	s5 =	sand.u32 $0xFFFFFFFE, s1  }
0xa7: {  	p0 =	sne.s32 s1, s5  }
0xa8: {  	s5 =	sshll.u32 @p0 s5, $0xE  }
0xa9: {  	s5 =	sadd.s32 @p0 $0x11B8D, s5;
	s6 =	sshll.u32 @p0 s4, $0x11  }
0xaa: {  	s5 =	sor.u32 @p0 s6, s5  }
0xab: {  	[sflag:s5] =	ssyncadd.remote.s32 @p0 $0x1;
	_ =	sdelay $0x1  }
0xac: {  	s5 =	simm.s32 @p0 $0x1B8D  }
0xad: {  	_ =	swait.eq @p0 [sflag:s5], $0x1  }
0xae: {  	[sflag:s5] =	ssyncadd.s32 @p0 $0xFFFFFFFF  }
0xaf: {  	s6 =	sshll.u32 @!p0 s1, $0xE  }
0xb0: {  	s6 =	sor.u32 @!p0 $0x4000, s6;
	s5 =	simm.s32 @!p0 $0x1B8D  }
0xb1: {  	s4 =	sshll.u32 @!p0 s4, $0x11;
	s6 =	sadd.s32 @!p0 $0x11B8D, s6;
	_ =	swait.eq @!p0 [sflag:s5], $0x1  }
0xb2: {  	s4 =	sor.u32 @!p0 s4, s6;
	[sflag:s5] =	ssyncadd.s32 @!p0 $0xFFFFFFFF  }
0xb3: {  	s25 =	simm.s32 $0x1B8E;
	s24 =	sld [smem:$0x3FFE];
	[sflag:s4] =	ssyncadd.remote.s32 @!p0 $0x1  }
0xb4: {  	s26 =	simm.s32 $execute0_lowered;
	[smem:$0x3FD2] =	sst s25  }
0xb5: {  	s5 =	sshll.u32 s26, $0x1;
	_ =	strace $0x80000058;
	[dreg:$0x1] =	wrdreg $0xFFFFFFFF  }
0xb6: {  	s28 =	simm.s32 $_size_execute0_lowered;
	s3 =	sadd.s32 s3, s5;
	[dreg:$0x0] =	wrdreg $0x0  }
0xb7: {  	s5 =	sshll.u32 s28, $0x1;
	[dreg:$0x2] =	wrdreg s3  }
0xb8: {  	[dreg:$0x3] =	wrdreg s5  }
0xb9: {  	[dreg:$0x4] =	wrdreg $0xC0  }
0xba: {  	_ =	task [dreg:s22], $0x5FFFF  }
0xbb: {  	[dreg:$0x1] =	wrdreg $0xFFFFFFFF  }
0xbc: {  	[dreg:$0x0] =	wrdreg $0x60  }
0xbd: {  	[dreg:$0x2] =	wrdreg s24  }
0xbe: {  	[dreg:$0x3] =	wrdreg $0x12000  }
0xbf: {  	[dreg:$0x4] =	wrdreg $0xA  }
0xc0: {  	_ =	task.clear_ibuf [dreg:s22], $0x5FFFF;
	_ =	strace $0x90000058  }
0xc1: {  	s29 =	simm.s32 $0xA;
	_ =	strace $0x8000005A  }
0xc2: {  	_ =	swait.ge [sflag:s29], $0x1  }
0xc3: {  	[sflag:s29] =	ssyncadd.s32 $0xFFFFFFFF  }
0xc4: {  	_ =	strace $0x9000005A  }
0xc5: {  	_ =	sfence  }
0xc6: {  	s30 =	sld [smem:$0x0];
	_ =	sdelay $0x2  }
0xc7: {  	s31 =	sshll.u32 s1, $0xD;
	s1 =	sshrl.u32 s1, $0x2  }
0xc8: {  	s4 =	sand.u32 $0x4000, s31;
	s1 =	sadd.s32 s1, s30  }
0xc9: {  	s0 =	sor.u32 s4, s0;
	s1 =	sshll.u32 s1, $0x11  }
0xca: {  	s0 =	sor.u32 s1, s0  }
0xcb: {  	s0 =	sadd.s32 $0x8F2B, s0  }
0xcc: {  	[sflag:s0] =	ssyncadd.remote.s32 $0x1  }
0xcd: {  	_ =	sfence.sel $0xFFFF  }
0xce: {  	[dreg:$0x0] =	wrdreg $0xFFFFFFFF;
	(pc) =	sbr.abs _section_cstart, $3  }
0xcf: {  	[dreg:$0x1] =	wrdreg $0xFFFFFFFF  }
0xd0: {  	_ =	task.clear_ibuf [dreg:s22], $0x2FFFF;
	_ =	strace $0x9FFFFFFF  }
0xd1: {  	(tm) =	ssettm $0x7FFFFFFF  }
tec
execute0_lowered:
.L_overlay_start_1:
0x0: {  	(tag) =	ssettag $0x1  }
0x1: {  	s0 =	stileid.u32;
	s6 =	rddreg [dreg:$0x0]  }
0x2: {  	s1 =	srdreg.scid;
	s2 =	rddreg [dreg:$0x1];
	s3 =	simm.s32 $0x0  }
0x3: {  	s14 =	simm.s32 $0x0;
	s5 =	sand.u32 $0x1, s1;
	s7 =	smul.u32 $0x2800, s0  }
0x4: {  	s28 =	sshll.u32 s0, $0x1;
	[smem:$0x7FF] =	sst s3;
	s8 =	smul.u32 $0x28000, s5  }
0x5: {  	s31 =	sshll.u32 s0, $0x6;
	s1 =	sor.u32 s5, s28;
	s13 =	smul.u32 $0x1400, s5  }
0x6: {  	s11 =	ssub.s32 $0x2, s5;
	s4 =	smul.u32 $0xA00, s1;
	s1 =	rddreg [dreg:$0x2]  }
0x7: {  	_ =	strace $0x80000059;
	s9 =	sadd.s32 s7, s6;
	s12 =	sshrl.u32 s11, $0x1  }
0x8: {  	s30 =	sadd.s32 s7, s2;
	s8 =	sadd.s32 s7, s8;
	s29 =	ssub.s32 s11, s12  }
0x9: {  	s9 =	sadd.s32 s13, s9;
	s11 =	sshrl.u32 s30, $0x3;
	s12 =	simm.s32 $0xA00  }
0xa: {  	s13 =	simm.s32 $0x80;
	s4 =	sshrl.u32 s4, $0x3;
	s8 =	sshrl.u32 s8, $0x3  }
0xb: {  	s7 =	smax.u32 s29, $0x1;
	s10 =	sadd.s32 s4, s6;
	s4 =	sadd.s32 $0x3E400, s6  }
0xc: {  	s6 =	sadd.s32 s8, s6;
	s8 =	sadd.s32 $0x16200, s9;
	s9 =	simm.s32 $0x1  }
0xd: {  	s5 =	sadd.s32 $0x13A00, s10;
	s6 =	sadd.s32 $0x55200, s6;
	s10 =	sor.u32 $0x1C01, s31  }
.LBB2_1:
0xe: {  	[tilespmem:s3], [sflag:$0x1] =	stream.linear.gather [hbm4b:s5+s3], $0xA00, $0x38;
	[tilespmem:$0x3A00] =	vst v63  }
0xf: {  	_ =	swait.ge [sflag:s9], $0xA00  }
0x10: {  	[sflag:s9] =	ssyncset.done $0x0  }
0x11: {  	[sflag:s9] =	ssyncadd.s32 $0xFFFFF600  }
0x12: {  	[spmem:s11], [sflag:s10] =	dma.local [hbm:s4], $0x500  }
0x13: {  	_ =	swait.ge [sflag:s9], $0x500  }
0x14: {  	[sflag:s9] =	ssyncset.done $0x0  }
0x15: {  	[sflag:s9] =	ssyncadd.s32 $0xFFFFFB00  }
0x16: {  	s15 =	sadd.s32 $0x0, s8;
	[bflag:$0x0] =	sbarrier.arrive $0xFFFF  }
0x17: {  	[tilespmem:s12], [sflag:$0x1] =	stream.linear.gather [hbm4b:s15+s3], $0x800, $0x38;
	[tilespmem:$0x3A00] =	vst v63  }
0x18: {  	_ =	swait.ge [sflag:s9], $0x800  }
0x19: {  	[sflag:s9] =	ssyncset.done $0x0  }
0x1a: {  	[sflag:s9] =	ssyncadd.s32 $0xFFFFF800  }
0x1b: {  	[spmem:s2] =	stream.indirect.scatter.add.f32 [tilespmem:s12], [sflag:$0x1], $0x10, s3, s13, $0xb8;
	[tilespmem:$0x3A00] =	vst v63  }
0x1c: {  	s16 =	simm.s32 $0x100;
	_ =	swait.ge [sflag:s9], $0x800  }
0x1d: {  	s17 =	simm.s32 $0x200;
	s15 =	simm.s32 $0x80;
	[sflag:s9] =	ssyncset.done $0x0  }
.LBB2_2:
0x1e: {  	s18 =	sadd.s32 s16, s8  }
0x1f: {  	[sflag:s9] =	ssyncadd.s32 $0xFFFFF800;
	s16 =	smov.u32 s17;
	s19 =	sadd.s32 $0x100, s17  }
0x20: {  	[tilespmem:s12], [sflag:$0x1] =	stream.linear.gather [hbm4b:s18+s3], $0x800, $0x38;
	[tilespmem:$0x3A00] =	vst v63  }
0x21: {  	p0 =	sne.s32 s17, $0x1300;
	_ =	swait.ge [sflag:s9], $0x800  }
.Ltmp0:
0x22: {  	[sflag:s9] =	ssyncset.done $0x0;
	(pc) =	sbr.rel @p0 .LBB2_2-.Ltmp0, $4  }
0x23: {  	[sflag:s9] =	ssyncadd.s32 $0xFFFFF800  }
0x24: {  	[spmem:s2] =	stream.indirect.scatter.add.f32 [tilespmem:s12], [sflag:$0x1], $0x10, s15, s13, $0xb8;
	[tilespmem:$0x3A00] =	vst v63  }
0x25: {  	_ =	swait.ge [sflag:s9], $0x800  }
0x26: {  	s17 =	smov.u32 s19;
	s15 =	sadd.s32 $0x80, s15;
	[sflag:s9] =	ssyncset.done $0x0  }
0x27: {  	s16 =	sadd.s32 s16, s8;
	[sflag:s9] =	ssyncadd.s32 $0xFFFFF800  }
0x28: {  	[tilespmem:s12], [sflag:$0x1] =	stream.linear.gather [hbm4b:s16+s3], $0x800, $0x38;
	[tilespmem:$0x3A00] =	vst v63  }
0x29: {  	_ =	swait.ge [sflag:s9], $0x800  }
0x2a: {  	[sflag:s9] =	ssyncset.done $0x0  }
0x2b: {  	[sflag:s9] =	ssyncadd.s32 $0xFFFFF800  }
0x2c: {  	[spmem:s2] =	stream.indirect.scatter.add.f32 [tilespmem:s12], [sflag:$0x1], $0x10, s15, s13, $0xb8;
	[tilespmem:$0x3A00] =	vst v63  }
0x2d: {  	_ =	swait.ge [sflag:s9], $0x800  }
0x2e: {  	s14 =	sadd.s32 $0x1, s14;
	[sflag:s9] =	ssyncset.done $0x0  }
0x2f: {  	p0 =	sne.s32 s14, s7;
	[sflag:s9] =	ssyncadd.s32 $0xFFFFF800  }
.Ltmp1:
0x30: {  	[bflag:$0x0] =	sbarrier.arrive $0xFFFF;
	(pc) =	sbr.rel @p0 .LBB2_1-.Ltmp1, $4  }
0x31: {  	[hbm:s6], [sflag:s10] =	dma.local [spmem:s11], $0x500  }
0x32: {  	_ =	swait.ge [sflag:s9], $0x500  }
0x33: {  	[sflag:s9] =	ssyncset.done $0x0  }
0x34: {  	[sflag:s9] =	ssyncadd.s32 $0xFFFFFB00  }
0x35: {  	_ =	sfence.sel $0x180000  }
0x36: {  	[bflag:$0x0] =	sbarrier.arrive $0xFFFF  }
0x37: {  	p0 =	sne.s32 s0, $0x0;
	_ =	strace $0x90000059  }
0x38: {  	s0 =	sadd.s32 @!p0 $0x100000, s1;
	[bflag:$0x2] =	sbarrier.arrive $0xFFFF  }
0x39: {  	[sflag:s0] =	ssyncadd.tile.s32 @!p0 $0x1;
	_ =	shalt  }
.Lfunc_end2:
_tile_overlayer_lowered:
.L_overlay_start_2:
0x3a: {  	(tag) =	ssettag $0x2  }
0x3b: {  	s0 =	rddreg [dreg:$0x0];
	s2 =	stileid.u32  }
0x3c: {  	s1 =	rddreg [dreg:$0x1];
	p0 =	sne.s32 s2, $0x0  }
0x3d: {  	s3 =	rddreg [dreg:$0x2];
	[bflag:$0x3] =	sbarrier.arrive $0xFFFF;
	s2 =	simm.s32 @!p0 $0x1C01  }
0x3e: {  	[timem:s3], [sflag:s2] =	dma.local @!p0 [hbm:s0], s1  }
0x3f: {  	s0 =	simm.s32 @!p0 $0x1  }
0x40: {  	_ =	swait.ge @!p0 [sflag:s0], s1  }
0x41: {  	s1 =	ssub.s32 @!p0 $0x0, s1;
	[sflag:s0] =	ssyncset.done @!p0 $0x0  }
0x42: {  	[sflag:s0] =	ssyncadd.s32 @!p0 s1  }
0x43: {  	[bflag:$0x3] =	sbarrier.arrive $0xFFFF  }
0x44: {  	_ =	shalt  }

// kernel: kernel.37.cloned.1.call-start
scs
__scs_entry_jumppad:
0x0: {  	(pc) =	sbr.rel $0x88, $3  }
0x1: {  	(tag) =	ssettag $0x0;
	lr =	simm.s32 $0x1  }
0x2: {  	[smem:$0x3F91] =	sst lr;
	_ =	strace $0xD0000000  }
0x3: {  	_ = 	snop  }
0x4: {  	_ = 	snop  }
0x5: {  	_ = 	snop  }
0x6: {  	_ = 	snop  }
0x7: {  	_ = 	snop  }
__scs_overlays_trampoline_lowered:
0x8: {  	[smem:$0x3FA0] =	sst s0  }
0x9: {  	[smem:$0x3FA1] =	sst s1  }
0xa: {  	[smem:$0x3FA2] =	sst s2  }
0xb: {  	[smem:$0x3FA3] =	sst s3  }
0xc: {  	[smem:$0x3FA4] =	sst s4  }
0xd: {  	[smem:$0x3FA5] =	sst s5  }
0xe: {  	[smem:$0x3FA6] =	sst s6  }
0xf: {  	[smem:$0x3FA7] =	sst s7  }
0x10: {  	[smem:$0x3FA8] =	sst s8  }
0x11: {  	[smem:$0x3FA9] =	sst s9;
	s0 =	simm.s32 @!p0 $0x0  }
0x12: {  	s1 =	sld [smem:$0x3F8F];
	s0 =	simm.s32 @p0 $0x1  }
0x13: {  	[smem:$0x3FAA] =	sst s0;
	s0 =	simm.s32 @!p1 $0x0  }
0x14: {  	s2 =	sld [smem:$0x3F8E];
	s0 =	simm.s32 @p1 $0x1  }
0x15: {  	[smem:$0x3FAB] =	sst s0;
	s0 =	simm.s32 @!p2 $0x0  }
0x16: {  	s3 =	sld [smem:$0x3FDB];
	s0 =	simm.s32 @p2 $0x1  }
0x17: {  	s4 =	simm.s32 $0x1BF5;
	[smem:$0x3FAD] =	sst s0  }
0x18: {  	s0 =	sld [smem:$0x3F90];
	_ =	swait.ge [sflag:s4], $0x0  }
0x19: {  	s7 =	sld [smem:$0x3F91]  }
0x1a: {  	s8 =	sadd.s32 $0xFFFFE003, lr  }
0x1b: {  	s9 =	sadd.s32 $0xFFFFFEF7, lr;
	s5 =	simm.s32 $0xFFFFFFFF;
	p2 =	slt.u32 s8, $0xFFFFF086  }
0x1c: {  	p1 =	slt.u32 s9, $0xF7A;
	s5 =	simm.s32 @!p2 $0x0  }
0x1d: {  	s5 =	simm.s32 @p1 $0x1;
	p0 =	seq.s32 s7, s2  }
0x1e: {  	s7 =	smul.u32 @!p0 $0xF7A, s2;
	p2 =	seq.s32 @!p0 s5, $0x0  }
0x1f: {  	s9 =	smul.u32 $0xF7A, s1;
	s8 =	simm.s32 @!p0 $0x1BF5;
	p2 =	por !p2, p0  }
0x20: {  	[sflag:s8] =	ssyncset.s32 @!p0 $0xFFFFF086;
	s6 =	sadd.s32 @!p0 s3, s7;
	s7 =	simm.s32 @!p0 $0x108  }
0x21: {  	s3 =	sadd.s32 s3, s9;
	s6 =	sadd.s32 @!p0 $0x88, s6;
	s7 =	simm.s32 @p2 $0x1082  }
0x22: {  	[simem:s7], [sflag:s8] =	dma.local @!p0 [hbm:s6], $0xF7A  }
0x23: {  	s9 =	sor.u32 $0xD0000000, s2;
	s6 =	simm.s32 $0x108;
	_ =	swait.ge @!p0 [sflag:s8], $0x0  }
0x24: {  	s3 =	sadd.s32 $0x88, s3;
	s6 =	simm.s32 @!p1 $0x1082;
	[sflag:s4] =	ssyncset.s32 $0xFFFFF086  }
0x25: {  	[simem:s6], [sflag:s4] =	dma.local [hbm:s3], $0xF7A  }
0x26: {  	[smem:$0x3F91] =	sst s1;
	(tag) =	ssettag s2;
	_ =	strace s9  }
0x27: {  	s1 =	sld [smem:$0x3FA1]  }
0x28: {  	s2 =	sld [smem:$0x3FA2]  }
0x29: {  	s4 =	sld [smem:$0x3FA4]  }
0x2a: {  	p0 =	seq.s32 s5, $0x0;
	s5 =	sld [smem:$0x3FA5]  }
0x2b: {  	s6 =	sld [smem:$0x3FA6]  }
0x2c: {  	s7 =	sld [smem:$0x3FA7]  }
0x2d: {  	s3 =	simm.s32 $0x108;
	s8 =	sld [smem:$0x3FA8]  }
0x2e: {  	s3 =	simm.s32 @!p0 $0x1082;
	s9 =	sld [smem:$0x3FA9]  }
0x2f: {  	lr =	sadd.s32 s0, s3;
	s0 =	sld [smem:$0x3FA0]  }
0x30: {  	s3 =	sld [smem:$0x3FA3]  }
0x31: {  	[smem:$0x3FAC] =	sst s10  }
0x32: {  	s10 =	sld [smem:$0x3FAA];
	_ =	sdelay $0x3  }
0x33: {  	p0 =	seq.s32 s10, $0x1;
	s10 =	sld [smem:$0x3FAC];
	_ =	sdelay $0x3  }
0x34: {  	[smem:$0x3FAC] =	sst s10  }
0x35: {  	s10 =	sld [smem:$0x3FAB];
	_ =	sdelay $0x3  }
0x36: {  	p1 =	seq.s32 s10, $0x1;
	s10 =	sld [smem:$0x3FAC];
	_ =	sdelay $0x3  }
0x37: {  	[smem:$0x3FAC] =	sst s10  }
0x38: {  	s10 =	sld [smem:$0x3FAD]  }
0x39: {  	_ = 	snop;
	(pc) =	sbr.ind lr, $3  }
0x3a: {  	_ = 	snop  }
0x3b: {  	_ = 	snop  }
0x3c: {  	p2 =	seq.s32 s10, $0x1;
	s10 =	sld [smem:$0x3FAC]  }
0x3d: {  	_ =	shalt  }
0x3e: {  	_ =	shalt  }
0x3f: {  	_ =	shalt  }
0x40: {  	_ =	shalt  }
0x41: {  	_ =	shalt  }
0x42: {  	_ =	shalt  }
0x43: {  	_ =	shalt  }
0x44: {  	_ =	shalt  }
0x45: {  	_ =	shalt  }
0x46: {  	_ =	shalt  }
0x47: {  	_ =	shalt  }
0x48: {  	_ =	shalt  }
0x49: {  	_ =	shalt  }
0x4a: {  	_ =	shalt  }
0x4b: {  	_ =	shalt  }
0x4c: {  	_ =	shalt  }
0x4d: {  	_ =	shalt  }
0x4e: {  	_ =	shalt  }
0x4f: {  	_ =	shalt  }
0x50: {  	_ =	shalt  }
0x51: {  	_ =	shalt  }
0x52: {  	_ =	shalt  }
0x53: {  	_ =	shalt  }
0x54: {  	_ =	shalt  }
0x55: {  	_ =	shalt  }
0x56: {  	_ =	shalt  }
0x57: {  	_ =	shalt  }
0x58: {  	_ =	shalt  }
0x59: {  	_ =	shalt  }
0x5a: {  	_ =	shalt  }
0x5b: {  	_ =	shalt  }
0x5c: {  	_ =	shalt  }
0x5d: {  	_ =	shalt  }
0x5e: {  	_ =	shalt  }
0x5f: {  	_ =	shalt  }
0x60: {  	_ =	shalt  }
0x61: {  	_ =	shalt  }
0x62: {  	_ =	shalt  }
0x63: {  	_ =	shalt  }
0x64: {  	_ =	shalt  }
0x65: {  	_ =	shalt  }
0x66: {  	_ =	shalt  }
0x67: {  	_ =	shalt  }
0x68: {  	_ =	shalt  }
0x69: {  	_ =	shalt  }
0x6a: {  	_ =	shalt  }
0x6b: {  	_ =	shalt  }
0x6c: {  	_ =	shalt  }
0x6d: {  	_ =	shalt  }
0x6e: {  	_ =	shalt  }
0x6f: {  	_ =	shalt  }
0x70: {  	_ =	shalt  }
0x71: {  	_ =	shalt  }
0x72: {  	_ =	shalt  }
0x73: {  	_ =	shalt  }
0x74: {  	_ =	shalt  }
0x75: {  	_ =	shalt  }
0x76: {  	_ =	shalt  }
0x77: {  	_ =	shalt  }
0x78: {  	_ =	shalt  }
0x79: {  	_ =	shalt  }
0x7a: {  	_ =	shalt  }
0x7b: {  	_ =	shalt  }
0x7c: {  	_ =	shalt  }
0x7d: {  	_ =	shalt  }
0x7e: {  	_ =	shalt  }
0x7f: {  	_ =	shalt  }
0x80: {  	_ =	shalt  }
0x81: {  	_ =	shalt  }
0x82: {  	_ =	shalt  }
0x83: {  	_ =	shalt  }
0x84: {  	_ =	shalt  }
0x85: {  	_ =	shalt  }
0x86: {  	_ =	shalt  }
0x87: {  	_ =	shalt  }
.Lfunc_end0:
.L_simem_size_0:
called_computation.7_lowered:
.L_overlay_start_0:
0x88: {  	s2 =	sld [smem:$0x3FD9]  }
0x89: {  	s3 =	sld [smem:$0x3FFE];
	_ =	sdelay $0x1  }
0x8a: {  	s1 =	srdreg.scid  }
0x8b: {  	s0 =	sand.u32 $0x1, s1  }
0x8c: {  	s17 =	sshll.u32 s0, $0xA;
	s2 =	sadd.s32 s3, s2  }
0x8d: {  	s2 =	sadd.s32 s2, s17  }
0x8e: {  	[smem:$0x3FB8] =	sst s2  }
0x8f: {  	_ = 	snop  }
0x90: {  	(tm) =	ssettm $0x1  }
0x91: {  	s18 =	sld [smem:$0x3FFB];
	_ =	sdelay $0x3  }
0x92: {  	_ =	strace s18  }
0x93: {  	s2 =	sld [smem:$0x3FFC];
	_ =	sdelay $0x3  }
0x94: {  	_ =	strace s2  }
0x95: {  	s2 =	sld [smem:$0x3FFD];
	_ =	sdelay $0x3  }
0x96: {  	_ =	strace s2  }
0x97: {  	_ =	strace $0x8FFFFFFF  }
0x98: {  	s19 =	sld [smem:$0x3FDB];
	_ =	sdelay $0x1  }
0x99: {  	s20 =	simm.s32 $_scs_section_size  }
0x9a: {  	s4 =	simm.s32 $_size__tile_overlayer_lowered;
	s5 =	simm.s32 $_tile_overlayer_lowered  }
0x9b: {  	s6 =	simm.s32 $0x1BFF;
	s21 =	sshll.u32 s5, $0x1;
	s3 =	sadd.s32 s20, s19  }
0x9c: {  	s22 =	simm.s32 $0x0;
	s4 =	sshll.u32 s4, $0x1;
	s5 =	sadd.s32 s21, s3  }
0x9d: {  	[timem:s22], [sflag:s6] =	dma.local [hbm:s5], s4  }
0x9e: {  	_ =	swait.ge [sflag:s6], s4  }
0x9f: {  	s4 =	ssub.s32 $0x0, s4;
	[sflag:s6] =	ssyncset.done $0x0  }
0xa0: {  	[sflag:s6] =	ssyncadd.s32 s4;
	_ =	sdelay $0x1  }
0xa1: {  	s23 =	simm.s32 $0x1B8B  }
0xa2: {  	_ =	swait.ge [sflag:s23], $0x1  }
0xa3: {  	[sflag:s23] =	ssyncset.done $0x0  }
0xa4: {  	[sflag:s23] =	ssyncadd.s32 $0xFFFFFFFF  }
0xa5: {  	s4 =	sld [smem:$0x0]  }
0xa6: {  	s5 =	sand.u32 $0xFFFFFFFE, s1  }
0xa7: {  	p0 =	sne.s32 s1, s5  }
0xa8: {  	s5 =	sshll.u32 @p0 s5, $0xE  }
0xa9: {  	s5 =	sadd.s32 @p0 $0x11B8D, s5;
	s6 =	sshll.u32 @p0 s4, $0x11  }
0xaa: {  	s5 =	sor.u32 @p0 s6, s5  }
0xab: {  	[sflag:s5] =	ssyncadd.remote.s32 @p0 $0x1;
	_ =	sdelay $0x1  }
0xac: {  	s5 =	simm.s32 @p0 $0x1B8D  }
0xad: {  	_ =	swait.eq @p0 [sflag:s5], $0x1  }
0xae: {  	[sflag:s5] =	ssyncadd.s32 @p0 $0xFFFFFFFF  }
0xaf: {  	s6 =	sshll.u32 @!p0 s1, $0xE  }
0xb0: {  	s6 =	sor.u32 @!p0 $0x4000, s6;
	s5 =	simm.s32 @!p0 $0x1B8D  }
0xb1: {  	s4 =	sshll.u32 @!p0 s4, $0x11;
	s6 =	sadd.s32 @!p0 $0x11B8D, s6;
	_ =	swait.eq @!p0 [sflag:s5], $0x1  }
0xb2: {  	s4 =	sor.u32 @!p0 s4, s6;
	[sflag:s5] =	ssyncadd.s32 @!p0 $0xFFFFFFFF  }
0xb3: {  	s25 =	simm.s32 $0x1B8E;
	s24 =	sld [smem:$0x3FFE];
	[sflag:s4] =	ssyncadd.remote.s32 @!p0 $0x1  }
0xb4: {  	s26 =	simm.s32 $execute0_lowered;
	[smem:$0x3FD2] =	sst s25  }
0xb5: {  	s5 =	sshll.u32 s26, $0x1;
	_ =	strace $0x8000005B;
	[dreg:$0x1] =	wrdreg $0xFFFFFFFF  }
0xb6: {  	s28 =	simm.s32 $_size_execute0_lowered;
	s3 =	sadd.s32 s3, s5;
	[dreg:$0x0] =	wrdreg $0x0  }
0xb7: {  	s5 =	sshll.u32 s28, $0x1;
	[dreg:$0x2] =	wrdreg s3  }
0xb8: {  	[dreg:$0x3] =	wrdreg s5  }
0xb9: {  	[dreg:$0x4] =	wrdreg $0xC0  }
0xba: {  	_ =	task [dreg:s22], $0x5FFFF  }
0xbb: {  	[dreg:$0x1] =	wrdreg $0xFFFFFFFF  }
0xbc: {  	[dreg:$0x0] =	wrdreg $0x60  }
0xbd: {  	[dreg:$0x2] =	wrdreg s24  }
0xbe: {  	[dreg:$0x3] =	wrdreg $0x12000  }
0xbf: {  	[dreg:$0x4] =	wrdreg $0x9  }
0xc0: {  	_ =	task.clear_ibuf [dreg:s22], $0x5FFFF;
	_ =	strace $0x9000005B  }
0xc1: {  	s29 =	simm.s32 $0x9;
	_ =	strace $0x8000005D  }
0xc2: {  	_ =	swait.ge [sflag:s29], $0x1  }
0xc3: {  	[sflag:s29] =	ssyncadd.s32 $0xFFFFFFFF  }
0xc4: {  	_ =	strace $0x9000005D  }
0xc5: {  	_ =	sfence  }
0xc6: {  	s30 =	sld [smem:$0x0];
	_ =	sdelay $0x2  }
0xc7: {  	s31 =	sshll.u32 s1, $0xD;
	s1 =	sshrl.u32 s1, $0x2  }
0xc8: {  	s4 =	sand.u32 $0x4000, s31;
	s1 =	sadd.s32 s1, s30  }
0xc9: {  	s0 =	sor.u32 s4, s0;
	s1 =	sshll.u32 s1, $0x11  }
0xca: {  	s0 =	sor.u32 s1, s0  }
0xcb: {  	s0 =	sadd.s32 $0x8F2B, s0  }
0xcc: {  	[sflag:s0] =	ssyncadd.remote.s32 $0x1  }
0xcd: {  	_ =	sfence.sel $0xFFFF  }
0xce: {  	[dreg:$0x0] =	wrdreg $0xFFFFFFFF;
	(pc) =	sbr.abs _section_cstart, $3  }
0xcf: {  	[dreg:$0x1] =	wrdreg $0xFFFFFFFF  }
0xd0: {  	_ =	task.clear_ibuf [dreg:s22], $0x2FFFF;
	_ =	strace $0x9FFFFFFF  }
0xd1: {  	(tm) =	ssettm $0x7FFFFFFF  }
tec
execute0_lowered:
.L_overlay_start_1:
0x0: {  	(tag) =	ssettag $0x1  }
0x1: {  	s0 =	stileid.u32;
	s6 =	rddreg [dreg:$0x0]  }
0x2: {  	s1 =	srdreg.scid;
	s2 =	rddreg [dreg:$0x1];
	s3 =	simm.s32 $0x0  }
0x3: {  	s14 =	simm.s32 $0x0;
	s5 =	sand.u32 $0x1, s1;
	s7 =	smul.u32 $0x2800, s0  }
0x4: {  	s28 =	sshll.u32 s0, $0x1;
	[smem:$0x7FF] =	sst s3;
	s8 =	smul.u32 $0x28000, s5  }
0x5: {  	s31 =	sshll.u32 s0, $0x6;
	s1 =	sor.u32 s5, s28;
	s13 =	smul.u32 $0x1400, s5  }
0x6: {  	s11 =	ssub.s32 $0x2, s5;
	s4 =	smul.u32 $0xA00, s1;
	s1 =	rddreg [dreg:$0x2]  }
0x7: {  	_ =	strace $0x8000005C;
	s9 =	sadd.s32 s7, s6;
	s12 =	sshrl.u32 s11, $0x1  }
0x8: {  	s30 =	sadd.s32 s7, s2;
	s8 =	sadd.s32 s7, s8;
	s29 =	ssub.s32 s11, s12  }
0x9: {  	s9 =	sadd.s32 s13, s9;
	s11 =	sshrl.u32 s30, $0x3;
	s12 =	simm.s32 $0xA00  }
0xa: {  	s13 =	simm.s32 $0x80;
	s4 =	sshrl.u32 s4, $0x3;
	s8 =	sshrl.u32 s8, $0x3  }
0xb: {  	s7 =	smax.u32 s29, $0x1;
	s10 =	sadd.s32 s4, s6;
	s4 =	sadd.s32 $0x3E400, s6  }
0xc: {  	s6 =	sadd.s32 s8, s6;
	s8 =	sadd.s32 $0x5F200, s9;
	s9 =	simm.s32 $0x1  }
0xd: {  	s5 =	sadd.s32 $0x52A00, s10;
	s6 =	sadd.s32 $0x3EA00, s6;
	s10 =	sor.u32 $0x1C01, s31  }
.LBB2_1:
0xe: {  	[tilespmem:s3], [sflag:$0x1] =	stream.linear.gather [hbm4b:s5+s3], $0xA00, $0x38;
	[tilespmem:$0x3A00] =	vst v63  }
0xf: {  	_ =	swait.ge [sflag:s9], $0xA00  }
0x10: {  	[sflag:s9] =	ssyncset.done $0x0  }
0x11: {  	[sflag:s9] =	ssyncadd.s32 $0xFFFFF600  }
0x12: {  	[spmem:s11], [sflag:s10] =	dma.local [hbm:s4], $0x500  }
0x13: {  	_ =	swait.ge [sflag:s9], $0x500  }
0x14: {  	[sflag:s9] =	ssyncset.done $0x0  }
0x15: {  	[sflag:s9] =	ssyncadd.s32 $0xFFFFFB00  }
0x16: {  	s15 =	sadd.s32 $0x0, s8;
	[bflag:$0x0] =	sbarrier.arrive $0xFFFF  }
0x17: {  	[tilespmem:s12], [sflag:$0x1] =	stream.linear.gather [hbm4b:s15+s3], $0x800, $0x38;
	[tilespmem:$0x3A00] =	vst v63  }
0x18: {  	_ =	swait.ge [sflag:s9], $0x800  }
0x19: {  	[sflag:s9] =	ssyncset.done $0x0  }
0x1a: {  	[sflag:s9] =	ssyncadd.s32 $0xFFFFF800  }
0x1b: {  	[spmem:s2] =	stream.indirect.scatter.add.f32 [tilespmem:s12], [sflag:$0x1], $0x10, s3, s13, $0xb8;
	[tilespmem:$0x3A00] =	vst v63  }
0x1c: {  	s16 =	simm.s32 $0x100;
	_ =	swait.ge [sflag:s9], $0x800  }
0x1d: {  	s17 =	simm.s32 $0x200;
	s15 =	simm.s32 $0x80;
	[sflag:s9] =	ssyncset.done $0x0  }
.LBB2_2:
0x1e: {  	s18 =	sadd.s32 s16, s8  }
0x1f: {  	[sflag:s9] =	ssyncadd.s32 $0xFFFFF800;
	s16 =	smov.u32 s17;
	s19 =	sadd.s32 $0x100, s17  }
0x20: {  	[tilespmem:s12], [sflag:$0x1] =	stream.linear.gather [hbm4b:s18+s3], $0x800, $0x38;
	[tilespmem:$0x3A00] =	vst v63  }
0x21: {  	p0 =	sne.s32 s17, $0x1300;
	_ =	swait.ge [sflag:s9], $0x800  }
.Ltmp0:
0x22: {  	[sflag:s9] =	ssyncset.done $0x0;
	(pc) =	sbr.rel @p0 .LBB2_2-.Ltmp0, $4  }
0x23: {  	[sflag:s9] =	ssyncadd.s32 $0xFFFFF800  }
0x24: {  	[spmem:s2] =	stream.indirect.scatter.add.f32 [tilespmem:s12], [sflag:$0x1], $0x10, s15, s13, $0xb8;
	[tilespmem:$0x3A00] =	vst v63  }
0x25: {  	_ =	swait.ge [sflag:s9], $0x800  }
0x26: {  	s17 =	smov.u32 s19;
	s15 =	sadd.s32 $0x80, s15;
	[sflag:s9] =	ssyncset.done $0x0  }
0x27: {  	s16 =	sadd.s32 s16, s8;
	[sflag:s9] =	ssyncadd.s32 $0xFFFFF800  }
0x28: {  	[tilespmem:s12], [sflag:$0x1] =	stream.linear.gather [hbm4b:s16+s3], $0x800, $0x38;
	[tilespmem:$0x3A00] =	vst v63  }
0x29: {  	_ =	swait.ge [sflag:s9], $0x800  }
0x2a: {  	[sflag:s9] =	ssyncset.done $0x0  }
0x2b: {  	[sflag:s9] =	ssyncadd.s32 $0xFFFFF800  }
0x2c: {  	[spmem:s2] =	stream.indirect.scatter.add.f32 [tilespmem:s12], [sflag:$0x1], $0x10, s15, s13, $0xb8;
	[tilespmem:$0x3A00] =	vst v63  }
0x2d: {  	_ =	swait.ge [sflag:s9], $0x800  }
0x2e: {  	s14 =	sadd.s32 $0x1, s14;
	[sflag:s9] =	ssyncset.done $0x0  }
0x2f: {  	p0 =	sne.s32 s14, s7;
	[sflag:s9] =	ssyncadd.s32 $0xFFFFF800  }
.Ltmp1:
0x30: {  	[bflag:$0x0] =	sbarrier.arrive $0xFFFF;
	(pc) =	sbr.rel @p0 .LBB2_1-.Ltmp1, $4  }
0x31: {  	[hbm:s6], [sflag:s10] =	dma.local [spmem:s11], $0x500  }
0x32: {  	_ =	swait.ge [sflag:s9], $0x500  }
0x33: {  	[sflag:s9] =	ssyncset.done $0x0  }
0x34: {  	[sflag:s9] =	ssyncadd.s32 $0xFFFFFB00  }
0x35: {  	_ =	sfence.sel $0x180000  }
0x36: {  	[bflag:$0x0] =	sbarrier.arrive $0xFFFF  }
0x37: {  	p0 =	sne.s32 s0, $0x0;
	_ =	strace $0x9000005C  }
0x38: {  	s0 =	sadd.s32 @!p0 $0x100000, s1;
	[bflag:$0x2] =	sbarrier.arrive $0xFFFF  }
0x39: {  	[sflag:s0] =	ssyncadd.tile.s32 @!p0 $0x1;
	_ =	shalt  }
.Lfunc_end2:
_tile_overlayer_lowered:
.L_overlay_start_2:
0x3a: {  	(tag) =	ssettag $0x2  }
0x3b: {  	s0 =	rddreg [dreg:$0x0];
	s2 =	stileid.u32  }
0x3c: {  	s1 =	rddreg [dreg:$0x1];
	p0 =	sne.s32 s2, $0x0  }
0x3d: {  	s3 =	rddreg [dreg:$0x2];
	[bflag:$0x3] =	sbarrier.arrive $0xFFFF;
	s2 =	simm.s32 @!p0 $0x1C01  }
0x3e: {  	[timem:s3], [sflag:s2] =	dma.local @!p0 [hbm:s0], s1  }
0x3f: {  	s0 =	simm.s32 @!p0 $0x1  }
0x40: {  	_ =	swait.ge @!p0 [sflag:s0], s1  }
0x41: {  	s1 =	ssub.s32 @!p0 $0x0, s1;
	[sflag:s0] =	ssyncset.done @!p0 $0x0  }
0x42: {  	[sflag:s0] =	ssyncadd.s32 @!p0 s1  }
0x43: {  	[bflag:$0x3] =	sbarrier.arrive $0xFFFF  }
0x44: {  	_ =	shalt  }

</sc_bundles>
